<compile_context>
chip_gen: v7x
topology: tpu7x:2x2x1
jax: 0.10.2.dev20260603
libtpu: 0.0.44.dev20260713+nightly
codegen_flags: <defaults>
</compile_context>

<pallas_src>
import functools

import jax
import jax.numpy as jnp
from jax import lax
from jax.experimental import pallas as pl
from jax.experimental.pallas import tpu as pltpu
from jax.experimental.pallas import tpu_sc as plsc

R, C = 8192, 4096
NUM_WORKERS = 32
ROWS_PER_WORKER = R // NUM_WORKERS
GROUP = 16
N_GROUPS = ROWS_PER_WORKER // GROUP
C_CHUNK = 1024
N_CHUNKS = C // C_CHUNK
STEPS = N_GROUPS * N_CHUNKS

_mesh = plsc.VectorSubcoreMesh(core_axis_name="c", subcore_axis_name="s")


@functools.partial(
    pl.kernel,
    out_type=jax.ShapeDtypeStruct((R, C), jnp.float32),
    mesh=_mesh,
    scratch_types=[
        pltpu.VMEM((GROUP, C_CHUNK), jnp.float32),
        pltpu.VMEM((GROUP, C_CHUNK), jnp.float32),
        pltpu.VMEM((GROUP, C_CHUNK), jnp.float32),
        pltpu.VMEM((GROUP, C_CHUNK), jnp.float32),
        pltpu.SemaphoreType.DMA,
        pltpu.SemaphoreType.DMA,
        pltpu.SemaphoreType.DMA,
        pltpu.SemaphoreType.DMA,
    ],
    compiler_params=pltpu.CompilerParams(needs_layout_passes=False),
)
def _cumsum_sc(x_hbm, out_hbm, inb0, inb1, outb0, outb1,
               isem0, isem1, osem0, osem1):
    wid = lax.axis_index("s") * 2 + lax.axis_index("c")
    row0 = wid * ROWS_PER_WORKER
    inbs, outbs = [inb0, inb1], [outb0, outb1]
    isems, osems = [isem0, isem1], [osem0, osem1]

    def hbm_slices(t):
        g = t // N_CHUNKS
        cc = t % N_CHUNKS
        r = row0 + g * GROUP
        c0 = cc * C_CHUNK
        return (x_hbm.at[pl.ds(r, GROUP), pl.ds(c0, C_CHUNK)],
                out_hbm.at[pl.ds(r, GROUP), pl.ds(c0, C_CHUNK)],
                cc)

    for b in range(2):
        src, _, _ = hbm_slices(b)
        pltpu.async_copy(src, inbs[b], isems[b])

    def step_body(u, s):
        for b in range(2):
            t = 2 * u + b
            src, dst, cc = hbm_slices(t)
            pltpu.make_async_copy(src, inbs[b], isems[b]).wait()

            @pl.when(t >= 2)
            def _():
                pltpu.make_async_copy(outbs[b], dst, osems[b]).wait()

            s = tuple(jnp.where(cc == 0, jnp.float32(0), sr) for sr in s)

            halves = []
            for h in range(2):
                def vec_body(v, carries, h=h):
                    c0 = v * 16
                    new = []
                    for r in range(8 * h, 8 * h + 8):
                        xv = inbs[b][r, pl.ds(c0, 16)]
                        yv = plsc.cumsum(xv) + jnp.full((16,), carries[r - 8 * h])
                        outbs[b][r, pl.ds(c0, 16)] = yv
                        new.append(carries[r - 8 * h] + jnp.sum(xv))
                    return tuple(new)

                halves.append(plsc.parallel_loop(
                    0, C_CHUNK // 16, 1, unroll=4,
                    carry=s[8 * h:8 * h + 8],
                )(vec_body))
            s = halves[0] + halves[1]
            pltpu.async_copy(outbs[b], dst, osems[b])

            @pl.when(t + 2 < STEPS)
            def _():
                src2, _, _ = hbm_slices(t + 2)
                pltpu.async_copy(src2, inbs[b], isems[b])
        return s

    lax.fori_loop(0, STEPS // 2, step_body,
                  tuple(jnp.float32(0) for _ in range(GROUP)))

    for b in range(2):
        _, dst, _ = hbm_slices(STEPS - 2 + b)
        pltpu.make_async_copy(outbs[b], dst, osems[b]).wait()


def kernel(x):
    return _cumsum_sc(x)

# --- scband reference (transcript-rebuilt; emitter-appended) ---
"""Pipeline reference for scband-model-new-23656679867335 (READ-ONLY COPY).

The authoritative reference and input builder live on the scoring server;
editing this copy changes nothing except your own understanding.
"""

import jax, jax.numpy as jnp
import numpy as np


def setup_inputs(seed: int = 0) -> dict:
    key = jax.random.key(seed)
    x = jax.random.normal(key, (8192, 4096), dtype=jnp.float32)
    return {"x": x}


def reference(x):
    # Row-wise cumulative sum along dim=1, matching the CUDA prefix-scan kernel.
    return jnp.cumsum(x, axis=1)

if __name__ == "__main__":
    import jax
    _d = setup_inputs()
    print(jax.jit(kernel)(*tuple(_d.values())))

</pallas_src>

<mosaic_0001>
#map = affine_map<(d0, d1) -> (0, 0)>
module attributes {stable_mosaic.version = 14 : i64} {
  func.func @_cumsum_sc(%arg0: i32, %arg1: i32, %arg2: memref<8192x4096xf32, #tpu.memory_space<hbm>>, %arg3: memref<8192x4096xf32, #tpu.memory_space<hbm>>, %arg4: memref<16x1024xf32, #tpu.memory_space<vmem>>, %arg5: memref<16x1024xf32, #tpu.memory_space<vmem>>, %arg6: memref<16x1024xf32, #tpu.memory_space<vmem>>, %arg7: memref<16x1024xf32, #tpu.memory_space<vmem>>, %arg8: memref<!tpu.dma_semaphore, #tpu.memory_space<semaphore_mem>>, %arg9: memref<!tpu.dma_semaphore, #tpu.memory_space<semaphore_mem>>, %arg10: memref<!tpu.dma_semaphore, #tpu.memory_space<semaphore_mem>>, %arg11: memref<!tpu.dma_semaphore, #tpu.memory_space<semaphore_mem>>) attributes {dimension_semantics = [#tpu.dimension_semantics<core_parallel>, #tpu.dimension_semantics<subcore_parallel>], iteration_bounds = array<i64: 2, 16>, scalar_prefetch = 0 : i64, scratch_operands = 8 : i64, tpu.core_type = #tpu.core_type<sc_vector_subcore>, window_params = [{transform_indices = #map}, {transform_indices = #map}]} {
    %mul3A = arith.constant 2 : i32
    %mul3A_0 = arith.muli %arg1, %mul3A : i32
    %add3A = arith.addi %mul3A_0, %arg0 : i32
    %mul3A_1 = arith.constant 256 : i32
    %mul3A_2 = arith.muli %add3A, %mul3A_1 : i32
    %add3A_3 = arith.constant 0 : i32
    %add3A_4 = arith.addi %mul3A_2, %add3A_3 : i32
    %dma_start3A = arith.constant 0 : i32
    %dma_start3A_5 = tpu.memref_slice %arg2[%add3A_4, %dma_start3A] : memref<8192x4096xf32, #tpu.memory_space<hbm>> -> memref<16x1024xf32, #tpu.memory_space<hbm>>
    %dma_start3A_6 = arith.constant 0 : i32
    %dma_start3A_7 = tpu.memref_slice %arg2[%add3A_4, %dma_start3A_6] : memref<8192x4096xf32, #tpu.memory_space<hbm>> -> memref<16x1024xf32, #tpu.memory_space<hbm>>
    tpu.enqueue_dma source(%dma_start3A_7 : memref<16x1024xf32, #tpu.memory_space<hbm>>) target(%arg4 : memref<16x1024xf32, #tpu.memory_space<vmem>>) target_semaphore(%arg8 : memref<!tpu.dma_semaphore, #tpu.memory_space<semaphore_mem>>)
    %add3A_8 = arith.constant 0 : i32
    %add3A_9 = arith.addi %mul3A_2, %add3A_8 : i32
    %dma_start3A_10 = arith.constant 1024 : i32
    %dma_start3A_11 = tpu.memref_slice %arg2[%add3A_9, %dma_start3A_10] : memref<8192x4096xf32, #tpu.memory_space<hbm>> -> memref<16x1024xf32, #tpu.memory_space<hbm>>
    %dma_start3A_12 = arith.constant 1024 : i32
    %dma_start3A_13 = tpu.memref_slice %arg2[%add3A_9, %dma_start3A_12] : memref<8192x4096xf32, #tpu.memory_space<hbm>> -> memref<16x1024xf32, #tpu.memory_space<hbm>>
    tpu.enqueue_dma source(%dma_start3A_13 : memref<16x1024xf32, #tpu.memory_space<hbm>>) target(%arg5 : memref<16x1024xf32, #tpu.memory_space<vmem>>) target_semaphore(%arg9 : memref<!tpu.dma_semaphore, #tpu.memory_space<semaphore_mem>>)
    %scan3A = arith.constant 0.000000e+00 : f32
    %scan3A_14 = arith.constant 0.000000e+00 : f32
    %scan3A_15 = arith.constant 0.000000e+00 : f32
    %scan3A_16 = arith.constant 0.000000e+00 : f32
    %scan3A_17 = arith.constant 0.000000e+00 : f32
    %scan3A_18 = arith.constant 0.000000e+00 : f32
    %scan3A_19 = arith.constant 0.000000e+00 : f32
    %scan3A_20 = arith.constant 0.000000e+00 : f32
    %scan3A_21 = arith.constant 0.000000e+00 : f32
    %scan3A_22 = arith.constant 0.000000e+00 : f32
    %scan3A_23 = arith.constant 0.000000e+00 : f32
    %scan3A_24 = arith.constant 0.000000e+00 : f32
    %scan3A_25 = arith.constant 0.000000e+00 : f32
    %scan3A_26 = arith.constant 0.000000e+00 : f32
    %scan3A_27 = arith.constant 0.000000e+00 : f32
    %scan3A_28 = arith.constant 0.000000e+00 : f32
    %scan3A_29 = arith.constant 0 : i32
    %scan3A_30 = arith.constant 32 : i32
    %scan3A_31 = arith.addi %scan3A_29, %scan3A_30 : i32
    %scan3A_32 = arith.constant 1 : i32
    %scan3A_33:16 = scf.for %scan3A_46 = %scan3A_29 to %scan3A_31 step %scan3A_32 iter_args(%scan3A_47 = %scan3A, %scan3A_48 = %scan3A_14, %scan3A_49 = %scan3A_15, %scan3A_50 = %scan3A_16, %scan3A_51 = %scan3A_17, %scan3A_52 = %scan3A_18, %scan3A_53 = %scan3A_19, %scan3A_54 = %scan3A_20, %scan3A_55 = %scan3A_21, %scan3A_56 = %scan3A_22, %scan3A_57 = %scan3A_23, %scan3A_58 = %scan3A_24, %scan3A_59 = %scan3A_25, %scan3A_60 = %scan3A_26, %scan3A_61 = %scan3A_27, %scan3A_62 = %scan3A_28) -> (f32, f32, f32, f32, f32, f32, f32, f32, f32, f32, f32, f32, f32, f32, f32, f32)  : i32 {
      %mul3A_63 = arith.constant 2 : i32
      %mul3A_64 = arith.muli %mul3A_63, %scan3A_46 : i32
      %add3A_65 = arith.constant 0 : i32
      %add3A_66 = arith.addi %mul3A_64, %add3A_65 : i32
      %jit3A = arith.constant 4 : i32
      %div3A = arith.divsi %add3A_66, %jit3A : i32
      %sign3A = arith.constant 0 : i32
      %sign3A_67 = arith.cmpi sgt, %add3A_66, %sign3A : i32
      %sign3A_68 = arith.extui %sign3A_67 : i1 to i32
      %sign3A_69 = arith.constant 0 : i32
      %sign3A_70 = arith.cmpi slt, %add3A_66, %sign3A_69 : i32
      %sign3A_71 = arith.extui %sign3A_70 : i1 to i32
      %sign3A_72 = arith.subi %sign3A_68, %sign3A_71 : i32
      %sign3A_73 = arith.constant 0 : i32
      %sign3A_74 = arith.cmpi sgt, %jit3A, %sign3A_73 : i32
      %sign3A_75 = arith.extui %sign3A_74 : i1 to i32
      %sign3A_76 = arith.constant 0 : i32
      %sign3A_77 = arith.cmpi slt, %jit3A, %sign3A_76 : i32
      %sign3A_78 = arith.extui %sign3A_77 : i1 to i32
      %sign3A_79 = arith.subi %sign3A_75, %sign3A_78 : i32
      %ne3A = arith.cmpi ne, %sign3A_72, %sign3A_79 : i32
      %rem3A = arith.remsi %add3A_66, %jit3A : i32
      %ne3A_80 = arith.constant 0 : i32
      %ne3A_81 = arith.cmpi ne, %rem3A, %ne3A_80 : i32
      %and3A = arith.andi %ne3A, %ne3A_81 : i1
      %sub3A = arith.constant 1 : i32
      %sub3A_82 = arith.subi %div3A, %sub3A : i32
      %select_n3A = arith.select %and3A, %sub3A_82, %div3A : i32
      %jit3A_83 = arith.constant 4 : i32
      %eq3A = arith.constant 0 : i32
      %eq3A_84 = arith.cmpi eq, %jit3A_83, %eq3A : i32
      %jit3A_85 = arith.constant 1 : i32
      %select_n3A_86 = arith.select %eq3A_84, %jit3A_85, %jit3A_83 : i32
      %rem3A_87 = arith.remsi %add3A_66, %select_n3A_86 : i32
      %ne3A_88 = arith.constant 0 : i32
      %ne3A_89 = arith.cmpi ne, %rem3A_87, %ne3A_88 : i32
      %lt3A = arith.constant 0 : i32
      %lt3A_90 = arith.cmpi slt, %rem3A_87, %lt3A : i32
      %lt3A_91 = arith.constant 0 : i32
      %lt3A_92 = arith.cmpi slt, %select_n3A_86, %lt3A_91 : i32
      %ne3A_93 = arith.xori %lt3A_90, %lt3A_92 : i1
      %and3A_94 = arith.andi %ne3A_93, %ne3A_89 : i1
      %add3A_95 = arith.addi %rem3A_87, %select_n3A_86 : i32
      %select_n3A_96 = arith.select %and3A_94, %add3A_95, %rem3A_87 : i32
      %mul3A_97 = arith.constant 16 : i32
      %mul3A_98 = arith.muli %select_n3A, %mul3A_97 : i32
      %add3A_99 = arith.addi %mul3A_2, %mul3A_98 : i32
      %mul3A_100 = arith.constant 1024 : i32
      %mul3A_101 = arith.muli %select_n3A_96, %mul3A_100 : i32
      %dma_wait3A_102 = tpu.memref_slice %arg2[%add3A_99, %mul3A_101] : memref<8192x4096xf32, #tpu.memory_space<hbm>> -> memref<16x1024xf32, #tpu.memory_space<hbm>>
      %dma_wait3A_103 = tpu.memref_slice %arg2[%add3A_99, %mul3A_101] : memref<8192x4096xf32, #tpu.memory_space<hbm>> -> memref<16x1024xf32, #tpu.memory_space<hbm>>
      tpu.wait_dma2 semaphore(%arg8 : memref<!tpu.dma_semaphore, #tpu.memory_space<semaphore_mem>>) src(%dma_wait3A_103 : memref<16x1024xf32, #tpu.memory_space<hbm>>) dst(%arg4 : memref<16x1024xf32, #tpu.memory_space<vmem>>)
      %ge3A = arith.constant 2 : i32
      %ge3A_104 = arith.cmpi sge, %add3A_66, %ge3A : i32
      %convert_element_type3A = arith.extui %ge3A_104 : i1 to i32
      %cond3A = arith.constant 0 : i32
      %cond3A_105 = arith.cmpi ne, %convert_element_type3A, %cond3A : i32
      scf.if %cond3A_105 {
        %dma_wait3A_323 = tpu.memref_slice %arg3[%add3A_99, %mul3A_101] : memref<8192x4096xf32, #tpu.memory_space<hbm>> -> memref<16x1024xf32, #tpu.memory_space<hbm>>
        %dma_wait3A_324 = tpu.memref_slice %arg3[%add3A_99, %mul3A_101] : memref<8192x4096xf32, #tpu.memory_space<hbm>> -> memref<16x1024xf32, #tpu.memory_space<hbm>>
        tpu.wait_dma2 semaphore(%arg10 : memref<!tpu.dma_semaphore, #tpu.memory_space<semaphore_mem>>) src(%arg6 : memref<16x1024xf32, #tpu.memory_space<vmem>>) dst(%dma_wait3A_324 : memref<16x1024xf32, #tpu.memory_space<hbm>>)
      } else {
      }
      %eq3A_106 = arith.constant 0 : i32
      %eq3A_107 = arith.cmpi eq, %select_n3A_96, %eq3A_106 : i32
      %jit3A_108 = arith.constant 0.000000e+00 : f32
      %select_n3A_109 = arith.select %eq3A_107, %jit3A_108, %scan3A_47 : f32
      %eq3A_110 = arith.constant 0 : i32
      %eq3A_111 = arith.cmpi eq, %select_n3A_96, %eq3A_110 : i32
      %jit3A_112 = arith.constant 0.000000e+00 : f32
      %select_n3A_113 = arith.select %eq3A_111, %jit3A_112, %scan3A_48 : f32
      %eq3A_114 = arith.constant 0 : i32
      %eq3A_115 = arith.cmpi eq, %select_n3A_96, %eq3A_114 : i32
      %jit3A_116 = arith.constant 0.000000e+00 : f32
      %select_n3A_117 = arith.select %eq3A_115, %jit3A_116, %scan3A_49 : f32
      %eq3A_118 = arith.constant 0 : i32
      %eq3A_119 = arith.cmpi eq, %select_n3A_96, %eq3A_118 : i32
      %jit3A_120 = arith.constant 0.000000e+00 : f32
      %select_n3A_121 = arith.select %eq3A_119, %jit3A_120, %scan3A_50 : f32
      %eq3A_122 = arith.constant 0 : i32
      %eq3A_123 = arith.cmpi eq, %select_n3A_96, %eq3A_122 : i32
      %jit3A_124 = arith.constant 0.000000e+00 : f32
      %select_n3A_125 = arith.select %eq3A_123, %jit3A_124, %scan3A_51 : f32
      %eq3A_126 = arith.constant 0 : i32
      %eq3A_127 = arith.cmpi eq, %select_n3A_96, %eq3A_126 : i32
      %jit3A_128 = arith.constant 0.000000e+00 : f32
      %select_n3A_129 = arith.select %eq3A_127, %jit3A_128, %scan3A_52 : f32
      %eq3A_130 = arith.constant 0 : i32
      %eq3A_131 = arith.cmpi eq, %select_n3A_96, %eq3A_130 : i32
      %jit3A_132 = arith.constant 0.000000e+00 : f32
      %select_n3A_133 = arith.select %eq3A_131, %jit3A_132, %scan3A_53 : f32
      %eq3A_134 = arith.constant 0 : i32
      %eq3A_135 = arith.cmpi eq, %select_n3A_96, %eq3A_134 : i32
      %jit3A_136 = arith.constant 0.000000e+00 : f32
      %select_n3A_137 = arith.select %eq3A_135, %jit3A_136, %scan3A_54 : f32
      %eq3A_138 = arith.constant 0 : i32
      %eq3A_139 = arith.cmpi eq, %select_n3A_96, %eq3A_138 : i32
      %jit3A_140 = arith.constant 0.000000e+00 : f32
      %select_n3A_141 = arith.select %eq3A_139, %jit3A_140, %scan3A_55 : f32
      %eq3A_142 = arith.constant 0 : i32
      %eq3A_143 = arith.cmpi eq, %select_n3A_96, %eq3A_142 : i32
      %jit3A_144 = arith.constant 0.000000e+00 : f32
      %select_n3A_145 = arith.select %eq3A_143, %jit3A_144, %scan3A_56 : f32
      %eq3A_146 = arith.constant 0 : i32
      %eq3A_147 = arith.cmpi eq, %select_n3A_96, %eq3A_146 : i32
      %jit3A_148 = arith.constant 0.000000e+00 : f32
      %select_n3A_149 = arith.select %eq3A_147, %jit3A_148, %scan3A_57 : f32
      %eq3A_150 = arith.constant 0 : i32
      %eq3A_151 = arith.cmpi eq, %select_n3A_96, %eq3A_150 : i32
      %jit3A_152 = arith.constant 0.000000e+00 : f32
      %select_n3A_153 = arith.select %eq3A_151, %jit3A_152, %scan3A_58 : f32
      %eq3A_154 = arith.constant 0 : i32
      %eq3A_155 = arith.cmpi eq, %select_n3A_96, %eq3A_154 : i32
      %jit3A_156 = arith.constant 0.000000e+00 : f32
      %select_n3A_157 = arith.select %eq3A_155, %jit3A_156, %scan3A_59 : f32
      %eq3A_158 = arith.constant 0 : i32
      %eq3A_159 = arith.cmpi eq, %select_n3A_96, %eq3A_158 : i32
      %jit3A_160 = arith.constant 0.000000e+00 : f32
      %select_n3A_161 = arith.select %eq3A_159, %jit3A_160, %scan3A_60 : f32
      %eq3A_162 = arith.constant 0 : i32
      %eq3A_163 = arith.cmpi eq, %select_n3A_96, %eq3A_162 : i32
      %jit3A_164 = arith.constant 0.000000e+00 : f32
      %select_n3A_165 = arith.select %eq3A_163, %jit3A_164, %scan3A_61 : f32
      %eq3A_166 = arith.constant 0 : i32
      %eq3A_167 = arith.cmpi eq, %select_n3A_96, %eq3A_166 : i32
      %jit3A_168 = arith.constant 0.000000e+00 : f32
      %select_n3A_169 = arith.select %eq3A_167, %jit3A_168, %scan3A_62 : f32
      %parallel_loop3A = arith.constant 0 : i32
      %parallel_loop3A_170 = arith.constant 64 : i32
      %parallel_loop3A_171 = arith.constant 1 : i32
      %parallel_loop3A_172:8 = scf.for %parallel_loop3A_323 = %parallel_loop3A to %parallel_loop3A_170 step %parallel_loop3A_171 iter_args(%parallel_loop3A_324 = %select_n3A_109, %parallel_loop3A_325 = %select_n3A_113, %parallel_loop3A_326 = %select_n3A_117, %parallel_loop3A_327 = %select_n3A_121, %parallel_loop3A_328 = %select_n3A_125, %parallel_loop3A_329 = %select_n3A_129, %parallel_loop3A_330 = %select_n3A_133, %parallel_loop3A_331 = %select_n3A_137) -> (f32, f32, f32, f32, f32, f32, f32, f32)  : i32 {
        %parallel_loop3A_332 = arith.constant 16 : i32
        %parallel_loop3A_333 = arith.muli %parallel_loop3A_323, %parallel_loop3A_332 : i32
        %parallel_loop3A_334 = arith.constant 0 : i32
        %parallel_loop3A_335 = arith.index_cast %parallel_loop3A_334 : i32 to index
        %parallel_loop3A_336 = arith.index_cast %parallel_loop3A_333 : i32 to index
        %parallel_loop3A_337 = tpu.vector_load %arg4[%parallel_loop3A_335, %parallel_loop3A_336] {strides = array<i32>} : memref<16x1024xf32, #tpu.memory_space<vmem>>, vector<16xf32>,
        %parallel_loop3A_338 = arith.constant true
        %parallel_loop3A_339 = vector.broadcast %parallel_loop3A_338 : i1 to vector<16xi1>
        %parallel_loop3A_340 = tpu.scan <sum>, %parallel_loop3A_337 masked %parallel_loop3A_339 : vector<16xf32>, vector<16xi1> -> vector<16xf32>
        %parallel_loop3A_341 = vector.broadcast %parallel_loop3A_324 : f32 to vector<16xf32>
        %parallel_loop3A_342 = arith.addf %parallel_loop3A_340, %parallel_loop3A_341 : vector<16xf32>
        %parallel_loop3A_343 = arith.constant 0 : i32
        %parallel_loop3A_344 = arith.index_cast %parallel_loop3A_343 : i32 to index
        %parallel_loop3A_345 = arith.index_cast %parallel_loop3A_333 : i32 to index
        %parallel_loop3A_346 = tpu.vector_load %arg6[%parallel_loop3A_344, %parallel_loop3A_345] {strides = array<i32>} : memref<16x1024xf32, #tpu.memory_space<vmem>>, vector<16xf32>,
        tpu.vector_store %arg6[%parallel_loop3A_344, %parallel_loop3A_345], %parallel_loop3A_342 {strides = array<i32>} : memref<16x1024xf32, #tpu.memory_space<vmem>>, vector<16xf32>,
        %parallel_loop3A_347 = arith.constant true
        %parallel_loop3A_348 = vector.broadcast %parallel_loop3A_347 : i1 to vector<16xi1>
        %parallel_loop3A_349 = tpu.scan <sum>, %parallel_loop3A_337 masked %parallel_loop3A_348 : vector<16xf32>, vector<16xi1> -> vector<16xf32>
        %parallel_loop3A_350 = vector.extract %parallel_loop3A_349[15] : f32 from vector<16xf32>
        %parallel_loop3A_351 = arith.addf %parallel_loop3A_324, %parallel_loop3A_350 : f32
        %parallel_loop3A_352 = arith.constant 1 : i32
        %parallel_loop3A_353 = arith.index_cast %parallel_loop3A_352 : i32 to index
        %parallel_loop3A_354 = arith.index_cast %parallel_loop3A_333 : i32 to index
        %parallel_loop3A_355 = tpu.vector_load %arg4[%parallel_loop3A_353, %parallel_loop3A_354] {strides = array<i32>} : memref<16x1024xf32, #tpu.memory_space<vmem>>, vector<16xf32>,
        %parallel_loop3A_356 = arith.constant true
        %parallel_loop3A_357 = vector.broadcast %parallel_loop3A_356 : i1 to vector<16xi1>
        %parallel_loop3A_358 = tpu.scan <sum>, %parallel_loop3A_355 masked %parallel_loop3A_357 : vector<16xf32>, vector<16xi1> -> vector<16xf32>
        %parallel_loop3A_359 = vector.broadcast %parallel_loop3A_325 : f32 to vector<16xf32>
        %parallel_loop3A_360 = arith.addf %parallel_loop3A_358, %parallel_loop3A_359 : vector<16xf32>
        %parallel_loop3A_361 = arith.constant 1 : i32
        %parallel_loop3A_362 = arith.index_cast %parallel_loop3A_361 : i32 to index
        %parallel_loop3A_363 = arith.index_cast %parallel_loop3A_333 : i32 to index
        %parallel_loop3A_364 = tpu.vector_load %arg6[%parallel_loop3A_362, %parallel_loop3A_363] {strides = array<i32>} : memref<16x1024xf32, #tpu.memory_space<vmem>>, vector<16xf32>,
        tpu.vector_store %arg6[%parallel_loop3A_362, %parallel_loop3A_363], %parallel_loop3A_360 {strides = array<i32>} : memref<16x1024xf32, #tpu.memory_space<vmem>>, vector<16xf32>,
        %parallel_loop3A_365 = arith.constant true
        %parallel_loop3A_366 = vector.broadcast %parallel_loop3A_365 : i1 to vector<16xi1>
        %parallel_loop3A_367 = tpu.scan <sum>, %parallel_loop3A_355 masked %parallel_loop3A_366 : vector<16xf32>, vector<16xi1> -> vector<16xf32>
        %parallel_loop3A_368 = vector.extract %parallel_loop3A_367[15] : f32 from vector<16xf32>
        %parallel_loop3A_369 = arith.addf %parallel_loop3A_325, %parallel_loop3A_368 : f32
        %parallel_loop3A_370 = arith.constant 2 : i32
        %parallel_loop3A_371 = arith.index_cast %parallel_loop3A_370 : i32 to index
        %parallel_loop3A_372 = arith.index_cast %parallel_loop3A_333 : i32 to index
        %parallel_loop3A_373 = tpu.vector_load %arg4[%parallel_loop3A_371, %parallel_loop3A_372] {strides = array<i32>} : memref<16x1024xf32, #tpu.memory_space<vmem>>, vector<16xf32>,
        %parallel_loop3A_374 = arith.constant true
        %parallel_loop3A_375 = vector.broadcast %parallel_loop3A_374 : i1 to vector<16xi1>
        %parallel_loop3A_376 = tpu.scan <sum>, %parallel_loop3A_373 masked %parallel_loop3A_375 : vector<16xf32>, vector<16xi1> -> vector<16xf32>
        %parallel_loop3A_377 = vector.broadcast %parallel_loop3A_326 : f32 to vector<16xf32>
        %parallel_loop3A_378 = arith.addf %parallel_loop3A_376, %parallel_loop3A_377 : vector<16xf32>
        %parallel_loop3A_379 = arith.constant 2 : i32
        %parallel_loop3A_380 = arith.index_cast %parallel_loop3A_379 : i32 to index
        %parallel_loop3A_381 = arith.index_cast %parallel_loop3A_333 : i32 to index
        %parallel_loop3A_382 = tpu.vector_load %arg6[%parallel_loop3A_380, %parallel_loop3A_381] {strides = array<i32>} : memref<16x1024xf32, #tpu.memory_space<vmem>>, vector<16xf32>,
        tpu.vector_store %arg6[%parallel_loop3A_380, %parallel_loop3A_381], %parallel_loop3A_378 {strides = array<i32>} : memref<16x1024xf32, #tpu.memory_space<vmem>>, vector<16xf32>,
        %parallel_loop3A_383 = arith.constant true
        %parallel_loop3A_384 = vector.broadcast %parallel_loop3A_383 : i1 to vector<16xi1>
        %parallel_loop3A_385 = tpu.scan <sum>, %parallel_loop3A_373 masked %parallel_loop3A_384 : vector<16xf32>, vector<16xi1> -> vector<16xf32>
        %parallel_loop3A_386 = vector.extract %parallel_loop3A_385[15] : f32 from vector<16xf32>
        %parallel_loop3A_387 = arith.addf %parallel_loop3A_326, %parallel_loop3A_386 : f32
        %parallel_loop3A_388 = arith.constant 3 : i32
        %parallel_loop3A_389 = arith.index_cast %parallel_loop3A_388 : i32 to index
        %parallel_loop3A_390 = arith.index_cast %parallel_loop3A_333 : i32 to index
        %parallel_loop3A_391 = tpu.vector_load %arg4[%parallel_loop3A_389, %parallel_loop3A_390] {strides = array<i32>} : memref<16x1024xf32, #tpu.memory_space<vmem>>, vector<16xf32>,
        %parallel_loop3A_392 = arith.constant true
        %parallel_loop3A_393 = vector.broadcast %parallel_loop3A_392 : i1 to vector<16xi1>
        %parallel_loop3A_394 = tpu.scan <sum>, %parallel_loop3A_391 masked %parallel_loop3A_393 : vector<16xf32>, vector<16xi1> -> vector<16xf32>
        %parallel_loop3A_395 = vector.broadcast %parallel_loop3A_327 : f32 to vector<16xf32>
        %parallel_loop3A_396 = arith.addf %parallel_loop3A_394, %parallel_loop3A_395 : vector<16xf32>
        %parallel_loop3A_397 = arith.constant 3 : i32
        %parallel_loop3A_398 = arith.index_cast %parallel_loop3A_397 : i32 to index
        %parallel_loop3A_399 = arith.index_cast %parallel_loop3A_333 : i32 to index
        %parallel_loop3A_400 = tpu.vector_load %arg6[%parallel_loop3A_398, %parallel_loop3A_399] {strides = array<i32>} : memref<16x1024xf32, #tpu.memory_space<vmem>>, vector<16xf32>,
        tpu.vector_store %arg6[%parallel_loop3A_398, %parallel_loop3A_399], %parallel_loop3A_396 {strides = array<i32>} : memref<16x1024xf32, #tpu.memory_space<vmem>>, vector<16xf32>,
        %parallel_loop3A_401 = arith.constant true
        %parallel_loop3A_402 = vector.broadcast %parallel_loop3A_401 : i1 to vector<16xi1>
        %parallel_loop3A_403 = tpu.scan <sum>, %parallel_loop3A_391 masked %parallel_loop3A_402 : vector<16xf32>, vector<16xi1> -> vector<16xf32>
        %parallel_loop3A_404 = vector.extract %parallel_loop3A_403[15] : f32 from vector<16xf32>
        %parallel_loop3A_405 = arith.addf %parallel_loop3A_327, %parallel_loop3A_404 : f32
        %parallel_loop3A_406 = arith.constant 4 : i32
        %parallel_loop3A_407 = arith.index_cast %parallel_loop3A_406 : i32 to index
        %parallel_loop3A_408 = arith.index_cast %parallel_loop3A_333 : i32 to index
        %parallel_loop3A_409 = tpu.vector_load %arg4[%parallel_loop3A_407, %parallel_loop3A_408] {strides = array<i32>} : memref<16x1024xf32, #tpu.memory_space<vmem>>, vector<16xf32>,
        %parallel_loop3A_410 = arith.constant true
        %parallel_loop3A_411 = vector.broadcast %parallel_loop3A_410 : i1 to vector<16xi1>
        %parallel_loop3A_412 = tpu.scan <sum>, %parallel_loop3A_409 masked %parallel_loop3A_411 : vector<16xf32>, vector<16xi1> -> vector<16xf32>
        %parallel_loop3A_413 = vector.broadcast %parallel_loop3A_328 : f32 to vector<16xf32>
        %parallel_loop3A_414 = arith.addf %parallel_loop3A_412, %parallel_loop3A_413 : vector<16xf32>
        %parallel_loop3A_415 = arith.constant 4 : i32
        %parallel_loop3A_416 = arith.index_cast %parallel_loop3A_415 : i32 to index
        %parallel_loop3A_417 = arith.index_cast %parallel_loop3A_333 : i32 to index
        %parallel_loop3A_418 = tpu.vector_load %arg6[%parallel_loop3A_416, %parallel_loop3A_417] {strides = array<i32>} : memref<16x1024xf32, #tpu.memory_space<vmem>>, vector<16xf32>,
        tpu.vector_store %arg6[%parallel_loop3A_416, %parallel_loop3A_417], %parallel_loop3A_414 {strides = array<i32>} : memref<16x1024xf32, #tpu.memory_space<vmem>>, vector<16xf32>,
        %parallel_loop3A_419 = arith.constant true
        %parallel_loop3A_420 = vector.broadcast %parallel_loop3A_419 : i1 to vector<16xi1>
        %parallel_loop3A_421 = tpu.scan <sum>, %parallel_loop3A_409 masked %parallel_loop3A_420 : vector<16xf32>, vector<16xi1> -> vector<16xf32>
        %parallel_loop3A_422 = vector.extract %parallel_loop3A_421[15] : f32 from vector<16xf32>
        %parallel_loop3A_423 = arith.addf %parallel_loop3A_328, %parallel_loop3A_422 : f32
        %parallel_loop3A_424 = arith.constant 5 : i32
        %parallel_loop3A_425 = arith.index_cast %parallel_loop3A_424 : i32 to index
        %parallel_loop3A_426 = arith.index_cast %parallel_loop3A_333 : i32 to index
        %parallel_loop3A_427 = tpu.vector_load %arg4[%parallel_loop3A_425, %parallel_loop3A_426] {strides = array<i32>} : memref<16x1024xf32, #tpu.memory_space<vmem>>, vector<16xf32>,
        %parallel_loop3A_428 = arith.constant true
        %parallel_loop3A_429 = vector.broadcast %parallel_loop3A_428 : i1 to vector<16xi1>
        %parallel_loop3A_430 = tpu.scan <sum>, %parallel_loop3A_427 masked %parallel_loop3A_429 : vector<16xf32>, vector<16xi1> -> vector<16xf32>
        %parallel_loop3A_431 = vector.broadcast %parallel_loop3A_329 : f32 to vector<16xf32>
        %parallel_loop3A_432 = arith.addf %parallel_loop3A_430, %parallel_loop3A_431 : vector<16xf32>
        %parallel_loop3A_433 = arith.constant 5 : i32
        %parallel_loop3A_434 = arith.index_cast %parallel_loop3A_433 : i32 to index
        %parallel_loop3A_435 = arith.index_cast %parallel_loop3A_333 : i32 to index
        %parallel_loop3A_436 = tpu.vector_load %arg6[%parallel_loop3A_434, %parallel_loop3A_435] {strides = array<i32>} : memref<16x1024xf32, #tpu.memory_space<vmem>>, vector<16xf32>,
        tpu.vector_store %arg6[%parallel_loop3A_434, %parallel_loop3A_435], %parallel_loop3A_432 {strides = array<i32>} : memref<16x1024xf32, #tpu.memory_space<vmem>>, vector<16xf32>,
        %parallel_loop3A_437 = arith.constant true
        %parallel_loop3A_438 = vector.broadcast %parallel_loop3A_437 : i1 to vector<16xi1>
        %parallel_loop3A_439 = tpu.scan <sum>, %parallel_loop3A_427 masked %parallel_loop3A_438 : vector<16xf32>, vector<16xi1> -> vector<16xf32>
        %parallel_loop3A_440 = vector.extract %parallel_loop3A_439[15] : f32 from vector<16xf32>
        %parallel_loop3A_441 = arith.addf %parallel_loop3A_329, %parallel_loop3A_440 : f32
        %parallel_loop3A_442 = arith.constant 6 : i32
        %parallel_loop3A_443 = arith.index_cast %parallel_loop3A_442 : i32 to index
        %parallel_loop3A_444 = arith.index_cast %parallel_loop3A_333 : i32 to index
        %parallel_loop3A_445 = tpu.vector_load %arg4[%parallel_loop3A_443, %parallel_loop3A_444] {strides = array<i32>} : memref<16x1024xf32, #tpu.memory_space<vmem>>, vector<16xf32>,
        %parallel_loop3A_446 = arith.constant true
        %parallel_loop3A_447 = vector.broadcast %parallel_loop3A_446 : i1 to vector<16xi1>
        %parallel_loop3A_448 = tpu.scan <sum>, %parallel_loop3A_445 masked %parallel_loop3A_447 : vector<16xf32>, vector<16xi1> -> vector<16xf32>
        %parallel_loop3A_449 = vector.broadcast %parallel_loop3A_330 : f32 to vector<16xf32>
        %parallel_loop3A_450 = arith.addf %parallel_loop3A_448, %parallel_loop3A_449 : vector<16xf32>
        %parallel_loop3A_451 = arith.constant 6 : i32
        %parallel_loop3A_452 = arith.index_cast %parallel_loop3A_451 : i32 to index
        %parallel_loop3A_453 = arith.index_cast %parallel_loop3A_333 : i32 to index
        %parallel_loop3A_454 = tpu.vector_load %arg6[%parallel_loop3A_452, %parallel_loop3A_453] {strides = array<i32>} : memref<16x1024xf32, #tpu.memory_space<vmem>>, vector<16xf32>,
        tpu.vector_store %arg6[%parallel_loop3A_452, %parallel_loop3A_453], %parallel_loop3A_450 {strides = array<i32>} : memref<16x1024xf32, #tpu.memory_space<vmem>>, vector<16xf32>,
        %parallel_loop3A_455 = arith.constant true
        %parallel_loop3A_456 = vector.broadcast %parallel_loop3A_455 : i1 to vector<16xi1>
        %parallel_loop3A_457 = tpu.scan <sum>, %parallel_loop3A_445 masked %parallel_loop3A_456 : vector<16xf32>, vector<16xi1> -> vector<16xf32>
        %parallel_loop3A_458 = vector.extract %parallel_loop3A_457[15] : f32 from vector<16xf32>
        %parallel_loop3A_459 = arith.addf %parallel_loop3A_330, %parallel_loop3A_458 : f32
        %parallel_loop3A_460 = arith.constant 7 : i32
        %parallel_loop3A_461 = arith.index_cast %parallel_loop3A_460 : i32 to index
        %parallel_loop3A_462 = arith.index_cast %parallel_loop3A_333 : i32 to index
        %parallel_loop3A_463 = tpu.vector_load %arg4[%parallel_loop3A_461, %parallel_loop3A_462] {strides = array<i32>} : memref<16x1024xf32, #tpu.memory_space<vmem>>, vector<16xf32>,
        %parallel_loop3A_464 = arith.constant true
        %parallel_loop3A_465 = vector.broadcast %parallel_loop3A_464 : i1 to vector<16xi1>
        %parallel_loop3A_466 = tpu.scan <sum>, %parallel_loop3A_463 masked %parallel_loop3A_465 : vector<16xf32>, vector<16xi1> -> vector<16xf32>
        %parallel_loop3A_467 = vector.broadcast %parallel_loop3A_331 : f32 to vector<16xf32>
        %parallel_loop3A_468 = arith.addf %parallel_loop3A_466, %parallel_loop3A_467 : vector<16xf32>
        %parallel_loop3A_469 = arith.constant 7 : i32
        %parallel_loop3A_470 = arith.index_cast %parallel_loop3A_469 : i32 to index
        %parallel_loop3A_471 = arith.index_cast %parallel_loop3A_333 : i32 to index
        %parallel_loop3A_472 = tpu.vector_load %arg6[%parallel_loop3A_470, %parallel_loop3A_471] {strides = array<i32>} : memref<16x1024xf32, #tpu.memory_space<vmem>>, vector<16xf32>,
        tpu.vector_store %arg6[%parallel_loop3A_470, %parallel_loop3A_471], %parallel_loop3A_468 {strides = array<i32>} : memref<16x1024xf32, #tpu.memory_space<vmem>>, vector<16xf32>,
        %parallel_loop3A_473 = arith.constant true
        %parallel_loop3A_474 = vector.broadcast %parallel_loop3A_473 : i1 to vector<16xi1>
        %parallel_loop3A_475 = tpu.scan <sum>, %parallel_loop3A_463 masked %parallel_loop3A_474 : vector<16xf32>, vector<16xi1> -> vector<16xf32>
        %parallel_loop3A_476 = vector.extract %parallel_loop3A_475[15] : f32 from vector<16xf32>
        %parallel_loop3A_477 = arith.addf %parallel_loop3A_331, %parallel_loop3A_476 : f32
        scf.yield %parallel_loop3A_351, %parallel_loop3A_369, %parallel_loop3A_387, %parallel_loop3A_405, %parallel_loop3A_423, %parallel_loop3A_441, %parallel_loop3A_459, %parallel_loop3A_477 : f32, f32, f32, f32, f32, f32, f32, f32
      } {sc.loop_unroll_factor = 4 : i64, sc.parallel_access}
      %parallel_loop3A_173 = arith.constant 0 : i32
      %parallel_loop3A_174 = arith.constant 64 : i32
      %parallel_loop3A_175 = arith.constant 1 : i32
      %parallel_loop3A_176:8 = scf.for %parallel_loop3A_323 = %parallel_loop3A_173 to %parallel_loop3A_174 step %parallel_loop3A_175 iter_args(%parallel_loop3A_324 = %select_n3A_141, %parallel_loop3A_325 = %select_n3A_145, %parallel_loop3A_326 = %select_n3A_149, %parallel_loop3A_327 = %select_n3A_153, %parallel_loop3A_328 = %select_n3A_157, %parallel_loop3A_329 = %select_n3A_161, %parallel_loop3A_330 = %select_n3A_165, %parallel_loop3A_331 = %select_n3A_169) -> (f32, f32, f32, f32, f32, f32, f32, f32)  : i32 {
        %parallel_loop3A_332 = arith.constant 16 : i32
        %parallel_loop3A_333 = arith.muli %parallel_loop3A_323, %parallel_loop3A_332 : i32
        %parallel_loop3A_334 = arith.constant 8 : i32
        %parallel_loop3A_335 = arith.index_cast %parallel_loop3A_334 : i32 to index
        %parallel_loop3A_336 = arith.index_cast %parallel_loop3A_333 : i32 to index
        %parallel_loop3A_337 = tpu.vector_load %arg4[%parallel_loop3A_335, %parallel_loop3A_336] {strides = array<i32>} : memref<16x1024xf32, #tpu.memory_space<vmem>>, vector<16xf32>,
        %parallel_loop3A_338 = arith.constant true
        %parallel_loop3A_339 = vector.broadcast %parallel_loop3A_338 : i1 to vector<16xi1>
        %parallel_loop3A_340 = tpu.scan <sum>, %parallel_loop3A_337 masked %parallel_loop3A_339 : vector<16xf32>, vector<16xi1> -> vector<16xf32>
        %parallel_loop3A_341 = vector.broadcast %parallel_loop3A_324 : f32 to vector<16xf32>
        %parallel_loop3A_342 = arith.addf %parallel_loop3A_340, %parallel_loop3A_341 : vector<16xf32>
        %parallel_loop3A_343 = arith.constant 8 : i32
        %parallel_loop3A_344 = arith.index_cast %parallel_loop3A_343 : i32 to index
        %parallel_loop3A_345 = arith.index_cast %parallel_loop3A_333 : i32 to index
        %parallel_loop3A_346 = tpu.vector_load %arg6[%parallel_loop3A_344, %parallel_loop3A_345] {strides = array<i32>} : memref<16x1024xf32, #tpu.memory_space<vmem>>, vector<16xf32>,
        tpu.vector_store %arg6[%parallel_loop3A_344, %parallel_loop3A_345], %parallel_loop3A_342 {strides = array<i32>} : memref<16x1024xf32, #tpu.memory_space<vmem>>, vector<16xf32>,
        %parallel_loop3A_347 = arith.constant true
        %parallel_loop3A_348 = vector.broadcast %parallel_loop3A_347 : i1 to vector<16xi1>
        %parallel_loop3A_349 = tpu.scan <sum>, %parallel_loop3A_337 masked %parallel_loop3A_348 : vector<16xf32>, vector<16xi1> -> vector<16xf32>
        %parallel_loop3A_350 = vector.extract %parallel_loop3A_349[15] : f32 from vector<16xf32>
        %parallel_loop3A_351 = arith.addf %parallel_loop3A_324, %parallel_loop3A_350 : f32
        %parallel_loop3A_352 = arith.constant 9 : i32
        %parallel_loop3A_353 = arith.index_cast %parallel_loop3A_352 : i32 to index
        %parallel_loop3A_354 = arith.index_cast %parallel_loop3A_333 : i32 to index
        %parallel_loop3A_355 = tpu.vector_load %arg4[%parallel_loop3A_353, %parallel_loop3A_354] {strides = array<i32>} : memref<16x1024xf32, #tpu.memory_space<vmem>>, vector<16xf32>,
        %parallel_loop3A_356 = arith.constant true
        %parallel_loop3A_357 = vector.broadcast %parallel_loop3A_356 : i1 to vector<16xi1>
        %parallel_loop3A_358 = tpu.scan <sum>, %parallel_loop3A_355 masked %parallel_loop3A_357 : vector<16xf32>, vector<16xi1> -> vector<16xf32>
        %parallel_loop3A_359 = vector.broadcast %parallel_loop3A_325 : f32 to vector<16xf32>
        %parallel_loop3A_360 = arith.addf %parallel_loop3A_358, %parallel_loop3A_359 : vector<16xf32>
        %parallel_loop3A_361 = arith.constant 9 : i32
        %parallel_loop3A_362 = arith.index_cast %parallel_loop3A_361 : i32 to index
        %parallel_loop3A_363 = arith.index_cast %parallel_loop3A_333 : i32 to index
        %parallel_loop3A_364 = tpu.vector_load %arg6[%parallel_loop3A_362, %parallel_loop3A_363] {strides = array<i32>} : memref<16x1024xf32, #tpu.memory_space<vmem>>, vector<16xf32>,
        tpu.vector_store %arg6[%parallel_loop3A_362, %parallel_loop3A_363], %parallel_loop3A_360 {strides = array<i32>} : memref<16x1024xf32, #tpu.memory_space<vmem>>, vector<16xf32>,
        %parallel_loop3A_365 = arith.constant true
        %parallel_loop3A_366 = vector.broadcast %parallel_loop3A_365 : i1 to vector<16xi1>
        %parallel_loop3A_367 = tpu.scan <sum>, %parallel_loop3A_355 masked %parallel_loop3A_366 : vector<16xf32>, vector<16xi1> -> vector<16xf32>
        %parallel_loop3A_368 = vector.extract %parallel_loop3A_367[15] : f32 from vector<16xf32>
        %parallel_loop3A_369 = arith.addf %parallel_loop3A_325, %parallel_loop3A_368 : f32
        %parallel_loop3A_370 = arith.constant 10 : i32
        %parallel_loop3A_371 = arith.index_cast %parallel_loop3A_370 : i32 to index
        %parallel_loop3A_372 = arith.index_cast %parallel_loop3A_333 : i32 to index
        %parallel_loop3A_373 = tpu.vector_load %arg4[%parallel_loop3A_371, %parallel_loop3A_372] {strides = array<i32>} : memref<16x1024xf32, #tpu.memory_space<vmem>>, vector<16xf32>,
        %parallel_loop3A_374 = arith.constant true
        %parallel_loop3A_375 = vector.broadcast %parallel_loop3A_374 : i1 to vector<16xi1>
        %parallel_loop3A_376 = tpu.scan <sum>, %parallel_loop3A_373 masked %parallel_loop3A_375 : vector<16xf32>, vector<16xi1> -> vector<16xf32>
        %parallel_loop3A_377 = vector.broadcast %parallel_loop3A_326 : f32 to vector<16xf32>
        %parallel_loop3A_378 = arith.addf %parallel_loop3A_376, %parallel_loop3A_377 : vector<16xf32>
        %parallel_loop3A_379 = arith.constant 10 : i32
        %parallel_loop3A_380 = arith.index_cast %parallel_loop3A_379 : i32 to index
        %parallel_loop3A_381 = arith.index_cast %parallel_loop3A_333 : i32 to index
        %parallel_loop3A_382 = tpu.vector_load %arg6[%parallel_loop3A_380, %parallel_loop3A_381] {strides = array<i32>} : memref<16x1024xf32, #tpu.memory_space<vmem>>, vector<16xf32>,
        tpu.vector_store %arg6[%parallel_loop3A_380, %parallel_loop3A_381], %parallel_loop3A_378 {strides = array<i32>} : memref<16x1024xf32, #tpu.memory_space<vmem>>, vector<16xf32>,
        %parallel_loop3A_383 = arith.constant true
        %parallel_loop3A_384 = vector.broadcast %parallel_loop3A_383 : i1 to vector<16xi1>
        %parallel_loop3A_385 = tpu.scan <sum>, %parallel_loop3A_373 masked %parallel_loop3A_384 : vector<16xf32>, vector<16xi1> -> vector<16xf32>
        %parallel_loop3A_386 = vector.extract %parallel_loop3A_385[15] : f32 from vector<16xf32>
        %parallel_loop3A_387 = arith.addf %parallel_loop3A_326, %parallel_loop3A_386 : f32
        %parallel_loop3A_388 = arith.constant 11 : i32
        %parallel_loop3A_389 = arith.index_cast %parallel_loop3A_388 : i32 to index
        %parallel_loop3A_390 = arith.index_cast %parallel_loop3A_333 : i32 to index
        %parallel_loop3A_391 = tpu.vector_load %arg4[%parallel_loop3A_389, %parallel_loop3A_390] {strides = array<i32>} : memref<16x1024xf32, #tpu.memory_space<vmem>>, vector<16xf32>,
        %parallel_loop3A_392 = arith.constant true
        %parallel_loop3A_393 = vector.broadcast %parallel_loop3A_392 : i1 to vector<16xi1>
        %parallel_loop3A_394 = tpu.scan <sum>, %parallel_loop3A_391 masked %parallel_loop3A_393 : vector<16xf32>, vector<16xi1> -> vector<16xf32>
        %parallel_loop3A_395 = vector.broadcast %parallel_loop3A_327 : f32 to vector<16xf32>
        %parallel_loop3A_396 = arith.addf %parallel_loop3A_394, %parallel_loop3A_395 : vector<16xf32>
        %parallel_loop3A_397 = arith.constant 11 : i32
        %parallel_loop3A_398 = arith.index_cast %parallel_loop3A_397 : i32 to index
        %parallel_loop3A_399 = arith.index_cast %parallel_loop3A_333 : i32 to index
        %parallel_loop3A_400 = tpu.vector_load %arg6[%parallel_loop3A_398, %parallel_loop3A_399] {strides = array<i32>} : memref<16x1024xf32, #tpu.memory_space<vmem>>, vector<16xf32>,
        tpu.vector_store %arg6[%parallel_loop3A_398, %parallel_loop3A_399], %parallel_loop3A_396 {strides = array<i32>} : memref<16x1024xf32, #tpu.memory_space<vmem>>, vector<16xf32>,
        %parallel_loop3A_401 = arith.constant true
        %parallel_loop3A_402 = vector.broadcast %parallel_loop3A_401 : i1 to vector<16xi1>
        %parallel_loop3A_403 = tpu.scan <sum>, %parallel_loop3A_391 masked %parallel_loop3A_402 : vector<16xf32>, vector<16xi1> -> vector<16xf32>
        %parallel_loop3A_404 = vector.extract %parallel_loop3A_403[15] : f32 from vector<16xf32>
        %parallel_loop3A_405 = arith.addf %parallel_loop3A_327, %parallel_loop3A_404 : f32
        %parallel_loop3A_406 = arith.constant 12 : i32
        %parallel_loop3A_407 = arith.index_cast %parallel_loop3A_406 : i32 to index
        %parallel_loop3A_408 = arith.index_cast %parallel_loop3A_333 : i32 to index
        %parallel_loop3A_409 = tpu.vector_load %arg4[%parallel_loop3A_407, %parallel_loop3A_408] {strides = array<i32>} : memref<16x1024xf32, #tpu.memory_space<vmem>>, vector<16xf32>,
        %parallel_loop3A_410 = arith.constant true
        %parallel_loop3A_411 = vector.broadcast %parallel_loop3A_410 : i1 to vector<16xi1>
        %parallel_loop3A_412 = tpu.scan <sum>, %parallel_loop3A_409 masked %parallel_loop3A_411 : vector<16xf32>, vector<16xi1> -> vector<16xf32>
        %parallel_loop3A_413 = vector.broadcast %parallel_loop3A_328 : f32 to vector<16xf32>
        %parallel_loop3A_414 = arith.addf %parallel_loop3A_412, %parallel_loop3A_413 : vector<16xf32>
        %parallel_loop3A_415 = arith.constant 12 : i32
        %parallel_loop3A_416 = arith.index_cast %parallel_loop3A_415 : i32 to index
        %parallel_loop3A_417 = arith.index_cast %parallel_loop3A_333 : i32 to index
        %parallel_loop3A_418 = tpu.vector_load %arg6[%parallel_loop3A_416, %parallel_loop3A_417] {strides = array<i32>} : memref<16x1024xf32, #tpu.memory_space<vmem>>, vector<16xf32>,
        tpu.vector_store %arg6[%parallel_loop3A_416, %parallel_loop3A_417], %parallel_loop3A_414 {strides = array<i32>} : memref<16x1024xf32, #tpu.memory_space<vmem>>, vector<16xf32>,
        %parallel_loop3A_419 = arith.constant true
        %parallel_loop3A_420 = vector.broadcast %parallel_loop3A_419 : i1 to vector<16xi1>
        %parallel_loop3A_421 = tpu.scan <sum>, %parallel_loop3A_409 masked %parallel_loop3A_420 : vector<16xf32>, vector<16xi1> -> vector<16xf32>
        %parallel_loop3A_422 = vector.extract %parallel_loop3A_421[15] : f32 from vector<16xf32>
        %parallel_loop3A_423 = arith.addf %parallel_loop3A_328, %parallel_loop3A_422 : f32
        %parallel_loop3A_424 = arith.constant 13 : i32
        %parallel_loop3A_425 = arith.index_cast %parallel_loop3A_424 : i32 to index
        %parallel_loop3A_426 = arith.index_cast %parallel_loop3A_333 : i32 to index
        %parallel_loop3A_427 = tpu.vector_load %arg4[%parallel_loop3A_425, %parallel_loop3A_426] {strides = array<i32>} : memref<16x1024xf32, #tpu.memory_space<vmem>>, vector<16xf32>,
        %parallel_loop3A_428 = arith.constant true
        %parallel_loop3A_429 = vector.broadcast %parallel_loop3A_428 : i1 to vector<16xi1>
        %parallel_loop3A_430 = tpu.scan <sum>, %parallel_loop3A_427 masked %parallel_loop3A_429 : vector<16xf32>, vector<16xi1> -> vector<16xf32>
        %parallel_loop3A_431 = vector.broadcast %parallel_loop3A_329 : f32 to vector<16xf32>
        %parallel_loop3A_432 = arith.addf %parallel_loop3A_430, %parallel_loop3A_431 : vector<16xf32>
        %parallel_loop3A_433 = arith.constant 13 : i32
        %parallel_loop3A_434 = arith.index_cast %parallel_loop3A_433 : i32 to index
        %parallel_loop3A_435 = arith.index_cast %parallel_loop3A_333 : i32 to index
        %parallel_loop3A_436 = tpu.vector_load %arg6[%parallel_loop3A_434, %parallel_loop3A_435] {strides = array<i32>} : memref<16x1024xf32, #tpu.memory_space<vmem>>, vector<16xf32>,
        tpu.vector_store %arg6[%parallel_loop3A_434, %parallel_loop3A_435], %parallel_loop3A_432 {strides = array<i32>} : memref<16x1024xf32, #tpu.memory_space<vmem>>, vector<16xf32>,
        %parallel_loop3A_437 = arith.constant true
        %parallel_loop3A_438 = vector.broadcast %parallel_loop3A_437 : i1 to vector<16xi1>
        %parallel_loop3A_439 = tpu.scan <sum>, %parallel_loop3A_427 masked %parallel_loop3A_438 : vector<16xf32>, vector<16xi1> -> vector<16xf32>
        %parallel_loop3A_440 = vector.extract %parallel_loop3A_439[15] : f32 from vector<16xf32>
        %parallel_loop3A_441 = arith.addf %parallel_loop3A_329, %parallel_loop3A_440 : f32
        %parallel_loop3A_442 = arith.constant 14 : i32
        %parallel_loop3A_443 = arith.index_cast %parallel_loop3A_442 : i32 to index
        %parallel_loop3A_444 = arith.index_cast %parallel_loop3A_333 : i32 to index
        %parallel_loop3A_445 = tpu.vector_load %arg4[%parallel_loop3A_443, %parallel_loop3A_444] {strides = array<i32>} : memref<16x1024xf32, #tpu.memory_space<vmem>>, vector<16xf32>,
        %parallel_loop3A_446 = arith.constant true
        %parallel_loop3A_447 = vector.broadcast %parallel_loop3A_446 : i1 to vector<16xi1>
        %parallel_loop3A_448 = tpu.scan <sum>, %parallel_loop3A_445 masked %parallel_loop3A_447 : vector<16xf32>, vector<16xi1> -> vector<16xf32>
        %parallel_loop3A_449 = vector.broadcast %parallel_loop3A_330 : f32 to vector<16xf32>
        %parallel_loop3A_450 = arith.addf %parallel_loop3A_448, %parallel_loop3A_449 : vector<16xf32>
        %parallel_loop3A_451 = arith.constant 14 : i32
        %parallel_loop3A_452 = arith.index_cast %parallel_loop3A_451 : i32 to index
        %parallel_loop3A_453 = arith.index_cast %parallel_loop3A_333 : i32 to index
        %parallel_loop3A_454 = tpu.vector_load %arg6[%parallel_loop3A_452, %parallel_loop3A_453] {strides = array<i32>} : memref<16x1024xf32, #tpu.memory_space<vmem>>, vector<16xf32>,
        tpu.vector_store %arg6[%parallel_loop3A_452, %parallel_loop3A_453], %parallel_loop3A_450 {strides = array<i32>} : memref<16x1024xf32, #tpu.memory_space<vmem>>, vector<16xf32>,
        %parallel_loop3A_455 = arith.constant true
        %parallel_loop3A_456 = vector.broadcast %parallel_loop3A_455 : i1 to vector<16xi1>
        %parallel_loop3A_457 = tpu.scan <sum>, %parallel_loop3A_445 masked %parallel_loop3A_456 : vector<16xf32>, vector<16xi1> -> vector<16xf32>
        %parallel_loop3A_458 = vector.extract %parallel_loop3A_457[15] : f32 from vector<16xf32>
        %parallel_loop3A_459 = arith.addf %parallel_loop3A_330, %parallel_loop3A_458 : f32
        %parallel_loop3A_460 = arith.constant 15 : i32
        %parallel_loop3A_461 = arith.index_cast %parallel_loop3A_460 : i32 to index
        %parallel_loop3A_462 = arith.index_cast %parallel_loop3A_333 : i32 to index
        %parallel_loop3A_463 = tpu.vector_load %arg4[%parallel_loop3A_461, %parallel_loop3A_462] {strides = array<i32>} : memref<16x1024xf32, #tpu.memory_space<vmem>>, vector<16xf32>,
        %parallel_loop3A_464 = arith.constant true
        %parallel_loop3A_465 = vector.broadcast %parallel_loop3A_464 : i1 to vector<16xi1>
        %parallel_loop3A_466 = tpu.scan <sum>, %parallel_loop3A_463 masked %parallel_loop3A_465 : vector<16xf32>, vector<16xi1> -> vector<16xf32>
        %parallel_loop3A_467 = vector.broadcast %parallel_loop3A_331 : f32 to vector<16xf32>
        %parallel_loop3A_468 = arith.addf %parallel_loop3A_466, %parallel_loop3A_467 : vector<16xf32>
        %parallel_loop3A_469 = arith.constant 15 : i32
        %parallel_loop3A_470 = arith.index_cast %parallel_loop3A_469 : i32 to index
        %parallel_loop3A_471 = arith.index_cast %parallel_loop3A_333 : i32 to index
        %parallel_loop3A_472 = tpu.vector_load %arg6[%parallel_loop3A_470, %parallel_loop3A_471] {strides = array<i32>} : memref<16x1024xf32, #tpu.memory_space<vmem>>, vector<16xf32>,
        tpu.vector_store %arg6[%parallel_loop3A_470, %parallel_loop3A_471], %parallel_loop3A_468 {strides = array<i32>} : memref<16x1024xf32, #tpu.memory_space<vmem>>, vector<16xf32>,
        %parallel_loop3A_473 = arith.constant true
        %parallel_loop3A_474 = vector.broadcast %parallel_loop3A_473 : i1 to vector<16xi1>
        %parallel_loop3A_475 = tpu.scan <sum>, %parallel_loop3A_463 masked %parallel_loop3A_474 : vector<16xf32>, vector<16xi1> -> vector<16xf32>
        %parallel_loop3A_476 = vector.extract %parallel_loop3A_475[15] : f32 from vector<16xf32>
        %parallel_loop3A_477 = arith.addf %parallel_loop3A_331, %parallel_loop3A_476 : f32
        scf.yield %parallel_loop3A_351, %parallel_loop3A_369, %parallel_loop3A_387, %parallel_loop3A_405, %parallel_loop3A_423, %parallel_loop3A_441, %parallel_loop3A_459, %parallel_loop3A_477 : f32, f32, f32, f32, f32, f32, f32, f32
      } {sc.loop_unroll_factor = 4 : i64, sc.parallel_access}
      %dma_start3A_177 = tpu.memref_slice %arg3[%add3A_99, %mul3A_101] : memref<8192x4096xf32, #tpu.memory_space<hbm>> -> memref<16x1024xf32, #tpu.memory_space<hbm>>
      %dma_start3A_178 = tpu.memref_slice %arg3[%add3A_99, %mul3A_101] : memref<8192x4096xf32, #tpu.memory_space<hbm>> -> memref<16x1024xf32, #tpu.memory_space<hbm>>
      tpu.enqueue_dma source(%arg6 : memref<16x1024xf32, #tpu.memory_space<vmem>>) target(%dma_start3A_178 : memref<16x1024xf32, #tpu.memory_space<hbm>>) target_semaphore(%arg10 : memref<!tpu.dma_semaphore, #tpu.memory_space<semaphore_mem>>)
      %add3A_179 = arith.constant 2 : i32
      %add3A_180 = arith.addi %add3A_66, %add3A_179 : i32
      %lt3A_181 = arith.constant 64 : i32
      %lt3A_182 = arith.cmpi slt, %add3A_180, %lt3A_181 : i32
      %convert_element_type3A_183 = arith.extui %lt3A_182 : i1 to i32
      %cond3A_184 = arith.constant 0 : i32
      %cond3A_185 = arith.cmpi ne, %convert_element_type3A_183, %cond3A_184 : i32
      scf.if %cond3A_185 {
        %add3A_323 = arith.constant 2 : i32
        %add3A_324 = arith.addi %add3A_66, %add3A_323 : i32
        %jit3A_325 = arith.constant 4 : i32
        %div3A_326 = arith.divsi %add3A_324, %jit3A_325 : i32
        %sign3A_327 = arith.constant 0 : i32
        %sign3A_328 = arith.cmpi sgt, %add3A_324, %sign3A_327 : i32
        %sign3A_329 = arith.extui %sign3A_328 : i1 to i32
        %sign3A_330 = arith.constant 0 : i32
        %sign3A_331 = arith.cmpi slt, %add3A_324, %sign3A_330 : i32
        %sign3A_332 = arith.extui %sign3A_331 : i1 to i32
        %sign3A_333 = arith.subi %sign3A_329, %sign3A_332 : i32
        %sign3A_334 = arith.constant 0 : i32
        %sign3A_335 = arith.cmpi sgt, %jit3A_325, %sign3A_334 : i32
        %sign3A_336 = arith.extui %sign3A_335 : i1 to i32
        %sign3A_337 = arith.constant 0 : i32
        %sign3A_338 = arith.cmpi slt, %jit3A_325, %sign3A_337 : i32
        %sign3A_339 = arith.extui %sign3A_338 : i1 to i32
        %sign3A_340 = arith.subi %sign3A_336, %sign3A_339 : i32
        %ne3A_341 = arith.cmpi ne, %sign3A_333, %sign3A_340 : i32
        %rem3A_342 = arith.remsi %add3A_324, %jit3A_325 : i32
        %ne3A_343 = arith.constant 0 : i32
        %ne3A_344 = arith.cmpi ne, %rem3A_342, %ne3A_343 : i32
        %and3A_345 = arith.andi %ne3A_341, %ne3A_344 : i1
        %sub3A_346 = arith.constant 1 : i32
        %sub3A_347 = arith.subi %div3A_326, %sub3A_346 : i32
        %select_n3A_348 = arith.select %and3A_345, %sub3A_347, %div3A_326 : i32
        %jit3A_349 = arith.constant 4 : i32
        %eq3A_350 = arith.constant 0 : i32
        %eq3A_351 = arith.cmpi eq, %jit3A_349, %eq3A_350 : i32
        %jit3A_352 = arith.constant 1 : i32
        %select_n3A_353 = arith.select %eq3A_351, %jit3A_352, %jit3A_349 : i32
        %rem3A_354 = arith.remsi %add3A_324, %select_n3A_353 : i32
        %ne3A_355 = arith.constant 0 : i32
        %ne3A_356 = arith.cmpi ne, %rem3A_354, %ne3A_355 : i32
        %lt3A_357 = arith.constant 0 : i32
        %lt3A_358 = arith.cmpi slt, %rem3A_354, %lt3A_357 : i32
        %lt3A_359 = arith.constant 0 : i32
        %lt3A_360 = arith.cmpi slt, %select_n3A_353, %lt3A_359 : i32
        %ne3A_361 = arith.xori %lt3A_358, %lt3A_360 : i1
        %and3A_362 = arith.andi %ne3A_361, %ne3A_356 : i1
        %add3A_363 = arith.addi %rem3A_354, %select_n3A_353 : i32
        %select_n3A_364 = arith.select %and3A_362, %add3A_363, %rem3A_354 : i32
        %mul3A_365 = arith.constant 16 : i32
        %mul3A_366 = arith.muli %select_n3A_348, %mul3A_365 : i32
        %add3A_367 = arith.addi %mul3A_2, %mul3A_366 : i32
        %mul3A_368 = arith.constant 1024 : i32
        %mul3A_369 = arith.muli %select_n3A_364, %mul3A_368 : i32
        %dma_start3A_370 = tpu.memref_slice %arg2[%add3A_367, %mul3A_369] : memref<8192x4096xf32, #tpu.memory_space<hbm>> -> memref<16x1024xf32, #tpu.memory_space<hbm>>
        %dma_start3A_371 = tpu.memref_slice %arg2[%add3A_367, %mul3A_369] : memref<8192x4096xf32, #tpu.memory_space<hbm>> -> memref<16x1024xf32, #tpu.memory_space<hbm>>
        tpu.enqueue_dma source(%dma_start3A_371 : memref<16x1024xf32, #tpu.memory_space<hbm>>) target(%arg4 : memref<16x1024xf32, #tpu.memory_space<vmem>>) target_semaphore(%arg8 : memref<!tpu.dma_semaphore, #tpu.memory_space<semaphore_mem>>)
      } else {
      }
      %mul3A_186 = arith.constant 2 : i32
      %mul3A_187 = arith.muli %mul3A_186, %scan3A_46 : i32
      %add3A_188 = arith.constant 1 : i32
      %add3A_189 = arith.addi %mul3A_187, %add3A_188 : i32
      %jit3A_190 = arith.constant 4 : i32
      %div3A_191 = arith.divsi %add3A_189, %jit3A_190 : i32
      %sign3A_192 = arith.constant 0 : i32
      %sign3A_193 = arith.cmpi sgt, %add3A_189, %sign3A_192 : i32
      %sign3A_194 = arith.extui %sign3A_193 : i1 to i32
      %sign3A_195 = arith.constant 0 : i32
      %sign3A_196 = arith.cmpi slt, %add3A_189, %sign3A_195 : i32
      %sign3A_197 = arith.extui %sign3A_196 : i1 to i32
      %sign3A_198 = arith.subi %sign3A_194, %sign3A_197 : i32
      %sign3A_199 = arith.constant 0 : i32
      %sign3A_200 = arith.cmpi sgt, %jit3A_190, %sign3A_199 : i32
      %sign3A_201 = arith.extui %sign3A_200 : i1 to i32
      %sign3A_202 = arith.constant 0 : i32
      %sign3A_203 = arith.cmpi slt, %jit3A_190, %sign3A_202 : i32
      %sign3A_204 = arith.extui %sign3A_203 : i1 to i32
      %sign3A_205 = arith.subi %sign3A_201, %sign3A_204 : i32
      %ne3A_206 = arith.cmpi ne, %sign3A_198, %sign3A_205 : i32
      %rem3A_207 = arith.remsi %add3A_189, %jit3A_190 : i32
      %ne3A_208 = arith.constant 0 : i32
      %ne3A_209 = arith.cmpi ne, %rem3A_207, %ne3A_208 : i32
      %and3A_210 = arith.andi %ne3A_206, %ne3A_209 : i1
      %sub3A_211 = arith.constant 1 : i32
      %sub3A_212 = arith.subi %div3A_191, %sub3A_211 : i32
      %select_n3A_213 = arith.select %and3A_210, %sub3A_212, %div3A_191 : i32
      %jit3A_214 = arith.constant 4 : i32
      %eq3A_215 = arith.constant 0 : i32
      %eq3A_216 = arith.cmpi eq, %jit3A_214, %eq3A_215 : i32
      %jit3A_217 = arith.constant 1 : i32
      %select_n3A_218 = arith.select %eq3A_216, %jit3A_217, %jit3A_214 : i32
      %rem3A_219 = arith.remsi %add3A_189, %select_n3A_218 : i32
      %ne3A_220 = arith.constant 0 : i32
      %ne3A_221 = arith.cmpi ne, %rem3A_219, %ne3A_220 : i32
      %lt3A_222 = arith.constant 0 : i32
      %lt3A_223 = arith.cmpi slt, %rem3A_219, %lt3A_222 : i32
      %lt3A_224 = arith.constant 0 : i32
      %lt3A_225 = arith.cmpi slt, %select_n3A_218, %lt3A_224 : i32
      %ne3A_226 = arith.xori %lt3A_223, %lt3A_225 : i1
      %and3A_227 = arith.andi %ne3A_226, %ne3A_221 : i1
      %add3A_228 = arith.addi %rem3A_219, %select_n3A_218 : i32
      %select_n3A_229 = arith.select %and3A_227, %add3A_228, %rem3A_219 : i32
      %mul3A_230 = arith.constant 16 : i32
      %mul3A_231 = arith.muli %select_n3A_213, %mul3A_230 : i32
      %add3A_232 = arith.addi %mul3A_2, %mul3A_231 : i32
      %mul3A_233 = arith.constant 1024 : i32
      %mul3A_234 = arith.muli %select_n3A_229, %mul3A_233 : i32
      %dma_wait3A_235 = tpu.memref_slice %arg2[%add3A_232, %mul3A_234] : memref<8192x4096xf32, #tpu.memory_space<hbm>> -> memref<16x1024xf32, #tpu.memory_space<hbm>>
      %dma_wait3A_236 = tpu.memref_slice %arg2[%add3A_232, %mul3A_234] : memref<8192x4096xf32, #tpu.memory_space<hbm>> -> memref<16x1024xf32, #tpu.memory_space<hbm>>
      tpu.wait_dma2 semaphore(%arg9 : memref<!tpu.dma_semaphore, #tpu.memory_space<semaphore_mem>>) src(%dma_wait3A_236 : memref<16x1024xf32, #tpu.memory_space<hbm>>) dst(%arg5 : memref<16x1024xf32, #tpu.memory_space<vmem>>)
      %ge3A_237 = arith.constant 2 : i32
      %ge3A_238 = arith.cmpi sge, %add3A_189, %ge3A_237 : i32
      %convert_element_type3A_239 = arith.extui %ge3A_238 : i1 to i32
      %cond3A_240 = arith.constant 0 : i32
      %cond3A_241 = arith.cmpi ne, %convert_element_type3A_239, %cond3A_240 : i32
      scf.if %cond3A_241 {
        %dma_wait3A_323 = tpu.memref_slice %arg3[%add3A_232, %mul3A_234] : memref<8192x4096xf32, #tpu.memory_space<hbm>> -> memref<16x1024xf32, #tpu.memory_space<hbm>>
        %dma_wait3A_324 = tpu.memref_slice %arg3[%add3A_232, %mul3A_234] : memref<8192x4096xf32, #tpu.memory_space<hbm>> -> memref<16x1024xf32, #tpu.memory_space<hbm>>
        tpu.wait_dma2 semaphore(%arg11 : memref<!tpu.dma_semaphore, #tpu.memory_space<semaphore_mem>>) src(%arg7 : memref<16x1024xf32, #tpu.memory_space<vmem>>) dst(%dma_wait3A_324 : memref<16x1024xf32, #tpu.memory_space<hbm>>)
      } else {
      }
      %eq3A_242 = arith.constant 0 : i32
      %eq3A_243 = arith.cmpi eq, %select_n3A_229, %eq3A_242 : i32
      %jit3A_244 = arith.constant 0.000000e+00 : f32
      %select_n3A_245 = arith.select %eq3A_243, %jit3A_244, %parallel_loop3A_172#0 : f32
      %eq3A_246 = arith.constant 0 : i32
      %eq3A_247 = arith.cmpi eq, %select_n3A_229, %eq3A_246 : i32
      %jit3A_248 = arith.constant 0.000000e+00 : f32
      %select_n3A_249 = arith.select %eq3A_247, %jit3A_248, %parallel_loop3A_172#1 : f32
      %eq3A_250 = arith.constant 0 : i32
      %eq3A_251 = arith.cmpi eq, %select_n3A_229, %eq3A_250 : i32
      %jit3A_252 = arith.constant 0.000000e+00 : f32
      %select_n3A_253 = arith.select %eq3A_251, %jit3A_252, %parallel_loop3A_172#2 : f32
      %eq3A_254 = arith.constant 0 : i32
      %eq3A_255 = arith.cmpi eq, %select_n3A_229, %eq3A_254 : i32
      %jit3A_256 = arith.constant 0.000000e+00 : f32
      %select_n3A_257 = arith.select %eq3A_255, %jit3A_256, %parallel_loop3A_172#3 : f32
      %eq3A_258 = arith.constant 0 : i32
      %eq3A_259 = arith.cmpi eq, %select_n3A_229, %eq3A_258 : i32
      %jit3A_260 = arith.constant 0.000000e+00 : f32
      %select_n3A_261 = arith.select %eq3A_259, %jit3A_260, %parallel_loop3A_172#4 : f32
      %eq3A_262 = arith.constant 0 : i32
      %eq3A_263 = arith.cmpi eq, %select_n3A_229, %eq3A_262 : i32
      %jit3A_264 = arith.constant 0.000000e+00 : f32
      %select_n3A_265 = arith.select %eq3A_263, %jit3A_264, %parallel_loop3A_172#5 : f32
      %eq3A_266 = arith.constant 0 : i32
      %eq3A_267 = arith.cmpi eq, %select_n3A_229, %eq3A_266 : i32
      %jit3A_268 = arith.constant 0.000000e+00 : f32
      %select_n3A_269 = arith.select %eq3A_267, %jit3A_268, %parallel_loop3A_172#6 : f32
      %eq3A_270 = arith.constant 0 : i32
      %eq3A_271 = arith.cmpi eq, %select_n3A_229, %eq3A_270 : i32
      %jit3A_272 = arith.constant 0.000000e+00 : f32
      %select_n3A_273 = arith.select %eq3A_271, %jit3A_272, %parallel_loop3A_172#7 : f32
      %eq3A_274 = arith.constant 0 : i32
      %eq3A_275 = arith.cmpi eq, %select_n3A_229, %eq3A_274 : i32
      %jit3A_276 = arith.constant 0.000000e+00 : f32
      %select_n3A_277 = arith.select %eq3A_275, %jit3A_276, %parallel_loop3A_176#0 : f32
      %eq3A_278 = arith.constant 0 : i32
      %eq3A_279 = arith.cmpi eq, %select_n3A_229, %eq3A_278 : i32
      %jit3A_280 = arith.constant 0.000000e+00 : f32
      %select_n3A_281 = arith.select %eq3A_279, %jit3A_280, %parallel_loop3A_176#1 : f32
      %eq3A_282 = arith.constant 0 : i32
      %eq3A_283 = arith.cmpi eq, %select_n3A_229, %eq3A_282 : i32
      %jit3A_284 = arith.constant 0.000000e+00 : f32
      %select_n3A_285 = arith.select %eq3A_283, %jit3A_284, %parallel_loop3A_176#2 : f32
      %eq3A_286 = arith.constant 0 : i32
      %eq3A_287 = arith.cmpi eq, %select_n3A_229, %eq3A_286 : i32
      %jit3A_288 = arith.constant 0.000000e+00 : f32
      %select_n3A_289 = arith.select %eq3A_287, %jit3A_288, %parallel_loop3A_176#3 : f32
      %eq3A_290 = arith.constant 0 : i32
      %eq3A_291 = arith.cmpi eq, %select_n3A_229, %eq3A_290 : i32
      %jit3A_292 = arith.constant 0.000000e+00 : f32
      %select_n3A_293 = arith.select %eq3A_291, %jit3A_292, %parallel_loop3A_176#4 : f32
      %eq3A_294 = arith.constant 0 : i32
      %eq3A_295 = arith.cmpi eq, %select_n3A_229, %eq3A_294 : i32
      %jit3A_296 = arith.constant 0.000000e+00 : f32
      %select_n3A_297 = arith.select %eq3A_295, %jit3A_296, %parallel_loop3A_176#5 : f32
      %eq3A_298 = arith.constant 0 : i32
      %eq3A_299 = arith.cmpi eq, %select_n3A_229, %eq3A_298 : i32
      %jit3A_300 = arith.constant 0.000000e+00 : f32
      %select_n3A_301 = arith.select %eq3A_299, %jit3A_300, %parallel_loop3A_176#6 : f32
      %eq3A_302 = arith.constant 0 : i32
      %eq3A_303 = arith.cmpi eq, %select_n3A_229, %eq3A_302 : i32
      %jit3A_304 = arith.constant 0.000000e+00 : f32
      %select_n3A_305 = arith.select %eq3A_303, %jit3A_304, %parallel_loop3A_176#7 : f32
      %parallel_loop3A_306 = arith.constant 0 : i32
      %parallel_loop3A_307 = arith.constant 64 : i32
      %parallel_loop3A_308 = arith.constant 1 : i32
      %parallel_loop3A_309:8 = scf.for %parallel_loop3A_323 = %parallel_loop3A_306 to %parallel_loop3A_307 step %parallel_loop3A_308 iter_args(%parallel_loop3A_324 = %select_n3A_245, %parallel_loop3A_325 = %select_n3A_249, %parallel_loop3A_326 = %select_n3A_253, %parallel_loop3A_327 = %select_n3A_257, %parallel_loop3A_328 = %select_n3A_261, %parallel_loop3A_329 = %select_n3A_265, %parallel_loop3A_330 = %select_n3A_269, %parallel_loop3A_331 = %select_n3A_273) -> (f32, f32, f32, f32, f32, f32, f32, f32)  : i32 {
        %parallel_loop3A_332 = arith.constant 16 : i32
        %parallel_loop3A_333 = arith.muli %parallel_loop3A_323, %parallel_loop3A_332 : i32
        %parallel_loop3A_334 = arith.constant 0 : i32
        %parallel_loop3A_335 = arith.index_cast %parallel_loop3A_334 : i32 to index
        %parallel_loop3A_336 = arith.index_cast %parallel_loop3A_333 : i32 to index
        %parallel_loop3A_337 = tpu.vector_load %arg5[%parallel_loop3A_335, %parallel_loop3A_336] {strides = array<i32>} : memref<16x1024xf32, #tpu.memory_space<vmem>>, vector<16xf32>,
        %parallel_loop3A_338 = arith.constant true
        %parallel_loop3A_339 = vector.broadcast %parallel_loop3A_338 : i1 to vector<16xi1>
        %parallel_loop3A_340 = tpu.scan <sum>, %parallel_loop3A_337 masked %parallel_loop3A_339 : vector<16xf32>, vector<16xi1> -> vector<16xf32>
        %parallel_loop3A_341 = vector.broadcast %parallel_loop3A_324 : f32 to vector<16xf32>
        %parallel_loop3A_342 = arith.addf %parallel_loop3A_340, %parallel_loop3A_341 : vector<16xf32>
        %parallel_loop3A_343 = arith.constant 0 : i32
        %parallel_loop3A_344 = arith.index_cast %parallel_loop3A_343 : i32 to index
        %parallel_loop3A_345 = arith.index_cast %parallel_loop3A_333 : i32 to index
        %parallel_loop3A_346 = tpu.vector_load %arg7[%parallel_loop3A_344, %parallel_loop3A_345] {strides = array<i32>} : memref<16x1024xf32, #tpu.memory_space<vmem>>, vector<16xf32>,
        tpu.vector_store %arg7[%parallel_loop3A_344, %parallel_loop3A_345], %parallel_loop3A_342 {strides = array<i32>} : memref<16x1024xf32, #tpu.memory_space<vmem>>, vector<16xf32>,
        %parallel_loop3A_347 = arith.constant true
        %parallel_loop3A_348 = vector.broadcast %parallel_loop3A_347 : i1 to vector<16xi1>
        %parallel_loop3A_349 = tpu.scan <sum>, %parallel_loop3A_337 masked %parallel_loop3A_348 : vector<16xf32>, vector<16xi1> -> vector<16xf32>
        %parallel_loop3A_350 = vector.extract %parallel_loop3A_349[15] : f32 from vector<16xf32>
        %parallel_loop3A_351 = arith.addf %parallel_loop3A_324, %parallel_loop3A_350 : f32
        %parallel_loop3A_352 = arith.constant 1 : i32
        %parallel_loop3A_353 = arith.index_cast %parallel_loop3A_352 : i32 to index
        %parallel_loop3A_354 = arith.index_cast %parallel_loop3A_333 : i32 to index
        %parallel_loop3A_355 = tpu.vector_load %arg5[%parallel_loop3A_353, %parallel_loop3A_354] {strides = array<i32>} : memref<16x1024xf32, #tpu.memory_space<vmem>>, vector<16xf32>,
        %parallel_loop3A_356 = arith.constant true
        %parallel_loop3A_357 = vector.broadcast %parallel_loop3A_356 : i1 to vector<16xi1>
        %parallel_loop3A_358 = tpu.scan <sum>, %parallel_loop3A_355 masked %parallel_loop3A_357 : vector<16xf32>, vector<16xi1> -> vector<16xf32>
        %parallel_loop3A_359 = vector.broadcast %parallel_loop3A_325 : f32 to vector<16xf32>
        %parallel_loop3A_360 = arith.addf %parallel_loop3A_358, %parallel_loop3A_359 : vector<16xf32>
        %parallel_loop3A_361 = arith.constant 1 : i32
        %parallel_loop3A_362 = arith.index_cast %parallel_loop3A_361 : i32 to index
        %parallel_loop3A_363 = arith.index_cast %parallel_loop3A_333 : i32 to index
        %parallel_loop3A_364 = tpu.vector_load %arg7[%parallel_loop3A_362, %parallel_loop3A_363] {strides = array<i32>} : memref<16x1024xf32, #tpu.memory_space<vmem>>, vector<16xf32>,
        tpu.vector_store %arg7[%parallel_loop3A_362, %parallel_loop3A_363], %parallel_loop3A_360 {strides = array<i32>} : memref<16x1024xf32, #tpu.memory_space<vmem>>, vector<16xf32>,
        %parallel_loop3A_365 = arith.constant true
        %parallel_loop3A_366 = vector.broadcast %parallel_loop3A_365 : i1 to vector<16xi1>
        %parallel_loop3A_367 = tpu.scan <sum>, %parallel_loop3A_355 masked %parallel_loop3A_366 : vector<16xf32>, vector<16xi1> -> vector<16xf32>
        %parallel_loop3A_368 = vector.extract %parallel_loop3A_367[15] : f32 from vector<16xf32>
        %parallel_loop3A_369 = arith.addf %parallel_loop3A_325, %parallel_loop3A_368 : f32
        %parallel_loop3A_370 = arith.constant 2 : i32
        %parallel_loop3A_371 = arith.index_cast %parallel_loop3A_370 : i32 to index
        %parallel_loop3A_372 = arith.index_cast %parallel_loop3A_333 : i32 to index
        %parallel_loop3A_373 = tpu.vector_load %arg5[%parallel_loop3A_371, %parallel_loop3A_372] {strides = array<i32>} : memref<16x1024xf32, #tpu.memory_space<vmem>>, vector<16xf32>,
        %parallel_loop3A_374 = arith.constant true
        %parallel_loop3A_375 = vector.broadcast %parallel_loop3A_374 : i1 to vector<16xi1>
        %parallel_loop3A_376 = tpu.scan <sum>, %parallel_loop3A_373 masked %parallel_loop3A_375 : vector<16xf32>, vector<16xi1> -> vector<16xf32>
        %parallel_loop3A_377 = vector.broadcast %parallel_loop3A_326 : f32 to vector<16xf32>
        %parallel_loop3A_378 = arith.addf %parallel_loop3A_376, %parallel_loop3A_377 : vector<16xf32>
        %parallel_loop3A_379 = arith.constant 2 : i32
        %parallel_loop3A_380 = arith.index_cast %parallel_loop3A_379 : i32 to index
        %parallel_loop3A_381 = arith.index_cast %parallel_loop3A_333 : i32 to index
        %parallel_loop3A_382 = tpu.vector_load %arg7[%parallel_loop3A_380, %parallel_loop3A_381] {strides = array<i32>} : memref<16x1024xf32, #tpu.memory_space<vmem>>, vector<16xf32>,
        tpu.vector_store %arg7[%parallel_loop3A_380, %parallel_loop3A_381], %parallel_loop3A_378 {strides = array<i32>} : memref<16x1024xf32, #tpu.memory_space<vmem>>, vector<16xf32>,
        %parallel_loop3A_383 = arith.constant true
        %parallel_loop3A_384 = vector.broadcast %parallel_loop3A_383 : i1 to vector<16xi1>
        %parallel_loop3A_385 = tpu.scan <sum>, %parallel_loop3A_373 masked %parallel_loop3A_384 : vector<16xf32>, vector<16xi1> -> vector<16xf32>
        %parallel_loop3A_386 = vector.extract %parallel_loop3A_385[15] : f32 from vector<16xf32>
        %parallel_loop3A_387 = arith.addf %parallel_loop3A_326, %parallel_loop3A_386 : f32
        %parallel_loop3A_388 = arith.constant 3 : i32
        %parallel_loop3A_389 = arith.index_cast %parallel_loop3A_388 : i32 to index
        %parallel_loop3A_390 = arith.index_cast %parallel_loop3A_333 : i32 to index
        %parallel_loop3A_391 = tpu.vector_load %arg5[%parallel_loop3A_389, %parallel_loop3A_390] {strides = array<i32>} : memref<16x1024xf32, #tpu.memory_space<vmem>>, vector<16xf32>,
        %parallel_loop3A_392 = arith.constant true
        %parallel_loop3A_393 = vector.broadcast %parallel_loop3A_392 : i1 to vector<16xi1>
        %parallel_loop3A_394 = tpu.scan <sum>, %parallel_loop3A_391 masked %parallel_loop3A_393 : vector<16xf32>, vector<16xi1> -> vector<16xf32>
        %parallel_loop3A_395 = vector.broadcast %parallel_loop3A_327 : f32 to vector<16xf32>
        %parallel_loop3A_396 = arith.addf %parallel_loop3A_394, %parallel_loop3A_395 : vector<16xf32>
        %parallel_loop3A_397 = arith.constant 3 : i32
        %parallel_loop3A_398 = arith.index_cast %parallel_loop3A_397 : i32 to index
        %parallel_loop3A_399 = arith.index_cast %parallel_loop3A_333 : i32 to index
        %parallel_loop3A_400 = tpu.vector_load %arg7[%parallel_loop3A_398, %parallel_loop3A_399] {strides = array<i32>} : memref<16x1024xf32, #tpu.memory_space<vmem>>, vector<16xf32>,
        tpu.vector_store %arg7[%parallel_loop3A_398, %parallel_loop3A_399], %parallel_loop3A_396 {strides = array<i32>} : memref<16x1024xf32, #tpu.memory_space<vmem>>, vector<16xf32>,
        %parallel_loop3A_401 = arith.constant true
        %parallel_loop3A_402 = vector.broadcast %parallel_loop3A_401 : i1 to vector<16xi1>
        %parallel_loop3A_403 = tpu.scan <sum>, %parallel_loop3A_391 masked %parallel_loop3A_402 : vector<16xf32>, vector<16xi1> -> vector<16xf32>
        %parallel_loop3A_404 = vector.extract %parallel_loop3A_403[15] : f32 from vector<16xf32>
        %parallel_loop3A_405 = arith.addf %parallel_loop3A_327, %parallel_loop3A_404 : f32
        %parallel_loop3A_406 = arith.constant 4 : i32
        %parallel_loop3A_407 = arith.index_cast %parallel_loop3A_406 : i32 to index
        %parallel_loop3A_408 = arith.index_cast %parallel_loop3A_333 : i32 to index
        %parallel_loop3A_409 = tpu.vector_load %arg5[%parallel_loop3A_407, %parallel_loop3A_408] {strides = array<i32>} : memref<16x1024xf32, #tpu.memory_space<vmem>>, vector<16xf32>,
        %parallel_loop3A_410 = arith.constant true
        %parallel_loop3A_411 = vector.broadcast %parallel_loop3A_410 : i1 to vector<16xi1>
        %parallel_loop3A_412 = tpu.scan <sum>, %parallel_loop3A_409 masked %parallel_loop3A_411 : vector<16xf32>, vector<16xi1> -> vector<16xf32>
        %parallel_loop3A_413 = vector.broadcast %parallel_loop3A_328 : f32 to vector<16xf32>
        %parallel_loop3A_414 = arith.addf %parallel_loop3A_412, %parallel_loop3A_413 : vector<16xf32>
        %parallel_loop3A_415 = arith.constant 4 : i32
        %parallel_loop3A_416 = arith.index_cast %parallel_loop3A_415 : i32 to index
        %parallel_loop3A_417 = arith.index_cast %parallel_loop3A_333 : i32 to index
        %parallel_loop3A_418 = tpu.vector_load %arg7[%parallel_loop3A_416, %parallel_loop3A_417] {strides = array<i32>} : memref<16x1024xf32, #tpu.memory_space<vmem>>, vector<16xf32>,
        tpu.vector_store %arg7[%parallel_loop3A_416, %parallel_loop3A_417], %parallel_loop3A_414 {strides = array<i32>} : memref<16x1024xf32, #tpu.memory_space<vmem>>, vector<16xf32>,
        %parallel_loop3A_419 = arith.constant true
        %parallel_loop3A_420 = vector.broadcast %parallel_loop3A_419 : i1 to vector<16xi1>
        %parallel_loop3A_421 = tpu.scan <sum>, %parallel_loop3A_409 masked %parallel_loop3A_420 : vector<16xf32>, vector<16xi1> -> vector<16xf32>
        %parallel_loop3A_422 = vector.extract %parallel_loop3A_421[15] : f32 from vector<16xf32>
        %parallel_loop3A_423 = arith.addf %parallel_loop3A_328, %parallel_loop3A_422 : f32
        %parallel_loop3A_424 = arith.constant 5 : i32
        %parallel_loop3A_425 = arith.index_cast %parallel_loop3A_424 : i32 to index
        %parallel_loop3A_426 = arith.index_cast %parallel_loop3A_333 : i32 to index
        %parallel_loop3A_427 = tpu.vector_load %arg5[%parallel_loop3A_425, %parallel_loop3A_426] {strides = array<i32>} : memref<16x1024xf32, #tpu.memory_space<vmem>>, vector<16xf32>,
        %parallel_loop3A_428 = arith.constant true
        %parallel_loop3A_429 = vector.broadcast %parallel_loop3A_428 : i1 to vector<16xi1>
        %parallel_loop3A_430 = tpu.scan <sum>, %parallel_loop3A_427 masked %parallel_loop3A_429 : vector<16xf32>, vector<16xi1> -> vector<16xf32>
        %parallel_loop3A_431 = vector.broadcast %parallel_loop3A_329 : f32 to vector<16xf32>
        %parallel_loop3A_432 = arith.addf %parallel_loop3A_430, %parallel_loop3A_431 : vector<16xf32>
        %parallel_loop3A_433 = arith.constant 5 : i32
        %parallel_loop3A_434 = arith.index_cast %parallel_loop3A_433 : i32 to index
        %parallel_loop3A_435 = arith.index_cast %parallel_loop3A_333 : i32 to index
        %parallel_loop3A_436 = tpu.vector_load %arg7[%parallel_loop3A_434, %parallel_loop3A_435] {strides = array<i32>} : memref<16x1024xf32, #tpu.memory_space<vmem>>, vector<16xf32>,
        tpu.vector_store %arg7[%parallel_loop3A_434, %parallel_loop3A_435], %parallel_loop3A_432 {strides = array<i32>} : memref<16x1024xf32, #tpu.memory_space<vmem>>, vector<16xf32>,
        %parallel_loop3A_437 = arith.constant true
        %parallel_loop3A_438 = vector.broadcast %parallel_loop3A_437 : i1 to vector<16xi1>
        %parallel_loop3A_439 = tpu.scan <sum>, %parallel_loop3A_427 masked %parallel_loop3A_438 : vector<16xf32>, vector<16xi1> -> vector<16xf32>
        %parallel_loop3A_440 = vector.extract %parallel_loop3A_439[15] : f32 from vector<16xf32>
        %parallel_loop3A_441 = arith.addf %parallel_loop3A_329, %parallel_loop3A_440 : f32
        %parallel_loop3A_442 = arith.constant 6 : i32
        %parallel_loop3A_443 = arith.index_cast %parallel_loop3A_442 : i32 to index
        %parallel_loop3A_444 = arith.index_cast %parallel_loop3A_333 : i32 to index
        %parallel_loop3A_445 = tpu.vector_load %arg5[%parallel_loop3A_443, %parallel_loop3A_444] {strides = array<i32>} : memref<16x1024xf32, #tpu.memory_space<vmem>>, vector<16xf32>,
        %parallel_loop3A_446 = arith.constant true
        %parallel_loop3A_447 = vector.broadcast %parallel_loop3A_446 : i1 to vector<16xi1>
        %parallel_loop3A_448 = tpu.scan <sum>, %parallel_loop3A_445 masked %parallel_loop3A_447 : vector<16xf32>, vector<16xi1> -> vector<16xf32>
        %parallel_loop3A_449 = vector.broadcast %parallel_loop3A_330 : f32 to vector<16xf32>
        %parallel_loop3A_450 = arith.addf %parallel_loop3A_448, %parallel_loop3A_449 : vector<16xf32>
        %parallel_loop3A_451 = arith.constant 6 : i32
        %parallel_loop3A_452 = arith.index_cast %parallel_loop3A_451 : i32 to index
        %parallel_loop3A_453 = arith.index_cast %parallel_loop3A_333 : i32 to index
        %parallel_loop3A_454 = tpu.vector_load %arg7[%parallel_loop3A_452, %parallel_loop3A_453] {strides = array<i32>} : memref<16x1024xf32, #tpu.memory_space<vmem>>, vector<16xf32>,
        tpu.vector_store %arg7[%parallel_loop3A_452, %parallel_loop3A_453], %parallel_loop3A_450 {strides = array<i32>} : memref<16x1024xf32, #tpu.memory_space<vmem>>, vector<16xf32>,
        %parallel_loop3A_455 = arith.constant true
        %parallel_loop3A_456 = vector.broadcast %parallel_loop3A_455 : i1 to vector<16xi1>
        %parallel_loop3A_457 = tpu.scan <sum>, %parallel_loop3A_445 masked %parallel_loop3A_456 : vector<16xf32>, vector<16xi1> -> vector<16xf32>
        %parallel_loop3A_458 = vector.extract %parallel_loop3A_457[15] : f32 from vector<16xf32>
        %parallel_loop3A_459 = arith.addf %parallel_loop3A_330, %parallel_loop3A_458 : f32
        %parallel_loop3A_460 = arith.constant 7 : i32
        %parallel_loop3A_461 = arith.index_cast %parallel_loop3A_460 : i32 to index
        %parallel_loop3A_462 = arith.index_cast %parallel_loop3A_333 : i32 to index
        %parallel_loop3A_463 = tpu.vector_load %arg5[%parallel_loop3A_461, %parallel_loop3A_462] {strides = array<i32>} : memref<16x1024xf32, #tpu.memory_space<vmem>>, vector<16xf32>,
        %parallel_loop3A_464 = arith.constant true
        %parallel_loop3A_465 = vector.broadcast %parallel_loop3A_464 : i1 to vector<16xi1>
        %parallel_loop3A_466 = tpu.scan <sum>, %parallel_loop3A_463 masked %parallel_loop3A_465 : vector<16xf32>, vector<16xi1> -> vector<16xf32>
        %parallel_loop3A_467 = vector.broadcast %parallel_loop3A_331 : f32 to vector<16xf32>
        %parallel_loop3A_468 = arith.addf %parallel_loop3A_466, %parallel_loop3A_467 : vector<16xf32>
        %parallel_loop3A_469 = arith.constant 7 : i32
        %parallel_loop3A_470 = arith.index_cast %parallel_loop3A_469 : i32 to index
        %parallel_loop3A_471 = arith.index_cast %parallel_loop3A_333 : i32 to index
        %parallel_loop3A_472 = tpu.vector_load %arg7[%parallel_loop3A_470, %parallel_loop3A_471] {strides = array<i32>} : memref<16x1024xf32, #tpu.memory_space<vmem>>, vector<16xf32>,
        tpu.vector_store %arg7[%parallel_loop3A_470, %parallel_loop3A_471], %parallel_loop3A_468 {strides = array<i32>} : memref<16x1024xf32, #tpu.memory_space<vmem>>, vector<16xf32>,
        %parallel_loop3A_473 = arith.constant true
        %parallel_loop3A_474 = vector.broadcast %parallel_loop3A_473 : i1 to vector<16xi1>
        %parallel_loop3A_475 = tpu.scan <sum>, %parallel_loop3A_463 masked %parallel_loop3A_474 : vector<16xf32>, vector<16xi1> -> vector<16xf32>
        %parallel_loop3A_476 = vector.extract %parallel_loop3A_475[15] : f32 from vector<16xf32>
        %parallel_loop3A_477 = arith.addf %parallel_loop3A_331, %parallel_loop3A_476 : f32
        scf.yield %parallel_loop3A_351, %parallel_loop3A_369, %parallel_loop3A_387, %parallel_loop3A_405, %parallel_loop3A_423, %parallel_loop3A_441, %parallel_loop3A_459, %parallel_loop3A_477 : f32, f32, f32, f32, f32, f32, f32, f32
      } {sc.loop_unroll_factor = 4 : i64, sc.parallel_access}
      %parallel_loop3A_310 = arith.constant 0 : i32
      %parallel_loop3A_311 = arith.constant 64 : i32
      %parallel_loop3A_312 = arith.constant 1 : i32
      %parallel_loop3A_313:8 = scf.for %parallel_loop3A_323 = %parallel_loop3A_310 to %parallel_loop3A_311 step %parallel_loop3A_312 iter_args(%parallel_loop3A_324 = %select_n3A_277, %parallel_loop3A_325 = %select_n3A_281, %parallel_loop3A_326 = %select_n3A_285, %parallel_loop3A_327 = %select_n3A_289, %parallel_loop3A_328 = %select_n3A_293, %parallel_loop3A_329 = %select_n3A_297, %parallel_loop3A_330 = %select_n3A_301, %parallel_loop3A_331 = %select_n3A_305) -> (f32, f32, f32, f32, f32, f32, f32, f32)  : i32 {
        %parallel_loop3A_332 = arith.constant 16 : i32
        %parallel_loop3A_333 = arith.muli %parallel_loop3A_323, %parallel_loop3A_332 : i32
        %parallel_loop3A_334 = arith.constant 8 : i32
        %parallel_loop3A_335 = arith.index_cast %parallel_loop3A_334 : i32 to index
        %parallel_loop3A_336 = arith.index_cast %parallel_loop3A_333 : i32 to index
        %parallel_loop3A_337 = tpu.vector_load %arg5[%parallel_loop3A_335, %parallel_loop3A_336] {strides = array<i32>} : memref<16x1024xf32, #tpu.memory_space<vmem>>, vector<16xf32>,
        %parallel_loop3A_338 = arith.constant true
        %parallel_loop3A_339 = vector.broadcast %parallel_loop3A_338 : i1 to vector<16xi1>
        %parallel_loop3A_340 = tpu.scan <sum>, %parallel_loop3A_337 masked %parallel_loop3A_339 : vector<16xf32>, vector<16xi1> -> vector<16xf32>
        %parallel_loop3A_341 = vector.broadcast %parallel_loop3A_324 : f32 to vector<16xf32>
        %parallel_loop3A_342 = arith.addf %parallel_loop3A_340, %parallel_loop3A_341 : vector<16xf32>
        %parallel_loop3A_343 = arith.constant 8 : i32
        %parallel_loop3A_344 = arith.index_cast %parallel_loop3A_343 : i32 to index
        %parallel_loop3A_345 = arith.index_cast %parallel_loop3A_333 : i32 to index
        %parallel_loop3A_346 = tpu.vector_load %arg7[%parallel_loop3A_344, %parallel_loop3A_345] {strides = array<i32>} : memref<16x1024xf32, #tpu.memory_space<vmem>>, vector<16xf32>,
        tpu.vector_store %arg7[%parallel_loop3A_344, %parallel_loop3A_345], %parallel_loop3A_342 {strides = array<i32>} : memref<16x1024xf32, #tpu.memory_space<vmem>>, vector<16xf32>,
        %parallel_loop3A_347 = arith.constant true
        %parallel_loop3A_348 = vector.broadcast %parallel_loop3A_347 : i1 to vector<16xi1>
        %parallel_loop3A_349 = tpu.scan <sum>, %parallel_loop3A_337 masked %parallel_loop3A_348 : vector<16xf32>, vector<16xi1> -> vector<16xf32>
        %parallel_loop3A_350 = vector.extract %parallel_loop3A_349[15] : f32 from vector<16xf32>
        %parallel_loop3A_351 = arith.addf %parallel_loop3A_324, %parallel_loop3A_350 : f32
        %parallel_loop3A_352 = arith.constant 9 : i32
        %parallel_loop3A_353 = arith.index_cast %parallel_loop3A_352 : i32 to index
        %parallel_loop3A_354 = arith.index_cast %parallel_loop3A_333 : i32 to index
        %parallel_loop3A_355 = tpu.vector_load %arg5[%parallel_loop3A_353, %parallel_loop3A_354] {strides = array<i32>} : memref<16x1024xf32, #tpu.memory_space<vmem>>, vector<16xf32>,
        %parallel_loop3A_356 = arith.constant true
        %parallel_loop3A_357 = vector.broadcast %parallel_loop3A_356 : i1 to vector<16xi1>
        %parallel_loop3A_358 = tpu.scan <sum>, %parallel_loop3A_355 masked %parallel_loop3A_357 : vector<16xf32>, vector<16xi1> -> vector<16xf32>
        %parallel_loop3A_359 = vector.broadcast %parallel_loop3A_325 : f32 to vector<16xf32>
        %parallel_loop3A_360 = arith.addf %parallel_loop3A_358, %parallel_loop3A_359 : vector<16xf32>
        %parallel_loop3A_361 = arith.constant 9 : i32
        %parallel_loop3A_362 = arith.index_cast %parallel_loop3A_361 : i32 to index
        %parallel_loop3A_363 = arith.index_cast %parallel_loop3A_333 : i32 to index
        %parallel_loop3A_364 = tpu.vector_load %arg7[%parallel_loop3A_362, %parallel_loop3A_363] {strides = array<i32>} : memref<16x1024xf32, #tpu.memory_space<vmem>>, vector<16xf32>,
        tpu.vector_store %arg7[%parallel_loop3A_362, %parallel_loop3A_363], %parallel_loop3A_360 {strides = array<i32>} : memref<16x1024xf32, #tpu.memory_space<vmem>>, vector<16xf32>,
        %parallel_loop3A_365 = arith.constant true
        %parallel_loop3A_366 = vector.broadcast %parallel_loop3A_365 : i1 to vector<16xi1>
        %parallel_loop3A_367 = tpu.scan <sum>, %parallel_loop3A_355 masked %parallel_loop3A_366 : vector<16xf32>, vector<16xi1> -> vector<16xf32>
        %parallel_loop3A_368 = vector.extract %parallel_loop3A_367[15] : f32 from vector<16xf32>
        %parallel_loop3A_369 = arith.addf %parallel_loop3A_325, %parallel_loop3A_368 : f32
        %parallel_loop3A_370 = arith.constant 10 : i32
        %parallel_loop3A_371 = arith.index_cast %parallel_loop3A_370 : i32 to index
        %parallel_loop3A_372 = arith.index_cast %parallel_loop3A_333 : i32 to index
        %parallel_loop3A_373 = tpu.vector_load %arg5[%parallel_loop3A_371, %parallel_loop3A_372] {strides = array<i32>} : memref<16x1024xf32, #tpu.memory_space<vmem>>, vector<16xf32>,
        %parallel_loop3A_374 = arith.constant true
        %parallel_loop3A_375 = vector.broadcast %parallel_loop3A_374 : i1 to vector<16xi1>
        %parallel_loop3A_376 = tpu.scan <sum>, %parallel_loop3A_373 masked %parallel_loop3A_375 : vector<16xf32>, vector<16xi1> -> vector<16xf32>
        %parallel_loop3A_377 = vector.broadcast %parallel_loop3A_326 : f32 to vector<16xf32>
        %parallel_loop3A_378 = arith.addf %parallel_loop3A_376, %parallel_loop3A_377 : vector<16xf32>
        %parallel_loop3A_379 = arith.constant 10 : i32
        %parallel_loop3A_380 = arith.index_cast %parallel_loop3A_379 : i32 to index
        %parallel_loop3A_381 = arith.index_cast %parallel_loop3A_333 : i32 to index
        %parallel_loop3A_382 = tpu.vector_load %arg7[%parallel_loop3A_380, %parallel_loop3A_381] {strides = array<i32>} : memref<16x1024xf32, #tpu.memory_space<vmem>>, vector<16xf32>,
        tpu.vector_store %arg7[%parallel_loop3A_380, %parallel_loop3A_381], %parallel_loop3A_378 {strides = array<i32>} : memref<16x1024xf32, #tpu.memory_space<vmem>>, vector<16xf32>,
        %parallel_loop3A_383 = arith.constant true
        %parallel_loop3A_384 = vector.broadcast %parallel_loop3A_383 : i1 to vector<16xi1>
        %parallel_loop3A_385 = tpu.scan <sum>, %parallel_loop3A_373 masked %parallel_loop3A_384 : vector<16xf32>, vector<16xi1> -> vector<16xf32>
        %parallel_loop3A_386 = vector.extract %parallel_loop3A_385[15] : f32 from vector<16xf32>
        %parallel_loop3A_387 = arith.addf %parallel_loop3A_326, %parallel_loop3A_386 : f32
        %parallel_loop3A_388 = arith.constant 11 : i32
        %parallel_loop3A_389 = arith.index_cast %parallel_loop3A_388 : i32 to index
        %parallel_loop3A_390 = arith.index_cast %parallel_loop3A_333 : i32 to index
        %parallel_loop3A_391 = tpu.vector_load %arg5[%parallel_loop3A_389, %parallel_loop3A_390] {strides = array<i32>} : memref<16x1024xf32, #tpu.memory_space<vmem>>, vector<16xf32>,
        %parallel_loop3A_392 = arith.constant true
        %parallel_loop3A_393 = vector.broadcast %parallel_loop3A_392 : i1 to vector<16xi1>
        %parallel_loop3A_394 = tpu.scan <sum>, %parallel_loop3A_391 masked %parallel_loop3A_393 : vector<16xf32>, vector<16xi1> -> vector<16xf32>
        %parallel_loop3A_395 = vector.broadcast %parallel_loop3A_327 : f32 to vector<16xf32>
        %parallel_loop3A_396 = arith.addf %parallel_loop3A_394, %parallel_loop3A_395 : vector<16xf32>
        %parallel_loop3A_397 = arith.constant 11 : i32
        %parallel_loop3A_398 = arith.index_cast %parallel_loop3A_397 : i32 to index
        %parallel_loop3A_399 = arith.index_cast %parallel_loop3A_333 : i32 to index
        %parallel_loop3A_400 = tpu.vector_load %arg7[%parallel_loop3A_398, %parallel_loop3A_399] {strides = array<i32>} : memref<16x1024xf32, #tpu.memory_space<vmem>>, vector<16xf32>,
        tpu.vector_store %arg7[%parallel_loop3A_398, %parallel_loop3A_399], %parallel_loop3A_396 {strides = array<i32>} : memref<16x1024xf32, #tpu.memory_space<vmem>>, vector<16xf32>,
        %parallel_loop3A_401 = arith.constant true
        %parallel_loop3A_402 = vector.broadcast %parallel_loop3A_401 : i1 to vector<16xi1>
        %parallel_loop3A_403 = tpu.scan <sum>, %parallel_loop3A_391 masked %parallel_loop3A_402 : vector<16xf32>, vector<16xi1> -> vector<16xf32>
        %parallel_loop3A_404 = vector.extract %parallel_loop3A_403[15] : f32 from vector<16xf32>
        %parallel_loop3A_405 = arith.addf %parallel_loop3A_327, %parallel_loop3A_404 : f32
        %parallel_loop3A_406 = arith.constant 12 : i32
        %parallel_loop3A_407 = arith.index_cast %parallel_loop3A_406 : i32 to index
        %parallel_loop3A_408 = arith.index_cast %parallel_loop3A_333 : i32 to index
        %parallel_loop3A_409 = tpu.vector_load %arg5[%parallel_loop3A_407, %parallel_loop3A_408] {strides = array<i32>} : memref<16x1024xf32, #tpu.memory_space<vmem>>, vector<16xf32>,
        %parallel_loop3A_410 = arith.constant true
        %parallel_loop3A_411 = vector.broadcast %parallel_loop3A_410 : i1 to vector<16xi1>
        %parallel_loop3A_412 = tpu.scan <sum>, %parallel_loop3A_409 masked %parallel_loop3A_411 : vector<16xf32>, vector<16xi1> -> vector<16xf32>
        %parallel_loop3A_413 = vector.broadcast %parallel_loop3A_328 : f32 to vector<16xf32>
        %parallel_loop3A_414 = arith.addf %parallel_loop3A_412, %parallel_loop3A_413 : vector<16xf32>
        %parallel_loop3A_415 = arith.constant 12 : i32
        %parallel_loop3A_416 = arith.index_cast %parallel_loop3A_415 : i32 to index
        %parallel_loop3A_417 = arith.index_cast %parallel_loop3A_333 : i32 to index
        %parallel_loop3A_418 = tpu.vector_load %arg7[%parallel_loop3A_416, %parallel_loop3A_417] {strides = array<i32>} : memref<16x1024xf32, #tpu.memory_space<vmem>>, vector<16xf32>,
        tpu.vector_store %arg7[%parallel_loop3A_416, %parallel_loop3A_417], %parallel_loop3A_414 {strides = array<i32>} : memref<16x1024xf32, #tpu.memory_space<vmem>>, vector<16xf32>,
        %parallel_loop3A_419 = arith.constant true
        %parallel_loop3A_420 = vector.broadcast %parallel_loop3A_419 : i1 to vector<16xi1>
        %parallel_loop3A_421 = tpu.scan <sum>, %parallel_loop3A_409 masked %parallel_loop3A_420 : vector<16xf32>, vector<16xi1> -> vector<16xf32>
        %parallel_loop3A_422 = vector.extract %parallel_loop3A_421[15] : f32 from vector<16xf32>
        %parallel_loop3A_423 = arith.addf %parallel_loop3A_328, %parallel_loop3A_422 : f32
        %parallel_loop3A_424 = arith.constant 13 : i32
        %parallel_loop3A_425 = arith.index_cast %parallel_loop3A_424 : i32 to index
        %parallel_loop3A_426 = arith.index_cast %parallel_loop3A_333 : i32 to index
        %parallel_loop3A_427 = tpu.vector_load %arg5[%parallel_loop3A_425, %parallel_loop3A_426] {strides = array<i32>} : memref<16x1024xf32, #tpu.memory_space<vmem>>, vector<16xf32>,
        %parallel_loop3A_428 = arith.constant true
        %parallel_loop3A_429 = vector.broadcast %parallel_loop3A_428 : i1 to vector<16xi1>
        %parallel_loop3A_430 = tpu.scan <sum>, %parallel_loop3A_427 masked %parallel_loop3A_429 : vector<16xf32>, vector<16xi1> -> vector<16xf32>
        %parallel_loop3A_431 = vector.broadcast %parallel_loop3A_329 : f32 to vector<16xf32>
        %parallel_loop3A_432 = arith.addf %parallel_loop3A_430, %parallel_loop3A_431 : vector<16xf32>
        %parallel_loop3A_433 = arith.constant 13 : i32
        %parallel_loop3A_434 = arith.index_cast %parallel_loop3A_433 : i32 to index
        %parallel_loop3A_435 = arith.index_cast %parallel_loop3A_333 : i32 to index
        %parallel_loop3A_436 = tpu.vector_load %arg7[%parallel_loop3A_434, %parallel_loop3A_435] {strides = array<i32>} : memref<16x1024xf32, #tpu.memory_space<vmem>>, vector<16xf32>,
        tpu.vector_store %arg7[%parallel_loop3A_434, %parallel_loop3A_435], %parallel_loop3A_432 {strides = array<i32>} : memref<16x1024xf32, #tpu.memory_space<vmem>>, vector<16xf32>,
        %parallel_loop3A_437 = arith.constant true
        %parallel_loop3A_438 = vector.broadcast %parallel_loop3A_437 : i1 to vector<16xi1>
        %parallel_loop3A_439 = tpu.scan <sum>, %parallel_loop3A_427 masked %parallel_loop3A_438 : vector<16xf32>, vector<16xi1> -> vector<16xf32>
        %parallel_loop3A_440 = vector.extract %parallel_loop3A_439[15] : f32 from vector<16xf32>
        %parallel_loop3A_441 = arith.addf %parallel_loop3A_329, %parallel_loop3A_440 : f32
        %parallel_loop3A_442 = arith.constant 14 : i32
        %parallel_loop3A_443 = arith.index_cast %parallel_loop3A_442 : i32 to index
        %parallel_loop3A_444 = arith.index_cast %parallel_loop3A_333 : i32 to index
        %parallel_loop3A_445 = tpu.vector_load %arg5[%parallel_loop3A_443, %parallel_loop3A_444] {strides = array<i32>} : memref<16x1024xf32, #tpu.memory_space<vmem>>, vector<16xf32>,
        %parallel_loop3A_446 = arith.constant true
        %parallel_loop3A_447 = vector.broadcast %parallel_loop3A_446 : i1 to vector<16xi1>
        %parallel_loop3A_448 = tpu.scan <sum>, %parallel_loop3A_445 masked %parallel_loop3A_447 : vector<16xf32>, vector<16xi1> -> vector<16xf32>
        %parallel_loop3A_449 = vector.broadcast %parallel_loop3A_330 : f32 to vector<16xf32>
        %parallel_loop3A_450 = arith.addf %parallel_loop3A_448, %parallel_loop3A_449 : vector<16xf32>
        %parallel_loop3A_451 = arith.constant 14 : i32
        %parallel_loop3A_452 = arith.index_cast %parallel_loop3A_451 : i32 to index
        %parallel_loop3A_453 = arith.index_cast %parallel_loop3A_333 : i32 to index
        %parallel_loop3A_454 = tpu.vector_load %arg7[%parallel_loop3A_452, %parallel_loop3A_453] {strides = array<i32>} : memref<16x1024xf32, #tpu.memory_space<vmem>>, vector<16xf32>,
        tpu.vector_store %arg7[%parallel_loop3A_452, %parallel_loop3A_453], %parallel_loop3A_450 {strides = array<i32>} : memref<16x1024xf32, #tpu.memory_space<vmem>>, vector<16xf32>,
        %parallel_loop3A_455 = arith.constant true
        %parallel_loop3A_456 = vector.broadcast %parallel_loop3A_455 : i1 to vector<16xi1>
        %parallel_loop3A_457 = tpu.scan <sum>, %parallel_loop3A_445 masked %parallel_loop3A_456 : vector<16xf32>, vector<16xi1> -> vector<16xf32>
        %parallel_loop3A_458 = vector.extract %parallel_loop3A_457[15] : f32 from vector<16xf32>
        %parallel_loop3A_459 = arith.addf %parallel_loop3A_330, %parallel_loop3A_458 : f32
        %parallel_loop3A_460 = arith.constant 15 : i32
        %parallel_loop3A_461 = arith.index_cast %parallel_loop3A_460 : i32 to index
        %parallel_loop3A_462 = arith.index_cast %parallel_loop3A_333 : i32 to index
        %parallel_loop3A_463 = tpu.vector_load %arg5[%parallel_loop3A_461, %parallel_loop3A_462] {strides = array<i32>} : memref<16x1024xf32, #tpu.memory_space<vmem>>, vector<16xf32>,
        %parallel_loop3A_464 = arith.constant true
        %parallel_loop3A_465 = vector.broadcast %parallel_loop3A_464 : i1 to vector<16xi1>
        %parallel_loop3A_466 = tpu.scan <sum>, %parallel_loop3A_463 masked %parallel_loop3A_465 : vector<16xf32>, vector<16xi1> -> vector<16xf32>
        %parallel_loop3A_467 = vector.broadcast %parallel_loop3A_331 : f32 to vector<16xf32>
        %parallel_loop3A_468 = arith.addf %parallel_loop3A_466, %parallel_loop3A_467 : vector<16xf32>
        %parallel_loop3A_469 = arith.constant 15 : i32
        %parallel_loop3A_470 = arith.index_cast %parallel_loop3A_469 : i32 to index
        %parallel_loop3A_471 = arith.index_cast %parallel_loop3A_333 : i32 to index
        %parallel_loop3A_472 = tpu.vector_load %arg7[%parallel_loop3A_470, %parallel_loop3A_471] {strides = array<i32>} : memref<16x1024xf32, #tpu.memory_space<vmem>>, vector<16xf32>,
        tpu.vector_store %arg7[%parallel_loop3A_470, %parallel_loop3A_471], %parallel_loop3A_468 {strides = array<i32>} : memref<16x1024xf32, #tpu.memory_space<vmem>>, vector<16xf32>,
        %parallel_loop3A_473 = arith.constant true
        %parallel_loop3A_474 = vector.broadcast %parallel_loop3A_473 : i1 to vector<16xi1>
        %parallel_loop3A_475 = tpu.scan <sum>, %parallel_loop3A_463 masked %parallel_loop3A_474 : vector<16xf32>, vector<16xi1> -> vector<16xf32>
        %parallel_loop3A_476 = vector.extract %parallel_loop3A_475[15] : f32 from vector<16xf32>
        %parallel_loop3A_477 = arith.addf %parallel_loop3A_331, %parallel_loop3A_476 : f32
        scf.yield %parallel_loop3A_351, %parallel_loop3A_369, %parallel_loop3A_387, %parallel_loop3A_405, %parallel_loop3A_423, %parallel_loop3A_441, %parallel_loop3A_459, %parallel_loop3A_477 : f32, f32, f32, f32, f32, f32, f32, f32
      } {sc.loop_unroll_factor = 4 : i64, sc.parallel_access}
      %dma_start3A_314 = tpu.memref_slice %arg3[%add3A_232, %mul3A_234] : memref<8192x4096xf32, #tpu.memory_space<hbm>> -> memref<16x1024xf32, #tpu.memory_space<hbm>>
      %dma_start3A_315 = tpu.memref_slice %arg3[%add3A_232, %mul3A_234] : memref<8192x4096xf32, #tpu.memory_space<hbm>> -> memref<16x1024xf32, #tpu.memory_space<hbm>>
      tpu.enqueue_dma source(%arg7 : memref<16x1024xf32, #tpu.memory_space<vmem>>) target(%dma_start3A_315 : memref<16x1024xf32, #tpu.memory_space<hbm>>) target_semaphore(%arg11 : memref<!tpu.dma_semaphore, #tpu.memory_space<semaphore_mem>>)
      %add3A_316 = arith.constant 2 : i32
      %add3A_317 = arith.addi %add3A_189, %add3A_316 : i32
      %lt3A_318 = arith.constant 64 : i32
      %lt3A_319 = arith.cmpi slt, %add3A_317, %lt3A_318 : i32
      %convert_element_type3A_320 = arith.extui %lt3A_319 : i1 to i32
      %cond3A_321 = arith.constant 0 : i32
      %cond3A_322 = arith.cmpi ne, %convert_element_type3A_320, %cond3A_321 : i32
      scf.if %cond3A_322 {
        %add3A_323 = arith.constant 2 : i32
        %add3A_324 = arith.addi %add3A_189, %add3A_323 : i32
        %jit3A_325 = arith.constant 4 : i32
        %div3A_326 = arith.divsi %add3A_324, %jit3A_325 : i32
        %sign3A_327 = arith.constant 0 : i32
        %sign3A_328 = arith.cmpi sgt, %add3A_324, %sign3A_327 : i32
        %sign3A_329 = arith.extui %sign3A_328 : i1 to i32
        %sign3A_330 = arith.constant 0 : i32
        %sign3A_331 = arith.cmpi slt, %add3A_324, %sign3A_330 : i32
        %sign3A_332 = arith.extui %sign3A_331 : i1 to i32
        %sign3A_333 = arith.subi %sign3A_329, %sign3A_332 : i32
        %sign3A_334 = arith.constant 0 : i32
        %sign3A_335 = arith.cmpi sgt, %jit3A_325, %sign3A_334 : i32
        %sign3A_336 = arith.extui %sign3A_335 : i1 to i32
        %sign3A_337 = arith.constant 0 : i32
        %sign3A_338 = arith.cmpi slt, %jit3A_325, %sign3A_337 : i32
        %sign3A_339 = arith.extui %sign3A_338 : i1 to i32
        %sign3A_340 = arith.subi %sign3A_336, %sign3A_339 : i32
        %ne3A_341 = arith.cmpi ne, %sign3A_333, %sign3A_340 : i32
        %rem3A_342 = arith.remsi %add3A_324, %jit3A_325 : i32
        %ne3A_343 = arith.constant 0 : i32
        %ne3A_344 = arith.cmpi ne, %rem3A_342, %ne3A_343 : i32
        %and3A_345 = arith.andi %ne3A_341, %ne3A_344 : i1
        %sub3A_346 = arith.constant 1 : i32
        %sub3A_347 = arith.subi %div3A_326, %sub3A_346 : i32
        %select_n3A_348 = arith.select %and3A_345, %sub3A_347, %div3A_326 : i32
        %jit3A_349 = arith.constant 4 : i32
        %eq3A_350 = arith.constant 0 : i32
        %eq3A_351 = arith.cmpi eq, %jit3A_349, %eq3A_350 : i32
        %jit3A_352 = arith.constant 1 : i32
        %select_n3A_353 = arith.select %eq3A_351, %jit3A_352, %jit3A_349 : i32
        %rem3A_354 = arith.remsi %add3A_324, %select_n3A_353 : i32
        %ne3A_355 = arith.constant 0 : i32
        %ne3A_356 = arith.cmpi ne, %rem3A_354, %ne3A_355 : i32
        %lt3A_357 = arith.constant 0 : i32
        %lt3A_358 = arith.cmpi slt, %rem3A_354, %lt3A_357 : i32
        %lt3A_359 = arith.constant 0 : i32
        %lt3A_360 = arith.cmpi slt, %select_n3A_353, %lt3A_359 : i32
        %ne3A_361 = arith.xori %lt3A_358, %lt3A_360 : i1
        %and3A_362 = arith.andi %ne3A_361, %ne3A_356 : i1
        %add3A_363 = arith.addi %rem3A_354, %select_n3A_353 : i32
        %select_n3A_364 = arith.select %and3A_362, %add3A_363, %rem3A_354 : i32
        %mul3A_365 = arith.constant 16 : i32
        %mul3A_366 = arith.muli %select_n3A_348, %mul3A_365 : i32
        %add3A_367 = arith.addi %mul3A_2, %mul3A_366 : i32
        %mul3A_368 = arith.constant 1024 : i32
        %mul3A_369 = arith.muli %select_n3A_364, %mul3A_368 : i32
        %dma_start3A_370 = tpu.memref_slice %arg2[%add3A_367, %mul3A_369] : memref<8192x4096xf32, #tpu.memory_space<hbm>> -> memref<16x1024xf32, #tpu.memory_space<hbm>>
        %dma_start3A_371 = tpu.memref_slice %arg2[%add3A_367, %mul3A_369] : memref<8192x4096xf32, #tpu.memory_space<hbm>> -> memref<16x1024xf32, #tpu.memory_space<hbm>>
        tpu.enqueue_dma source(%dma_start3A_371 : memref<16x1024xf32, #tpu.memory_space<hbm>>) target(%arg5 : memref<16x1024xf32, #tpu.memory_space<vmem>>) target_semaphore(%arg9 : memref<!tpu.dma_semaphore, #tpu.memory_space<semaphore_mem>>)
      } else {
      }
      scf.yield %parallel_loop3A_309#0, %parallel_loop3A_309#1, %parallel_loop3A_309#2, %parallel_loop3A_309#3, %parallel_loop3A_309#4, %parallel_loop3A_309#5, %parallel_loop3A_309#6, %parallel_loop3A_309#7, %parallel_loop3A_313#0, %parallel_loop3A_313#1, %parallel_loop3A_313#2, %parallel_loop3A_313#3, %parallel_loop3A_313#4, %parallel_loop3A_313#5, %parallel_loop3A_313#6, %parallel_loop3A_313#7 : f32, f32, f32, f32, f32, f32, f32, f32, f32, f32, f32, f32, f32, f32, f32, f32
    }
    %scan3A_34 = arith.constant 32 : i32
    %add3A_35 = arith.constant 240 : i32
    %add3A_36 = arith.addi %mul3A_2, %add3A_35 : i32
    %dma_wait3A = arith.constant 2048 : i32
    %dma_wait3A_37 = tpu.memref_slice %arg3[%add3A_36, %dma_wait3A] : memref<8192x4096xf32, #tpu.memory_space<hbm>> -> memref<16x1024xf32, #tpu.memory_space<hbm>>
    %dma_wait3A_38 = arith.constant 2048 : i32
    %dma_wait3A_39 = tpu.memref_slice %arg3[%add3A_36, %dma_wait3A_38] : memref<8192x4096xf32, #tpu.memory_space<hbm>> -> memref<16x1024xf32, #tpu.memory_space<hbm>>
    tpu.wait_dma2 semaphore(%arg10 : memref<!tpu.dma_semaphore, #tpu.memory_space<semaphore_mem>>) src(%arg6 : memref<16x1024xf32, #tpu.memory_space<vmem>>) dst(%dma_wait3A_39 : memref<16x1024xf32, #tpu.memory_space<hbm>>)
    %add3A_40 = arith.constant 240 : i32
    %add3A_41 = arith.addi %mul3A_2, %add3A_40 : i32
    %dma_wait3A_42 = arith.constant 3072 : i32
    %dma_wait3A_43 = tpu.memref_slice %arg3[%add3A_41, %dma_wait3A_42] : memref<8192x4096xf32, #tpu.memory_space<hbm>> -> memref<16x1024xf32, #tpu.memory_space<hbm>>
    %dma_wait3A_44 = arith.constant 3072 : i32
    %dma_wait3A_45 = tpu.memref_slice %arg3[%add3A_41, %dma_wait3A_44] : memref<8192x4096xf32, #tpu.memory_space<hbm>> -> memref<16x1024xf32, #tpu.memory_space<hbm>>
    tpu.wait_dma2 semaphore(%arg11 : memref<!tpu.dma_semaphore, #tpu.memory_space<semaphore_mem>>) src(%arg7 : memref<16x1024xf32, #tpu.memory_space<vmem>>) dst(%dma_wait3A_45 : memref<16x1024xf32, #tpu.memory_space<hbm>>)
    return
  }
}

</mosaic_0001>

<sc_bundles>
// kernel: kernel.3.cloned.1.call-start
scs
__scs_entry_jumppad:
0x0: {  	(pc) =	sbr.rel $0x88, $3  }
0x1: {  	(tag) =	ssettag $0x0;
	lr =	simm.s32 $0x1  }
0x2: {  	[smem:$0x3FA0] =	sst lr;
	_ =	strace $0xD0000000  }
0x3: {  	_ = 	snop  }
0x4: {  	_ = 	snop  }
0x5: {  	_ = 	snop  }
0x6: {  	_ = 	snop  }
0x7: {  	_ = 	snop  }
__scs_overlays_trampoline_lowered:
0x8: {  	[smem:$0x3FAF] =	sst s0  }
0x9: {  	[smem:$0x3FB0] =	sst s1  }
0xa: {  	[smem:$0x3FB1] =	sst s2  }
0xb: {  	[smem:$0x3FB2] =	sst s3  }
0xc: {  	[smem:$0x3FB3] =	sst s4  }
0xd: {  	[smem:$0x3FB4] =	sst s5  }
0xe: {  	[smem:$0x3FB5] =	sst s6  }
0xf: {  	[smem:$0x3FB6] =	sst s7  }
0x10: {  	[smem:$0x3FB7] =	sst s8  }
0x11: {  	[smem:$0x3FB8] =	sst s9;
	s0 =	simm.s32 @!p0 $0x0  }
0x12: {  	s1 =	sld [smem:$0x3F9E];
	s0 =	simm.s32 @p0 $0x1  }
0x13: {  	[smem:$0x3FB9] =	sst s0;
	s0 =	simm.s32 @!p1 $0x0  }
0x14: {  	s2 =	sld [smem:$0x3F9D];
	s0 =	simm.s32 @p1 $0x1  }
0x15: {  	[smem:$0x3FBA] =	sst s0;
	s0 =	simm.s32 @!p2 $0x0  }
0x16: {  	s3 =	sld [smem:$0x3FDB];
	s0 =	simm.s32 @p2 $0x1  }
0x17: {  	s4 =	simm.s32 $0x1BF5;
	[smem:$0x3FBC] =	sst s0  }
0x18: {  	s0 =	sld [smem:$0x3F9F];
	_ =	swait.ge [sflag:s4], $0x0  }
0x19: {  	s7 =	sld [smem:$0x3FA0]  }
0x1a: {  	s8 =	sadd.s32 $0xFFFFE003, lr  }
0x1b: {  	s9 =	sadd.s32 $0xFFFFFEF7, lr;
	s5 =	simm.s32 $0xFFFFFFFF;
	p2 =	slt.u32 s8, $0xFFFFF086  }
0x1c: {  	p1 =	slt.u32 s9, $0xF7A;
	s5 =	simm.s32 @!p2 $0x0  }
0x1d: {  	s5 =	simm.s32 @p1 $0x1;
	p0 =	seq.s32 s7, s2  }
0x1e: {  	s7 =	smul.u32 @!p0 $0xF7A, s2;
	p2 =	seq.s32 @!p0 s5, $0x0  }
0x1f: {  	s9 =	smul.u32 $0xF7A, s1;
	s8 =	simm.s32 @!p0 $0x1BF5;
	p2 =	por !p2, p0  }
0x20: {  	[sflag:s8] =	ssyncset.s32 @!p0 $0xFFFFF086;
	s6 =	sadd.s32 @!p0 s3, s7;
	s7 =	simm.s32 @!p0 $0x108  }
0x21: {  	s3 =	sadd.s32 s3, s9;
	s6 =	sadd.s32 @!p0 $0x88, s6;
	s7 =	simm.s32 @p2 $0x1082  }
0x22: {  	[simem:s7], [sflag:s8] =	dma.local @!p0 [hbm:s6], $0xF7A  }
0x23: {  	s9 =	sor.u32 $0xD0000000, s2;
	s6 =	simm.s32 $0x108;
	_ =	swait.ge @!p0 [sflag:s8], $0x0  }
0x24: {  	s3 =	sadd.s32 $0x88, s3;
	s6 =	simm.s32 @!p1 $0x1082;
	[sflag:s4] =	ssyncset.s32 $0xFFFFF086  }
0x25: {  	[simem:s6], [sflag:s4] =	dma.local [hbm:s3], $0xF7A  }
0x26: {  	[smem:$0x3FA0] =	sst s1;
	(tag) =	ssettag s2;
	_ =	strace s9  }
0x27: {  	s1 =	sld [smem:$0x3FB0]  }
0x28: {  	s2 =	sld [smem:$0x3FB1]  }
0x29: {  	s4 =	sld [smem:$0x3FB3]  }
0x2a: {  	p0 =	seq.s32 s5, $0x0;
	s5 =	sld [smem:$0x3FB4]  }
0x2b: {  	s6 =	sld [smem:$0x3FB5]  }
0x2c: {  	s7 =	sld [smem:$0x3FB6]  }
0x2d: {  	s3 =	simm.s32 $0x108;
	s8 =	sld [smem:$0x3FB7]  }
0x2e: {  	s3 =	simm.s32 @!p0 $0x1082;
	s9 =	sld [smem:$0x3FB8]  }
0x2f: {  	lr =	sadd.s32 s0, s3;
	s0 =	sld [smem:$0x3FAF]  }
0x30: {  	s3 =	sld [smem:$0x3FB2]  }
0x31: {  	[smem:$0x3FBB] =	sst s10  }
0x32: {  	s10 =	sld [smem:$0x3FB9];
	_ =	sdelay $0x3  }
0x33: {  	p0 =	seq.s32 s10, $0x1;
	s10 =	sld [smem:$0x3FBB];
	_ =	sdelay $0x3  }
0x34: {  	[smem:$0x3FBB] =	sst s10  }
0x35: {  	s10 =	sld [smem:$0x3FBA];
	_ =	sdelay $0x3  }
0x36: {  	p1 =	seq.s32 s10, $0x1;
	s10 =	sld [smem:$0x3FBB];
	_ =	sdelay $0x3  }
0x37: {  	[smem:$0x3FBB] =	sst s10  }
0x38: {  	s10 =	sld [smem:$0x3FBC]  }
0x39: {  	_ = 	snop;
	(pc) =	sbr.ind lr, $3  }
0x3a: {  	_ = 	snop  }
0x3b: {  	_ = 	snop  }
0x3c: {  	p2 =	seq.s32 s10, $0x1;
	s10 =	sld [smem:$0x3FBB]  }
0x3d: {  	_ =	shalt  }
0x3e: {  	_ =	shalt  }
0x3f: {  	_ =	shalt  }
0x40: {  	_ =	shalt  }
0x41: {  	_ =	shalt  }
0x42: {  	_ =	shalt  }
0x43: {  	_ =	shalt  }
0x44: {  	_ =	shalt  }
0x45: {  	_ =	shalt  }
0x46: {  	_ =	shalt  }
0x47: {  	_ =	shalt  }
0x48: {  	_ =	shalt  }
0x49: {  	_ =	shalt  }
0x4a: {  	_ =	shalt  }
0x4b: {  	_ =	shalt  }
0x4c: {  	_ =	shalt  }
0x4d: {  	_ =	shalt  }
0x4e: {  	_ =	shalt  }
0x4f: {  	_ =	shalt  }
0x50: {  	_ =	shalt  }
0x51: {  	_ =	shalt  }
0x52: {  	_ =	shalt  }
0x53: {  	_ =	shalt  }
0x54: {  	_ =	shalt  }
0x55: {  	_ =	shalt  }
0x56: {  	_ =	shalt  }
0x57: {  	_ =	shalt  }
0x58: {  	_ =	shalt  }
0x59: {  	_ =	shalt  }
0x5a: {  	_ =	shalt  }
0x5b: {  	_ =	shalt  }
0x5c: {  	_ =	shalt  }
0x5d: {  	_ =	shalt  }
0x5e: {  	_ =	shalt  }
0x5f: {  	_ =	shalt  }
0x60: {  	_ =	shalt  }
0x61: {  	_ =	shalt  }
0x62: {  	_ =	shalt  }
0x63: {  	_ =	shalt  }
0x64: {  	_ =	shalt  }
0x65: {  	_ =	shalt  }
0x66: {  	_ =	shalt  }
0x67: {  	_ =	shalt  }
0x68: {  	_ =	shalt  }
0x69: {  	_ =	shalt  }
0x6a: {  	_ =	shalt  }
0x6b: {  	_ =	shalt  }
0x6c: {  	_ =	shalt  }
0x6d: {  	_ =	shalt  }
0x6e: {  	_ =	shalt  }
0x6f: {  	_ =	shalt  }
0x70: {  	_ =	shalt  }
0x71: {  	_ =	shalt  }
0x72: {  	_ =	shalt  }
0x73: {  	_ =	shalt  }
0x74: {  	_ =	shalt  }
0x75: {  	_ =	shalt  }
0x76: {  	_ =	shalt  }
0x77: {  	_ =	shalt  }
0x78: {  	_ =	shalt  }
0x79: {  	_ =	shalt  }
0x7a: {  	_ =	shalt  }
0x7b: {  	_ =	shalt  }
0x7c: {  	_ =	shalt  }
0x7d: {  	_ =	shalt  }
0x7e: {  	_ =	shalt  }
0x7f: {  	_ =	shalt  }
0x80: {  	_ =	shalt  }
0x81: {  	_ =	shalt  }
0x82: {  	_ =	shalt  }
0x83: {  	_ =	shalt  }
0x84: {  	_ =	shalt  }
0x85: {  	_ =	shalt  }
0x86: {  	_ =	shalt  }
0x87: {  	_ =	shalt  }
.Lfunc_end0:
.L_simem_size_0:
called_computation_lowered:
.L_overlay_start_0:
0x88: {  	s2 =	sld [smem:$0x3FD9]  }
0x89: {  	s3 =	sld [smem:$0x3FFE];
	_ =	sdelay $0x1  }
0x8a: {  	s1 =	srdreg.scid  }
0x8b: {  	s0 =	sand.u32 $0x1, s1  }
0x8c: {  	s18 =	sshll.u32 s0, $0xA;
	s2 =	sadd.s32 s3, s2  }
0x8d: {  	s2 =	sadd.s32 s2, s18  }
0x8e: {  	[smem:$0x3FC7] =	sst s2  }
0x8f: {  	_ = 	snop  }
0x90: {  	s2 =	sld [smem:$0x3FC9]  }
0x91: {  	s19 =	sld [smem:$0x3FD0];
	(tm) =	ssettm $0x1  }
0x92: {  	s4 =	sld [smem:$0x3FFB];
	_ =	sdelay $0x3  }
0x93: {  	_ =	strace s4  }
0x94: {  	s4 =	sld [smem:$0x3FFC];
	_ =	sdelay $0x3  }
0x95: {  	_ =	strace s4  }
0x96: {  	s4 =	sld [smem:$0x3FFD];
	_ =	sdelay $0x3  }
0x97: {  	_ =	strace s4  }
0x98: {  	_ =	strace $0x8FFFFFFF  }
0x99: {  	s20 =	sld [smem:$0x3FDB];
	_ =	sdelay $0x1  }
0x9a: {  	s5 =	simm.s32 $_scs_section_size  }
0x9b: {  	s6 =	simm.s32 $_size__tile_overlayer_lowered;
	s7 =	simm.s32 $_tile_overlayer_lowered  }
0x9c: {  	s23 =	simm.s32 $0x1BFF;
	s22 =	sshll.u32 s7, $0x1;
	s4 =	sadd.s32 s5, s20  }
0x9d: {  	s8 =	simm.s32 $0x0;
	s21 =	sshll.u32 s6, $0x1;
	s6 =	sadd.s32 s22, s4  }
0x9e: {  	[timem:s8], [sflag:s23] =	dma.local [hbm:s6], s21  }
0x9f: {  	_ =	swait.ge [sflag:s23], s21  }
0xa0: {  	s5 =	ssub.s32 $0x0, s21;
	[sflag:s23] =	ssyncset.done $0x0  }
0xa1: {  	[sflag:s23] =	ssyncadd.s32 s5;
	_ =	sdelay $0x1  }
0xa2: {  	s24 =	simm.s32 $0x1B8B  }
0xa3: {  	_ =	swait.ge [sflag:s24], $0x1  }
0xa4: {  	[sflag:s24] =	ssyncset.done $0x0  }
0xa5: {  	s25 =	simm.s32 $0x1B8E;
	[sflag:s24] =	ssyncadd.s32 $0xFFFFFFFF  }
0xa6: {  	s26 =	simm.s32 $execute0_lowered;
	[smem:$0x3FD2] =	sst s25  }
0xa7: {  	s5 =	sshll.u32 s26, $0x1;
	_ =	strace $0x80000046;
	[dreg:$0x1] =	wrdreg $0xFFFFFFFF  }
0xa8: {  	s28 =	simm.s32 $_size_execute0_lowered;
	s4 =	sadd.s32 s4, s5;
	[dreg:$0x0] =	wrdreg $0x0  }
0xa9: {  	s5 =	sshll.u32 s28, $0x1;
	[dreg:$0x2] =	wrdreg s4  }
0xaa: {  	[dreg:$0x3] =	wrdreg s5  }
0xab: {  	[dreg:$0x4] =	wrdreg $0xC0  }
0xac: {  	_ =	task [dreg:s8], $0x5FFFF  }
0xad: {  	[dreg:$0x1] =	wrdreg $0xFFFFFFFF  }
0xae: {  	[dreg:$0x0] =	wrdreg $0x60  }
0xaf: {  	[dreg:$0x2] =	wrdreg s2  }
0xb0: {  	[dreg:$0x3] =	wrdreg s19  }
0xb1: {  	[dreg:$0x4] =	wrdreg $0x9  }
0xb2: {  	_ =	task.clear_ibuf [dreg:s8], $0x5FFFF;
	_ =	strace $0x90000046  }
0xb3: {  	s29 =	simm.s32 $0x9;
	_ =	strace $0x80000048  }
0xb4: {  	_ =	swait.ge [sflag:s29], $0x1  }
0xb5: {  	[sflag:s29] =	ssyncadd.s32 $0xFFFFFFFF  }
0xb6: {  	_ =	strace $0x90000048  }
0xb7: {  	_ =	sfence  }
0xb8: {  	s30 =	sld [smem:$0x0];
	_ =	sdelay $0x2  }
0xb9: {  	s31 =	sshll.u32 s1, $0xD;
	s1 =	sshrl.u32 s1, $0x2  }
0xba: {  	s3 =	sand.u32 $0x4000, s31;
	s1 =	sadd.s32 s1, s30  }
0xbb: {  	s0 =	sor.u32 s3, s0;
	s1 =	sshll.u32 s1, $0x11  }
0xbc: {  	s0 =	sor.u32 s1, s0  }
0xbd: {  	s0 =	sadd.s32 $0x8F2B, s0  }
0xbe: {  	[sflag:s0] =	ssyncadd.remote.s32 $0x1  }
0xbf: {  	_ =	sfence.sel $0xFFFF  }
0xc0: {  	[dreg:$0x0] =	wrdreg $0xFFFFFFFF;
	(pc) =	sbr.abs _section_cstart, $3  }
0xc1: {  	[dreg:$0x1] =	wrdreg $0xFFFFFFFF  }
0xc2: {  	_ =	task.clear_ibuf [dreg:s8], $0x2FFFF;
	_ =	strace $0x9FFFFFFF  }
0xc3: {  	(tm) =	ssettm $0x7FFFFFFF  }
tec
execute0_lowered:
.L_overlay_start_1:
0x0: {  	(tag) =	ssettag $0x1  }
0x1: {  	s0 =	rddreg [dreg:$0x0]  }
0x2: {  	s1 =	srdreg.scid;
	s3 =	stileid.u32  }
0x3: {  	s5 =	simm.s32 $0x0;
	s1 =	sand.u32 $0x1, s1;
	s3 =	sshll.u32 s3, $0x12  }
0x4: {  	[smem:$0x7FF] =	sst s5;
	s2 =	ssub.s32 $0x2, s1;
	s1 =	sshll.u32 s1, $0x11  }
.Ltmp0:
0x5: {  	s4 =	sshrl.u32 s2, $0x1;
	s3 =	sor.u32 s1, s3;
	(pc) =	sbr.rel .LBB2_1-.Ltmp0, $4  }
0x6: {  	s30 =	ssub.s32 s2, s4;
	[dreg:$0x3] =	wrdreg s3;
	s0 =	sadd.s32 s0, s3  }
0x7: {  	_ =	strace $0x80000047;
	[dreg:$0x4] =	wrdreg s0;
	s0 =	sadd.s32 $0x400, s0  }
0x8: {  	s3 =	simm.s32 $0x2000;
	s31 =	smax.u32 s30, $0x1;
	[dreg:$0x5] =	wrdreg s0  }
0x9: {  	s4 =	simm.s32 $0x8000;
	s2 =	simm.s32 $0x0;
	[dreg:$0x6] =	wrdreg s31  }
.LBB2_16:
0xa: {  	s0 =	simm.s32 $0x3  }
0xb: {  	_ =	swait.ge [sflag:s0], $0x4000  }
0xc: {  	[sflag:s0] =	ssyncset.done $0x0  }
0xd: {  	s1 =	simm.s32 $0x4;
	[sflag:s0] =	ssyncadd.s32 $0xFFFFC000  }
0xe: {  	_ =	swait.ge [sflag:s1], $0x4000  }
0xf: {  	s2 =	rddreg [dreg:$0x7]  }
0x10: {  	s31 =	rddreg [dreg:$0x6];
	s2 =	sadd.s32 $0x1, s2  }
0x11: {  	p0 =	sne.s32 s2, s31  }
.Ltmp1:
0x12: {  	_ = 	snop;
	(pc) =	sbr.rel @!p0 .LBB2_17-.Ltmp1, $3  }
0x13: {  	_ =	sdelay $0x1  }
0x14: {  	[sflag:s1] =	ssyncset.done $0x0  }
0x15: {  	[sflag:s1] =	ssyncadd.s32 $0xFFFFC000  }
.LBB2_1:
0x16: {  	[dreg:$0x7] =	wrdreg s2  }
0x17: {  	s0 =	simm.s32 $0x0;
	s1 =	rddreg [dreg:$0x4]  }
0x18: {  	s28 =	rddreg [dreg:$0x5];
	s29 =	simm.s32 $0x4000;
	s30 =	simm.f32 $0.0e+00  }
0x19: {  	s31 =	simm.f32 $0.0e+00;
	s6 =	simm.f32 $0.0e+00;
	s7 =	simm.f32 $0.0e+00  }
0x1a: {  	s15 =	simm.f32 $0.0e+00;
	s11 =	simm.f32 $0.0e+00;
	s13 =	simm.f32 $0.0e+00  }
0x1b: {  	s9 =	simm.f32 $0.0e+00;
	s22 =	simm.f32 $0.0e+00;
	s25 =	simm.f32 $0.0e+00  }
0x1c: {  	s20 =	simm.f32 $0.0e+00;
	s17 =	simm.f32 $0.0e+00;
	s8 =	simm.f32 $0.0e+00  }
0x1d: {  	[tilespmem:s0], [sflag:$0x1] =	stream.strided.gather [hbm4b:s1+s3], $0x4000, s4, s3, $0x38;
	[tilespmem:$0x10000] =	vst v63  }
0x1e: {  	s12 =	simm.f32 $0.0e+00;
	s14 =	simm.f32 $0.0e+00;
	[dreg:$0xc] =	wrdreg s30  }
0x1f: {  	s10 =	simm.f32 $0.0e+00;
	s5 =	simm.s32 $0x0;
	[dreg:$0x12] =	wrdreg s31  }
0x20: {  	[tilespmem:s29], [sflag:$0x2] =	stream.strided.gather [hbm4b:s28+s3], $0x4000, s4, s3, $0x38;
	[tilespmem:$0x10000] =	vst v63  }
.LBB2_2:
0x21: {  	[smem:$0x7FD] =	sst s13  }
0x22: {  	[dreg:$0x1f] =	wrdreg s11  }
0x23: {  	[dreg:$0x1b] =	wrdreg s15  }
0x24: {  	[dreg:$0x1a] =	wrdreg s9  }
0x25: {  	[dreg:$0x18] =	wrdreg s7  }
0x26: {  	[dreg:$0x15] =	wrdreg s6;
	s0 =	sshll.u32 s5, $0x1  }
0x27: {  	s15 =	simm.s32 $0x1;
	[dreg:$0x9] =	wrdreg s0  }
0x28: {  	p0 =	seq.s32 s5, $0x0;
	_ =	swait.ge [sflag:s15], $0x4000  }
0x29: {  	s1 =	sand.u32 $0x2, s0;
	[dreg:$0x8] =	wrdreg s5;
	[sflag:s15] =	ssyncset.done $0x0  }
0x2a: {  	s0 =	simm.s32 @!p0 $0x3;
	[dreg:$0xa] =	wrdreg s1;
	[sflag:s15] =	ssyncadd.s32 $0xFFFFC000  }
0x2b: {  	_ =	swait.ge @!p0 [sflag:s0], $0x4000  }
0x2c: {  	[sflag:s0] =	ssyncset.done @!p0 $0x0  }
0x2d: {  	[sflag:s0] =	ssyncadd.s32 @!p0 $0xFFFFC000;
	s0 =	simm.s32 $0x0  }
0x2e: {  	s16 =	sand.u32 $0x40, s0;
	s2 =	sand.u32 $0x1C00, s0  }
0x2f: {  	s4 =	sor.u32 s16, s2  }
0x30: {  	v0 =	vld [tilespmem:s4+$0x20]  }
0x31: {  	v1 =	vld [tilespmem:s4+$0x0]  }
0x32: {  	v2 =	vld [tilespmem:s4+$0x180]  }
0x33: {  	v3 =	vld [tilespmem:s4+$0x90]  }
0x34: {  	v4 =	vld [tilespmem:s4+$0x80]  }
0x35: {  	(xrf2) =	vadd.scan.msk.f32 $0xffff, v0  }
0x36: {  	v0 =	vld [tilespmem:s4+$0x100];
	(xrf2) =	vadd.scan.msk.f32 $0xffff, v1  }
0x37: {  	(xrf2) =	vadd.scan.msk.f32 $0xffff, v2  }
0x38: {  	(xrf2) =	vadd.scan.msk.f32 $0xffff, v3  }
0x39: {  	(xrf2) =	vadd.scan.msk.f32 $0xffff, v4;
	_ =	sdelay $0x1  }
0x3a: {  	(xrf2) =	vadd.scan.msk.f32 $0xffff, v0;
	_ =	sdelay $0x3  }
0x3b: {  	v0, _, _ =	vpop (xrf2)  }
0x3c: {  	v2 =	vld [tilespmem:s4+$0x1A0];
	v1, _, _ =	vpop (xrf2)  }
0x3d: {  	v3 =	vld [tilespmem:s4+$0x190];
	v4, _, _ =	vpop (xrf2)  }
0x3e: {  	(v2sf) =	vpush v4, $0xF;
	v5, _, _ =	vpop (xrf2)  }
0x3f: {  	p1 =	seq.s32 s1, $0x0;
	v6 =	vld [tilespmem:s4+$0x110];
	v7, _, _ =	vpop (xrf2);
	(v2sf) =	vpush v5, $0xF  }
0x40: {  	s8 =	simm.s32 @p1 $0x0;
	v8 =	vld [tilespmem:s4+$0xA0];
	(v2sf) =	vpush v7, $0xF  }
0x41: {  	v9 =	vld [tilespmem:s4+$0x10];
	(xrf2) =	vadd.scan.msk.f32 $0xffff, v2;
	v2 =	vadd.f32 s8, v4;
	v4, _, _ =	vpop (xrf2);
	(v2sf) =	vpush v1, $0xF  }
0x42: {  	s10 =	simm.s32 @p1 $0x0;
	(xrf2) =	vadd.scan.msk.f32 $0xffff, v3;
	(v2sf) =	vpush v4, $0xF  }
0x43: {  	v1 =	vadd.f32 s10, v1  }
0x44: {  	p2 =	por $0x0, $0x0;
	s1 =	simm.s32 $0x1;
	s12 =	simm.s32 @p1 $0x0;
	(xrf2) =	vadd.scan.msk.f32 $0xffff, v6;
	[tilespmem:s4+$0x8180] =	vst v2  }
0x45: {  	s14 =	simm.s32 @p1 $0x0;
	s1 =	simm.s32 @!p2 $0x0;
	(xrf2) =	vadd.scan.msk.f32 $0xffff, v8;
	v2 =	vld [tilespmem:s4+$0x1B0];
	[tilespmem:s4+$0x8000] =	vst v1;
	v1 =	vadd.f32 s12, v4  }
0x46: {  	s1 =	sshll.u32 s1, $0x6;
	(xrf2) =	vadd.scan.msk.f32 $0xffff, v9;
	v3 =	vadd.f32 s14, v7;
	v4 =	vld [tilespmem:s4+$0x120]  }
0x47: {  	s2 =	sadd.s32 $0x0, s1;
	[tilespmem:s4+$0x8100] =	vst v1;
	v1 =	vld [tilespmem:s4+$0x30]  }
0x48: {  	s1 =	sor.u32 $0x200, s2;
	[tilespmem:s4+$0x8080] =	vst v3  }
0x49: {  	v3 =	vld [tilespmem:s1+$0x0]  }
0x4a: {  	(xrf2) =	vadd.scan.msk.f32 $0xffff, v2  }
0x4b: {  	v2, _, _ =	vpop (xrf2);
	(xrf2) =	vadd.scan.msk.f32 $0xffff, v4  }
0x4c: {  	(xrf2) =	vadd.scan.msk.f32 $0xffff, v1;
	v1, _, _ =	vpop (xrf2)  }
0x4d: {  	s3 =	spop (v2sf);
	(v2sf) =	vpush v1, $0xF  }
0x4e: {  	(xrf2) =	vadd.scan.msk.f32 $0xffff, v3;
	v3, _, _ =	vpop (xrf2);
	s18 =	spop (v2sf);
	(v2sf) =	vpush v2, $0xF  }
0x4f: {  	v4, _, _ =	vpop (xrf2);
	s21 =	spop (v2sf);
	(v2sf) =	vpush v0, $0xF  }
0x50: {  	v6, _, _ =	vpop (xrf2);
	s23 =	sadd.f32 s3, s8;
	s24 =	spop (v2sf);
	(v2sf) =	vpush v3, $0xF  }
0x51: {  	s6 =	sadd.f32 s21, s14;
	s26 =	spop (v2sf);
	(v2sf) =	vpush v6, $0xF  }
0x52: {  	v1 =	vadd.f32 s23, v1;
	s8 =	sadd.f32 s26, s12  }
0x53: {  	v5 =	vadd.f32 s6, v5  }
0x54: {  	v7, _, _ =	vpop (xrf2);
	[tilespmem:s4+$0x8190] =	vst v1;
	v1 =	vadd.f32 s8, v3  }
0x55: {  	s31 =	sadd.f32 s24, s10;
	(v2sf) =	vpush v7, $0xF;
	v8, _, _ =	vpop (xrf2)  }
0x56: {  	(v2sf) =	vpush v8, $0xF  }
0x57: {  	[tilespmem:s4+$0x8090] =	vst v5;
	v3 =	vadd.f32 s31, v6;
	(v2sf) =	vpush v4, $0xF;
	v5, _, _ =	vpop (xrf2)  }
0x58: {  	s3 =	sadd.s32 $0x10, s2;
	v6 =	vld [tilespmem:s4+$0xB0];
	[tilespmem:s4+$0x8110] =	vst v1;
	(v2sf) =	vpush v5, $0xF;
	v1, _, _ =	vpop (xrf2)  }
0x59: {  	s17 =	simm.s32 @p1 $0x0;
	v62 =	vld [tilespmem:s4+$0x130];
	s10 =	sor.u32 $0x200, s3;
	[tilespmem:s4+$0x8010] =	vst v3;
	(v2sf) =	vpush v1, $0xF  }
0x5a: {  	v3 =	vadd.f32 s17, v1;
	v1 =	vld [tilespmem:s10+$0x0];
	_ =	sdelay $0x1  }
0x5b: {  	s13 =	spop (v2sf)  }
0x5c: {  	s12 =	sor.u32 $0x280, s2;
	(xrf2) =	vadd.scan.msk.f32 $0xffff, v6;
	[tilespmem:s1+$0x8000] =	vst v3;
	s14 =	spop (v2sf)  }
0x5d: {  	s6 =	sadd.f32 s18, s6;
	(xrf2) =	vadd.scan.msk.f32 $0xffff, v62;
	v3 =	vld [tilespmem:s12+$0x0];
	s15 =	spop (v2sf)  }
0x5e: {  	s11 =	sadd.f32 s13, s23;
	(xrf2) =	vadd.scan.msk.f32 $0xffff, v1;
	s19 =	spop (v2sf)  }
0x5f: {  	s21 =	sadd.f32 s19, s8;
	s24 =	spop (v2sf)  }
0x60: {  	v1 =	vadd.f32 s11, v2;
	s26 =	sadd.f32 s24, s31  }
0x61: {  	v2 =	vadd.f32 s6, v4  }
0x62: {  	(xrf2) =	vadd.scan.msk.f32 $0xffff, v3;
	[tilespmem:s4+$0x81A0] =	vst v1;
	v1 =	vadd.f32 s21, v8;
	v0 =	vadd.f32 s26, v0  }
0x63: {  	s5 =	spop (v2sf);
	[tilespmem:s4+$0x80A0] =	vst v2  }
0x64: {  	s7 =	sadd.s32 $0x20, s2;
	s16 =	spop (v2sf);
	[tilespmem:s4+$0x8120] =	vst v1  }
0x65: {  	s19 =	sor.u32 $0x200, s7;
	s18 =	spop (v2sf);
	[tilespmem:s4+$0x8020] =	vst v0  }
0x66: {  	s8 =	spop (v2sf);
	v1 =	vld [tilespmem:s19+$0x0];
	v0, _, _ =	vpop (xrf2)  }
0x67: {  	v2, _, _ =	vpop (xrf2);
	(v2sf) =	vpush v0, $0xF;
	s31 =	spop (v2sf)  }
0x68: {  	(v2sf) =	vpush v2, $0xF;
	v3, _, _ =	vpop (xrf2);
	s23 =	sadd.f32 s31, s17  }
0x69: {  	(v2sf) =	vpush v3, $0xF  }
0x6a: {  	v3 =	vadd.f32 s23, v3  }
0x6b: {  	(xrf2) =	vadd.scan.msk.f32 $0xffff, v1  }
0x6c: {  	s20 =	simm.s32 @p1 $0x0;
	s17 =	sor.u32 $0x280, s3;
	v4, _, _ =	vpop (xrf2);
	[tilespmem:s10+$0x8000] =	vst v3  }
0x6d: {  	v6 =	vadd.f32 s20, v4;
	v1 =	vld [tilespmem:s17+$0x0];
	_ =	sdelay $0x1  }
0x6e: {  	s24 =	sor.u32 $0x300, s2;
	[tilespmem:s12+$0x8000] =	vst v6  }
0x6f: {  	v3 =	vld [tilespmem:s24+$0x0];
	_ =	sdelay $0x1  }
0x70: {  	(xrf2) =	vadd.scan.msk.f32 $0xffff, v1;
	_ =	sdelay $0x1  }
0x71: {  	s9 =	sadd.f32 s14, s11  }
0x72: {  	s11 =	sadd.f32 s15, s26;
	(xrf2) =	vadd.scan.msk.f32 $0xffff, v3;
	v1, _, _ =	vpop (xrf2)  }
0x73: {  	s1 =	sadd.f32 s18, s6;
	s15 =	spop (v2sf);
	(v2sf) =	vpush v1, $0xF  }
0x74: {  	s12 =	spop (v2sf);
	(v2sf) =	vpush v4, $0xF  }
0x75: {  	v5 =	vadd.f32 s11, v5;
	v0 =	vadd.f32 s1, v0;
	s10 =	sadd.f32 s16, s21;
	s21 =	spop (v2sf)  }
0x76: {  	s13 =	sadd.f32 s21, s23  }
0x77: {  	[tilespmem:s4+$0x8030] =	vst v5;
	v2 =	vadd.f32 s10, v2  }
0x78: {  	[tilespmem:s4+$0x80B0] =	vst v0;
	v3 =	vadd.f32 s9, v7;
	v1 =	vadd.f32 s13, v1  }
0x79: {  	s2 =	sadd.s32 $0x30, s2;
	[tilespmem:s4+$0x8130] =	vst v2;
	v0, _, _ =	vpop (xrf2)  }
0x7a: {  	s16 =	sor.u32 $0x200, s2;
	[tilespmem:s4+$0x81B0] =	vst v3;
	(v2sf) =	vpush v0, $0xF  }
0x7b: {  	s14 =	simm.s32 $0x40;
	s18 =	sor.u32 $0x280, s7;
	s4 =	simm.s32 $0x200;
	v2 =	vld [tilespmem:s16+$0x0];
	[tilespmem:s19+$0x8000] =	vst v1  }
0x7c: {  	s25 =	simm.s32 @p1 $0x0;
	s26 =	sand.u32 $0x40, s14;
	s31 =	sand.u32 $0x1C00, s4;
	v3 =	vld [tilespmem:s18+$0x0];
	v1, _, _ =	vpop (xrf2)  }
0x7d: {  	s6 =	sor.u32 s26, s31;
	v4 =	vadd.f32 s25, v1  }
0x7e: {  	s0 =	sor.u32 s0, s0;
	v5 =	vld [tilespmem:s6+$0x20]  }
0x7f: {  	s0 =	sor.u32 $0x380, s0;
	v6 =	vld [tilespmem:s6+$0x0];
	[tilespmem:s24+$0x8000] =	vst v4  }
0x80: {  	(xrf2) =	vadd.scan.msk.f32 $0xffff, v2;
	v4 =	vld [tilespmem:s0+$0x0]  }
0x81: {  	v2 =	vld [tilespmem:s6+$0x180];
	(xrf2) =	vadd.scan.msk.f32 $0xffff, v3  }
0x82: {  	s21 =	spop (v2sf)  }
0x83: {  	(xrf2) =	vadd.scan.msk.f32 $0xffff, v5;
	s31 =	spop (v2sf)  }
0x84: {  	(xrf2) =	vadd.scan.msk.f32 $0xffff, v6;
	s20 =	sadd.f32 s31, s20  }
0x85: {  	(xrf2) =	vadd.scan.msk.f32 $0xffff, v4  }
0x86: {  	(xrf2) =	vadd.scan.msk.f32 $0xffff, v2;
	v0 =	vadd.f32 s20, v0  }
0x87: {  	v2 =	vld [tilespmem:s6+$0x90]  }
0x88: {  	s19 =	sor.u32 $0x300, s3;
	v4 =	vld [tilespmem:s6+$0x80];
	[tilespmem:s17+$0x8000] =	vst v0  }
0x89: {  	s26 =	spop (v2sf);
	v6 =	vld [tilespmem:s19+$0x0]  }
0x8a: {  	v3, _, _ =	vpop (xrf2);
	s26 =	sadd.f32 s26, s20  }
0x8b: {  	v5, _, _ =	vpop (xrf2)  }
0x8c: {  	(v2sf) =	vpush v1, $0xF;
	(xrf2) =	vadd.scan.msk.f32 $0xffff, v2;
	v1 =	vadd.f32 s26, v5  }
0x8d: {  	(v2sf) =	vpush v3, $0xF;
	v0, _, _ =	vpop (xrf2);
	(xrf2) =	vadd.scan.msk.f32 $0xffff, v4  }
0x8e: {  	(v2sf) =	vpush v5, $0xF;
	v7, _, _ =	vpop (xrf2);
	(xrf2) =	vadd.scan.msk.f32 $0xffff, v6  }
0x8f: {  	v5, _, _ =	vpop (xrf2)  }
0x90: {  	s23 =	sor.u32 $0x300, s7;
	v2 =	vld [tilespmem:s6+$0x100];
	[tilespmem:s18+$0x8000] =	vst v1;
	(v2sf) =	vpush v5, $0xF;
	v1, _, _ =	vpop (xrf2)  }
0x91: {  	v4 =	vld [tilespmem:s23+$0x0];
	(v2sf) =	vpush v1, $0xF;
	_ =	sdelay $0x2  }
0x92: {  	v6 =	vld [tilespmem:s6+$0x1A0]  }
0x93: {  	(xrf2) =	vadd.scan.msk.f32 $0xffff, v2  }
0x94: {  	s21 =	sadd.f32 s21, s13;
	(xrf2) =	vadd.scan.msk.f32 $0xffff, v4;
	v2, _, _ =	vpop (xrf2)  }
0x95: {  	v63 =	vld [tilespmem:s6+$0x190];
	v8, _, _ =	vpop (xrf2)  }
0x96: {  	v4 =	vadd.f32 s21, v3;
	v3, _, _ =	vpop (xrf2)  }
0x97: {  	s13 =	sadd.f32 s8, s11;
	(xrf2) =	vadd.scan.msk.f32 $0xffff, v6;
	(v2sf) =	vpush v3, $0xF  }
0x98: {  	s9 =	sadd.f32 s5, s9;
	v10 =	vld [tilespmem:s6+$0x110]  }
0x99: {  	s22 =	simm.s32 @p1 $0x0;
	p2 =	por !p2, !p2;
	s29 =	spop (v2sf);
	v11 =	vadd.f32 s13, v7  }
0x9a: {  	s18 =	sadd.f32 s15, s1;
	s1 =	simm.s32 $0x1;
	s24 =	spop (v2sf);
	[tilespmem:s16+$0x8000] =	vst v4;
	v4 =	vadd.f32 s9, v1;
	(xrf2) =	vadd.scan.msk.f32 $0xffff, v63;
	(v2sf) =	vpush v2, $0xF  }
0x9b: {  	s1 =	simm.s32 @!p2 $0x0;
	v5 =	vadd.f32 s22, v5;
	s31 =	spop (v2sf);
	(v2sf) =	vpush v8, $0xF  }
0x9c: {  	s17 =	sadd.f32 s12, s10;
	[tilespmem:s6+$0x8000] =	vst v11;
	s1 =	sshll.u32 s1, $0x6;
	(v2sf) =	vpush v7, $0xF;
	v7 =	vld [tilespmem:s6+$0xA0]  }
0x9d: {  	s11 =	simm.s32 $0x4;
	s8 =	sadd.s32 $0x200, s1;
	[tilespmem:s0+$0x8000] =	vst v5;
	v12 =	vadd.f32 s18, v8;
	(xrf2) =	vadd.scan.msk.f32 $0xffff, v10;
	v13, _, _ =	vpop (xrf2);
	s5 =	spop (v2sf)  }
0x9e: {  	s10 =	simm.s32 $0x200;
	v5 =	vld [tilespmem:s6+$0x10];
	s28 =	sadd.s32 $0x10, s8;
	[tilespmem:s6+$0x8180] =	vst v4;
	v8 =	vadd.f32 s17, v13;
	v4, _, _ =	vpop (xrf2);
	s1 =	spop (v2sf);
	(v2sf) =	vpush v13, $0xF  }
0x9f: {  	s30 =	sadd.s32 $0x20, s8;
	s12 =	sadd.f32 s24, s21;
	v6 =	vld [tilespmem:s6+$0x120];
	s16 =	sor.u32 $0x280, s2;
	[tilespmem:s6+$0x8080] =	vst v12;
	(v2sf) =	vpush v4, $0xF  }
0xa0: {  	s0 =	simm.s32 $0x40;
	s24 =	sor.u32 $0x200, s8;
	v1 =	vld [tilespmem:s16+$0x0];
	s15 =	sadd.f32 s31, s26;
	[tilespmem:s6+$0x8100] =	vst v8  }
.LBB2_3:
0xa1: {  	s11 =	sadd.s32 $0x4, s11;
	v8 =	vld [tilespmem:s24+$0x0];
	s26 =	sadd.s32 $0x30, s8;
	(xrf2) =	vadd.scan.msk.f32 $0xffff, v7;
	v7, _, _ =	vpop (xrf2)  }
0xa2: {  	p3 =	slt.u32 s11, $0x3C;
	v9 =	vld [tilespmem:s6+$0x1B0]  }
0xa3: {  	v10 =	vld [tilespmem:s6+$0x30]  }
0xa4: {  	(xrf2) =	vadd.scan.msk.f32 $0xffff, v5;
	v5, _, _ =	vpop (xrf2);
	_ =	sdelay $0x1  }
0xa5: {  	s31 =	spop (v2sf)  }
0xa6: {  	v11, _, _ =	vpop (xrf2);
	(xrf2) =	vadd.scan.msk.f32 $0xffff, v9;
	_ =	sdelay $0x2  }
0xa7: {  	s9 =	sadd.f32 s1, s9;
	s1 =	spop (v2sf)  }
0xa8: {  	s25 =	sadd.f32 s29, s25;
	s20 =	spop (v2sf);
	(v2sf) =	vpush v5, $0xF;
	v9, _, _ =	vpop (xrf2);
	(xrf2) =	vadd.scan.msk.f32 $0xffff, v6  }
0xa9: {  	v12 =	vadd.f32 s9, v5;
	s29 =	sadd.f32 s20, s18;
	s18 =	spop (v2sf);
	(v2sf) =	vpush v7, $0xF  }
0xaa: {  	v3 =	vadd.f32 s25, v3;
	s25 =	sadd.f32 s31, s25;
	v6 =	vld [tilespmem:s6+$0x130];
	s20 =	spop (v2sf);
	(v2sf) =	vpush v0, $0xF  }
0xab: {  	s20 =	sadd.f32 s20, s17;
	v2 =	vadd.f32 s29, v2;
	[tilespmem:s6+$0x8190] =	vst v12;
	v5, _, _ =	vpop (xrf2);
	(v2sf) =	vpush v11, $0xF;
	(xrf2) =	vadd.scan.msk.f32 $0xffff, v10;
	s31 =	spop (v2sf)  }
0xac: {  	s21 =	sadd.f32 s18, s13;
	(v2sf) =	vpush v5, $0xF;
	[tilespmem:s19+$0x8000] =	vst v3;
	v3 =	vadd.f32 s25, v4  }
0xad: {  	s17 =	sor.u32 $0x380, s3;
	s3 =	smov.u32 s28;
	s25 =	sadd.f32 s31, s25;
	[tilespmem:s6+$0x8090] =	vst v2;
	v2 =	vadd.f32 s20, v11;
	v4 =	vld [tilespmem:s6+$0xB0]  }
0xae: {  	v5 =	vadd.f32 s21, v5;
	s19 =	sor.u32 $0x380, s7;
	s7 =	smov.u32 s30;
	v10, _, _ =	vpop (xrf2);
	v11 =	vld [tilespmem:s17+$0x0];
	[tilespmem:s23+$0x8000] =	vst v3  }
0xaf: {  	(v2sf) =	vpush v10, $0xF;
	v3 =	vld [tilespmem:s19+$0x0]  }
0xb0: {  	[tilespmem:s6+$0x8110] =	vst v2;
	(xrf2) =	vadd.scan.msk.f32 $0xffff, v1  }
0xb1: {  	s18 =	sor.u32 $0x200, s3;
	[tilespmem:s6+$0x8010] =	vst v5  }
0xb2: {  	v1 =	vld [tilespmem:s18+$0x0];
	v2, _, _ =	vpop (xrf2)  }
0xb3: {  	(xrf2) =	vadd.scan.msk.f32 $0xffff, v8;
	_ =	sdelay $0x1  }
0xb4: {  	v5, _, _ =	vpop (xrf2)  }
0xb5: {  	(xrf2) =	vadd.scan.msk.f32 $0xffff, v4  }
0xb6: {  	s13 =	spop (v2sf)  }
0xb7: {  	s9 =	sadd.f32 s13, s9;
	(v2sf) =	vpush v2, $0xF;
	s23 =	spop (v2sf)  }
0xb8: {  	s13 =	sadd.f32 s1, s29;
	s1 =	spop (v2sf)  }
0xb9: {  	v4 =	vadd.f32 s9, v7;
	s9 =	sadd.f32 s23, s9;
	s23 =	spop (v2sf);
	v7, _, _ =	vpop (xrf2)  }
0xba: {  	v12 =	vadd.f32 s13, v9;
	s20 =	sadd.f32 s23, s20;
	s23 =	spop (v2sf);
	(v2sf) =	vpush v9, $0xF;
	(xrf2) =	vadd.scan.msk.f32 $0xffff, v6  }
0xbb: {  	v6 =	vadd.f32 s15, v7;
	s21 =	sadd.f32 s23, s21;
	[tilespmem:s6+$0x81A0] =	vst v4;
	v4 =	vadd.f32 s9, v10  }
0xbc: {  	[tilespmem:s6+$0x80A0] =	vst v12;
	v2 =	vadd.f32 s20, v2;
	v8, _, _ =	vpop (xrf2);
	(v2sf) =	vpush v7, $0xF  }
0xbd: {  	v0 =	vadd.f32 s21, v0;
	s28 =	sadd.f32 s1, s21;
	(xrf2) =	vadd.scan.msk.f32 $0xffff, v1;
	(v2sf) =	vpush v5, $0xF;
	s21 =	spop (v2sf);
	[tilespmem:s16+$0x8000] =	vst v6;
	s1 =	sor.u32 $0x300, s2  }
0xbe: {  	v1 =	vadd.f32 s12, v8;
	[tilespmem:s6+$0x8120] =	vst v2;
	s9 =	sadd.f32 s21, s9;
	(v2sf) =	vpush v8, $0xF;
	v2 =	vld [tilespmem:s1+$0x0]  }
0xbf: {  	s16 =	sor.u32 $0x200, s7;
	[tilespmem:s6+$0x8020] =	vst v0;
	v0 =	vadd.f32 s28, v5;
	v5, _, _ =	vpop (xrf2)  }
0xc0: {  	v6 =	vld [tilespmem:s16+$0x0];
	[tilespmem:s6+$0x81B0] =	vst v4;
	(xrf2) =	vadd.scan.msk.f32 $0xffff, v3  }
0xc1: {  	[tilespmem:s6+$0x8030] =	vst v0  }
0xc2: {  	s23 =	sor.u32 $0x280, s8;
	[tilespmem:s24+$0x8000] =	vst v1  }
0xc3: {  	v0 =	vld [tilespmem:s23+$0x0];
	(xrf2) =	vadd.scan.msk.f32 $0xffff, v11  }
0xc4: {  	v1, _, _ =	vpop (xrf2)  }
0xc5: {  	(v2sf) =	vpush v5, $0xF  }
0xc6: {  	s21 =	spop (v2sf);
	(v2sf) =	vpush v1, $0xF;
	(xrf2) =	vadd.scan.msk.f32 $0xffff, v2  }
0xc7: {  	s20 =	sadd.f32 s21, s20;
	v2, _, _ =	vpop (xrf2);
	_ =	sdelay $0x1  }
0xc8: {  	v1 =	vadd.f32 s20, v1;
	s21 =	spop (v2sf)  }
0xc9: {  	s24 =	sadd.f32 s21, s13;
	v3, _, _ =	vpop (xrf2)  }
0xca: {  	s21 =	sadd.f32 s5, s22;
	[tilespmem:s6+$0x8130] =	vst v1;
	(xrf2) =	vadd.scan.msk.f32 $0xffff, v0;
	(v2sf) =	vpush v3, $0xF;
	s5 =	spop (v2sf)  }
0xcb: {  	v0 =	vadd.f32 s24, v5;
	s13 =	spop (v2sf);
	s5 =	sadd.f32 s5, s15  }
0xcc: {  	s13 =	sadd.f32 s13, s28;
	s15 =	spop (v2sf);
	(v2sf) =	vpush v2, $0xF;
	v1, _, _ =	vpop (xrf2)  }
0xcd: {  	s28 =	sadd.f32 s15, s12;
	(xrf2) =	vadd.scan.msk.f32 $0xffff, v6;
	v4 =	vadd.f32 s21, v1;
	(v2sf) =	vpush v1, $0xF;
	_ =	sdelay $0x1  }
0xce: {  	v1 =	vadd.f32 s28, v2;
	[tilespmem:s17+$0x8000] =	vst v4;
	v2, _, _ =	vpop (xrf2)  }
0xcf: {  	v4 =	vadd.f32 s25, v2;
	(v2sf) =	vpush v2, $0xF  }
0xd0: {  	s12 =	sor.u32 $0x280, s3;
	[tilespmem:s18+$0x8000] =	vst v1  }
0xd1: {  	v1 =	vld [tilespmem:s12+$0x0];
	[tilespmem:s1+$0x8000] =	vst v4;
	s1 =	sor.u32 $0x380, s2;
	s2 =	smov.u32 s26  }
0xd2: {  	s15 =	spop (v2sf);
	v2 =	vld [tilespmem:s1+$0x0]  }
0xd3: {  	s18 =	sadd.f32 s15, s24;
	v4, _, _ =	vpop (xrf2);
	s15 =	spop (v2sf)  }
0xd4: {  	v5 =	vadd.f32 s5, v4;
	s17 =	sadd.f32 s15, s20;
	_ =	sdelay $0x1  }
0xd5: {  	[tilespmem:s23+$0x8000] =	vst v5;
	s23 =	sor.u32 $0x300, s8;
	(xrf2) =	vadd.scan.msk.f32 $0xffff, v1;
	v1, _, _ =	vpop (xrf2)  }
0xd6: {  	v5 =	vld [tilespmem:s23+$0x0];
	(v2sf) =	vpush v1, $0xF  }
0xd7: {  	s15 =	sor.u32 $0x200, s2;
	[tilespmem:s6+$0x80B0] =	vst v0;
	s20 =	spop (v2sf)  }
0xd8: {  	v0 =	vld [tilespmem:s15+$0x0];
	(xrf2) =	vadd.scan.msk.f32 $0xffff, v2  }
0xd9: {  	s6 =	spop (v2sf)  }
0xda: {  	s24 =	sadd.f32 s6, s28;
	s6 =	spop (v2sf)  }
0xdb: {  	(xrf2) =	vadd.scan.msk.f32 $0xffff, v5  }
0xdc: {  	v1 =	vadd.f32 s24, v1  }
0xdd: {  	s26 =	spop (v2sf)  }
0xde: {  	s8 =	sor.u32 $0x280, s7;
	[tilespmem:s16+$0x8000] =	vst v1;
	(v2sf) =	vpush v4, $0xF;
	s25 =	sadd.f32 s26, s25  }
0xdf: {  	s4 =	sadd.s32 $0x200, s4;
	s14 =	sadd.s32 $0x40, s14;
	s16 =	sadd.f32 s6, s21;
	v1 =	vld [tilespmem:s8+$0x0];
	v2, _, _ =	vpop (xrf2)  }
0xe0: {  	s6 =	sand.u32 $0x40, s14;
	s21 =	sand.u32 $0x1C00, s4;
	(v2sf) =	vpush v2, $0xF  }
0xe1: {  	s6 =	sor.u32 s6, s21;
	s21 =	sadd.f32 s20, s16;
	(xrf2) =	vadd.scan.msk.f32 $0xffff, v0;
	v0 =	vadd.f32 s16, v3  }
0xe2: {  	v3 =	vld [tilespmem:s6+$0x20];
	v4, _, _ =	vpop (xrf2)  }
0xe3: {  	[tilespmem:s19+$0x8000] =	vst v0;
	v0 =	vadd.f32 s21, v4;
	(v2sf) =	vpush v4, $0xF  }
0xe4: {  	v4 =	vld [tilespmem:s6+$0x0];
	(xrf2) =	vadd.scan.msk.f32 $0xffff, v1  }
0xe5: {  	v5 =	vld [tilespmem:s6+$0x180];
	v1, _, _ =	vpop (xrf2);
	s16 =	spop (v2sf);
	[tilespmem:s1+$0x8000] =	vst v0  }
0xe6: {  	v0 =	vadd.f32 s25, v1;
	s1 =	sadd.f32 s16, s24;
	(v2sf) =	vpush v1, $0xF  }
0xe7: {  	s16 =	sor.u32 s10, s0;
	s10 =	smov.u32 s4;
	s0 =	smov.u32 s14;
	(xrf2) =	vadd.scan.msk.f32 $0xffff, v3  }
0xe8: {  	s20 =	sor.u32 $0x380, s16;
	[tilespmem:s23+$0x8000] =	vst v0  }
0xe9: {  	v0 =	vld [tilespmem:s20+$0x0];
	_ =	sdelay $0x1  }
0xea: {  	(xrf2) =	vadd.scan.msk.f32 $0xffff, v4;
	v1, _, _ =	vpop (xrf2)  }
0xeb: {  	v6 =	vadd.f32 s1, v1;
	(v2sf) =	vpush v1, $0xF  }
0xec: {  	s16 =	spop (v2sf)  }
0xed: {  	v4 =	vld [tilespmem:s6+$0x80];
	s5 =	sadd.f32 s16, s5;
	[tilespmem:s15+$0x8000] =	vst v6;
	(xrf2) =	vadd.scan.msk.f32 $0xffff, v0;
	v3, _, _ =	vpop (xrf2)  }
0xee: {  	s16 =	sor.u32 $0x280, s2;
	v6 =	vld [tilespmem:s6+$0x90];
	s15 =	spop (v2sf);
	(v2sf) =	vpush v3, $0xF  }
0xef: {  	p2 =	por !p2, !p2;
	v2 =	vadd.f32 s5, v2;
	s5 =	sadd.f32 s15, s5;
	v1 =	vld [tilespmem:s16+$0x0]  }
0xf0: {  	(xrf2) =	vadd.scan.msk.f32 $0xffff, v5;
	v0, _, _ =	vpop (xrf2)  }
0xf1: {  	s19 =	sor.u32 $0x300, s3;
	[tilespmem:s12+$0x8000] =	vst v2;
	v2 =	vadd.f32 s5, v3;
	s12 =	spop (v2sf)  }
0xf2: {  	v3 =	vld [tilespmem:s19+$0x0];
	s22 =	sadd.f32 s12, s21  }
0xf3: {  	(xrf2) =	vadd.scan.msk.f32 $0xffff, v6;
	[tilespmem:s8+$0x8000] =	vst v2  }
0xf4: {  	v2 =	vld [tilespmem:s6+$0x100];
	v6, _, _ =	vpop (xrf2);
	s29 =	spop (v2sf)  }
0xf5: {  	s23 =	sor.u32 $0x300, s7;
	v8 =	vld [tilespmem:s6+$0x190]  }
0xf6: {  	(xrf2) =	vadd.scan.msk.f32 $0xffff, v4;
	v4 =	vld [tilespmem:s23+$0x0]  }
0xf7: {  	v5, _, _ =	vpop (xrf2)  }
0xf8: {  	v7 =	vadd.f32 s22, v5;
	(v2sf) =	vpush v5, $0xF  }
0xf9: {  	(xrf2) =	vadd.scan.msk.f32 $0xffff, v3  }
0xfa: {  	v9, _, _ =	vpop (xrf2);
	[tilespmem:s20+$0x8000] =	vst v7;
	s8 =	spop (v2sf)  }
0xfb: {  	v7 =	vld [tilespmem:s6+$0x1A0];
	(v2sf) =	vpush v9, $0xF;
	s12 =	sadd.f32 s8, s1  }
0xfc: {  	(xrf2) =	vadd.scan.msk.f32 $0xffff, v2  }
0xfd: {  	v2, _, _ =	vpop (xrf2);
	s1 =	spop (v2sf)  }
0xfe: {  	s15 =	sadd.f32 s1, s5  }
0xff: {  	v5 =	vld [tilespmem:s6+$0x10];
	(xrf2) =	vadd.scan.msk.f32 $0xffff, v4  }
0x100: {  	v10 =	vld [tilespmem:s6+$0x110];
	v4, _, _ =	vpop (xrf2)  }
0x101: {  	v11 =	vadd.f32 s18, v4;
	_ =	sdelay $0x1  }
0x102: {  	v3, _, _ =	vpop (xrf2)  }
0x103: {  	(xrf2) =	vadd.scan.msk.f32 $0xffff, v7;
	(v2sf) =	vpush v3, $0xF  }
0x104: {  	v7 =	vadd.f32 s9, v9  }
0x105: {  	v9, _, _ =	vpop (xrf2)  }
0x106: {  	[tilespmem:s6+$0x8180] =	vst v7;
	v7 =	vld [tilespmem:s6+$0xA0];
	(xrf2) =	vadd.scan.msk.f32 $0xffff, v8;
	s5 =	spop (v2sf)  }
0x107: {  	(v2sf) =	vpush v2, $0xF  }
.Ltmp2:
0x108: {  	s8 =	simm.s32 $0x1;
	v8 =	vadd.f32 s13, v6;
	(v2sf) =	vpush v4, $0xF;
	v4, _, _ =	vpop (xrf2);
	(pc) =	sbr.rel @p3 .LBB2_3-.Ltmp2, $4  }
0x109: {  	s8 =	simm.s32 @!p2 $0x0;
	(v2sf) =	vpush v6, $0xF;
	s1 =	spop (v2sf);
	(xrf2) =	vadd.scan.msk.f32 $0xffff, v10  }
0x10a: {  	s8 =	sshll.u32 s8, $0x6;
	[tilespmem:s6+$0x8000] =	vst v8;
	v8 =	vadd.f32 s17, v9;
	(v2sf) =	vpush v9, $0xF  }
0x10b: {  	s8 =	sadd.s32 s8, s4;
	[tilespmem:s6+$0x8080] =	vst v11;
	v6 =	vld [tilespmem:s6+$0x120];
	(v2sf) =	vpush v4, $0xF  }
0x10c: {  	s24 =	sor.u32 $0x200, s8;
	s28 =	sadd.s32 $0x10, s8;
	s30 =	sadd.s32 $0x20, s8;
	[tilespmem:s6+$0x8100] =	vst v8  }
0x10d: {  	(xrf2) =	vadd.scan.msk.f32 $0xffff, v7  }
0x10e: {  	(xrf2) =	vadd.scan.msk.f32 $0xffff, v5;
	_ =	sdelay $0x3  }
0x10f: {  	v5, _, _ =	vpop (xrf2)  }
0x110: {  	v7, _, _ =	vpop (xrf2)  }
0x111: {  	v8 =	vld [tilespmem:s6+$0x1B0];
	(v2sf) =	vpush v7, $0xF  }
0x112: {  	(v2sf) =	vpush v5, $0xF  }
0x113: {  	v9 =	vld [tilespmem:s6+$0x30];
	v10, _, _ =	vpop (xrf2);
	(v2sf) =	vpush v0, $0xF  }
0x114: {  	(v2sf) =	vpush v10, $0xF;
	v11, _, _ =	vpop (xrf2)  }
0x115: {  	v12, _, _ =	vpop (xrf2)  }
0x116: {  	(xrf2) =	vadd.scan.msk.f32 $0xffff, v8;
	v8 =	vld [tilespmem:s24+$0x0];
	(v2sf) =	vpush v12, $0xF  }
0x117: {  	(xrf2) =	vadd.scan.msk.f32 $0xffff, v6  }
0x118: {  	s4 =	spop (v2sf);
	(xrf2) =	vadd.scan.msk.f32 $0xffff, v9  }
0x119: {  	s1 =	sadd.f32 s1, s9;
	s20 =	spop (v2sf);
	(xrf2) =	vadd.scan.msk.f32 $0xffff, v1  }
0x11a: {  	s11 =	sadd.f32 s29, s25;
	s21 =	spop (v2sf)  }
0x11b: {  	s9 =	sadd.f32 s21, s18;
	s14 =	spop (v2sf);
	(xrf2) =	vadd.scan.msk.f32 $0xffff, v8  }
0x11c: {  	v3 =	vadd.f32 s11, v3;
	s25 =	spop (v2sf)  }
0x11d: {  	s26 =	sadd.f32 s25, s17;
	v2 =	vadd.f32 s9, v2  }
0x11e: {  	[tilespmem:s19+$0x8000] =	vst v3;
	s11 =	sadd.f32 s4, s11;
	v1 =	vadd.f32 s1, v7  }
0x11f: {  	s25 =	spop (v2sf);
	[tilespmem:s6+$0x8090] =	vst v2;
	v2 =	vadd.f32 s26, v10  }
0x120: {  	s13 =	sadd.f32 s14, s13;
	[tilespmem:s6+$0x8190] =	vst v1;
	v1 =	vadd.f32 s11, v4;
	s19 =	spop (v2sf);
	v3, _, _ =	vpop (xrf2)  }
0x121: {  	s14 =	sadd.f32 s19, s1;
	s17 =	spop (v2sf);
	(v2sf) =	vpush v3, $0xF;
	v4, _, _ =	vpop (xrf2)  }
0x122: {  	v6 =	vadd.f32 s13, v12;
	[tilespmem:s23+$0x8000] =	vst v1;
	s19 =	sadd.f32 s20, s9;
	s18 =	spop (v2sf);
	v7, _, _ =	vpop (xrf2);
	(v2sf) =	vpush v4, $0xF  }
0x123: {  	[tilespmem:s6+$0x8110] =	vst v2;
	v1 =	vadd.f32 s14, v5;
	s20 =	spop (v2sf);
	v2, _, _ =	vpop (xrf2);
	(v2sf) =	vpush v11, $0xF  }
0x124: {  	[tilespmem:s6+$0x8010] =	vst v6;
	v5 =	vld [tilespmem:s6+$0xB0];
	v6 =	vadd.f32 s19, v11;
	s23 =	sadd.f32 s20, s26;
	(v2sf) =	vpush v2, $0xF  }
0x125: {  	v8 =	vld [tilespmem:s6+$0x130];
	s20 =	sor.u32 $0x200, s28;
	[tilespmem:s6+$0x81A0] =	vst v1;
	v1 =	vadd.f32 s15, v2;
	v2, _, _ =	vpop (xrf2);
	(v2sf) =	vpush v7, $0xF;
	s21 =	spop (v2sf)  }
0x126: {  	s4 =	sor.u32 $0x380, s7;
	v55 =	vld [tilespmem:s20+$0x0];
	[tilespmem:s6+$0x80A0] =	vst v6;
	v4 =	vadd.f32 s23, v4;
	(v2sf) =	vpush v2, $0xF;
	s1 =	sadd.f32 s21, s13  }
0x127: {  	s3 =	sor.u32 $0x380, s3;
	v6 =	vld [tilespmem:s4+$0x0];
	[tilespmem:s16+$0x8000] =	vst v1;
	v1 =	vadd.f32 s12, v2  }
0x128: {  	v2 =	vld [tilespmem:s3+$0x0];
	[tilespmem:s6+$0x8120] =	vst v4;
	s13 =	sor.u32 $0x300, s2;
	v0 =	vadd.f32 s1, v0  }
0x129: {  	s16 =	sor.u32 $0x280, s8;
	(xrf2) =	vadd.scan.msk.f32 $0xffff, v5;
	[tilespmem:s24+$0x8000] =	vst v1;
	v4 =	vld [tilespmem:s13+$0x0]  }
0x12a: {  	(xrf2) =	vadd.scan.msk.f32 $0xffff, v8;
	s24 =	sor.u32 $0x200, s30;
	[tilespmem:s6+$0x8020] =	vst v0;
	v0 =	vld [tilespmem:s16+$0x0]  }
0x12b: {  	(xrf2) =	vadd.scan.msk.f32 $0xffff, v55;
	v1 =	vld [tilespmem:s24+$0x0]  }
0x12c: {  	(xrf2) =	vadd.scan.msk.f32 $0xffff, v6  }
0x12d: {  	(xrf2) =	vadd.scan.msk.f32 $0xffff, v2  }
0x12e: {  	(xrf2) =	vadd.scan.msk.f32 $0xffff, v4  }
0x12f: {  	(xrf2) =	vadd.scan.msk.f32 $0xffff, v0  }
0x130: {  	s7 =	spop (v2sf);
	(xrf2) =	vadd.scan.msk.f32 $0xffff, v1  }
0x131: {  	s21 =	spop (v2sf)  }
0x132: {  	s26 =	spop (v2sf)  }
0x133: {  	v2, _, _ =	vpop (xrf2);
	s29 =	spop (v2sf)  }
0x134: {  	v4, _, _ =	vpop (xrf2);
	s9 =	spop (v2sf)  }
0x135: {  	(v2sf) =	vpush v2, $0xF;
	v5, _, _ =	vpop (xrf2);
	s31 =	spop (v2sf)  }
0x136: {  	(v2sf) =	vpush v4, $0xF;
	v0, _, _ =	vpop (xrf2);
	s31 =	sadd.f32 s31, s12  }
0x137: {  	s25 =	sadd.f32 s25, s11;
	(v2sf) =	vpush v0, $0xF;
	v1, _, _ =	vpop (xrf2)  }
0x138: {  	s29 =	sadd.f32 s29, s15;
	(v2sf) =	vpush v5, $0xF;
	v5 =	vadd.f32 s31, v5;
	v6, _, _ =	vpop (xrf2)  }
0x139: {  	(v2sf) =	vpush v1, $0xF;
	v8 =	vadd.f32 s25, v6;
	v56, _, _ =	vpop (xrf2)  }
0x13a: {  	(v2sf) =	vpush v6, $0xF;
	[tilespmem:s20+$0x8000] =	vst v5;
	s20 =	sor.u32 $0x280, s28;
	v5 =	vadd.f32 s29, v56;
	v6, _, _ =	vpop (xrf2)  }
0x13b: {  	s2 =	sor.u32 $0x380, s2;
	[tilespmem:s13+$0x8000] =	vst v8;
	v8 =	vld [tilespmem:s20+$0x0];
	(v2sf) =	vpush v6, $0xF  }
0x13c: {  	s12 =	sor.u32 $0x300, s8;
	[tilespmem:s16+$0x8000] =	vst v5;
	v5 =	vld [tilespmem:s2+$0x0];
	(v2sf) =	vpush v56, $0xF  }
0x13d: {  	v57 =	vld [tilespmem:s12+$0x0];
	_ =	sdelay $0x2  }
0x13e: {  	(xrf2) =	vadd.scan.msk.f32 $0xffff, v8  }
0x13f: {  	(xrf2) =	vadd.scan.msk.f32 $0xffff, v5  }
0x140: {  	(xrf2) =	vadd.scan.msk.f32 $0xffff, v57;
	_ =	sdelay $0x1  }
0x141: {  	s13 =	spop (v2sf)  }
0x142: {  	s15 =	sadd.f32 s18, s1;
	s11 =	spop (v2sf)  }
0x143: {  	s14 =	sadd.f32 s17, s14;
	s17 =	spop (v2sf)  }
0x144: {  	v5 =	vadd.f32 s15, v7;
	s1 =	spop (v2sf)  }
0x145: {  	v3 =	vadd.f32 s14, v3;
	s21 =	sadd.f32 s21, s23;
	s18 =	spop (v2sf)  }
0x146: {  	s16 =	sadd.f32 s26, s19;
	s26 =	spop (v2sf)  }
0x147: {  	[tilespmem:s6+$0x81B0] =	vst v3;
	v3 =	vadd.f32 s21, v4;
	s1 =	sadd.f32 s1, s31;
	v4, _, _ =	vpop (xrf2);
	s23 =	spop (v2sf)  }
0x148: {  	v2 =	vadd.f32 s16, v2;
	[tilespmem:s6+$0x8030] =	vst v5;
	s19 =	sadd.f32 s26, s25;
	v5, _, _ =	vpop (xrf2);
	s26 =	spop (v2sf)  }
0x149: {  	s8 =	sadd.s32 $0x30, s8;
	[tilespmem:s6+$0x8130] =	vst v3;
	v3 =	vadd.f32 s1, v6;
	s25 =	sadd.f32 s26, s29;
	v6, _, _ =	vpop (xrf2)  }
0x14a: {  	[tilespmem:s6+$0x80B0] =	vst v2;
	s26 =	sor.u32 $0x200, s8;
	v2 =	vadd.f32 s19, v6  }
0x14b: {  	s0 =	sor.u32 s10, s0;
	s10 =	sor.u32 $0x280, s30;
	[tilespmem:s24+$0x8000] =	vst v3;
	(v2sf) =	vpush v4, $0xF;
	v3 =	vld [tilespmem:s26+$0x0];
	v4 =	vadd.f32 s25, v4  }
0x14c: {  	s0 =	sor.u32 $0x380, s0;
	[tilespmem:s12+$0x8000] =	vst v2;
	v2 =	vld [tilespmem:s10+$0x0]  }
0x14d: {  	s12 =	sor.u32 $0x300, s28;
	v7 =	vld [tilespmem:s0+$0x0];
	[tilespmem:s20+$0x8000] =	vst v4  }
0x14e: {  	v4 =	vld [tilespmem:s12+$0x0];
	_ =	sdelay $0x1  }
0x14f: {  	(xrf2) =	vadd.scan.msk.f32 $0xffff, v3  }
0x150: {  	(xrf2) =	vadd.scan.msk.f32 $0xffff, v2  }
0x151: {  	(xrf2) =	vadd.scan.msk.f32 $0xffff, v7  }
0x152: {  	(xrf2) =	vadd.scan.msk.f32 $0xffff, v4;
	_ =	sdelay $0x5  }
0x153: {  	(v2sf) =	vpush v5, $0xF  }
0x154: {  	(v2sf) =	vpush v6, $0xF;
	s24 =	spop (v2sf);
	v2, _, _ =	vpop (xrf2)  }
0x155: {  	s20 =	sadd.f32 s24, s25;
	(v2sf) =	vpush v2, $0xF;
	v3, _, _ =	vpop (xrf2)  }
0x156: {  	(v2sf) =	vpush v3, $0xF;
	v4, _, _ =	vpop (xrf2)  }
0x157: {  	s6 =	sadd.f32 s23, s1;
	v3 =	vadd.f32 s20, v3;
	(v2sf) =	vpush v4, $0xF;
	v6, _, _ =	vpop (xrf2)  }
0x158: {  	(v2sf) =	vpush v6, $0xF  }
0x159: {  	v2 =	vadd.f32 s6, v2;
	[tilespmem:s10+$0x8000] =	vst v3;
	s10 =	sor.u32 $0x300, s30  }
0x15a: {  	v3 =	vld [tilespmem:s10+$0x0]  }
0x15b: {  	s23 =	sor.u32 $0x280, s8;
	[tilespmem:s26+$0x8000] =	vst v2  }
0x15c: {  	v2 =	vld [tilespmem:s23+$0x0];
	_ =	sdelay $0x2  }
0x15d: {  	(xrf2) =	vadd.scan.msk.f32 $0xffff, v3;
	_ =	sdelay $0x1  }
0x15e: {  	(xrf2) =	vadd.scan.msk.f32 $0xffff, v2  }
0x15f: {  	s24 =	spop (v2sf)  }
0x160: {  	s25 =	spop (v2sf)  }
0x161: {  	s1 =	spop (v2sf)  }
0x162: {  	s26 =	spop (v2sf)  }
0x163: {  	s19 =	sadd.f32 s25, s19;
	s25 =	spop (v2sf)  }
0x164: {  	s29 =	spop (v2sf)  }
0x165: {  	s29 =	sadd.f32 s29, s19  }
0x166: {  	v2, _, _ =	vpop (xrf2)  }
0x167: {  	s20 =	sadd.f32 s26, s20;
	v3 =	vadd.f32 s29, v2  }
0x168: {  	v6 =	vadd.f32 s19, v6;
	v7, _, _ =	vpop (xrf2)  }
0x169: {  	[tilespmem:s10+$0x8000] =	vst v3;
	s10 =	sor.u32 $0x380, s30;
	v3 =	vadd.f32 s20, v7  }
0x16a: {  	[tilespmem:s12+$0x8000] =	vst v6;
	s12 =	sor.u32 $0x380, s28;
	(v2sf) =	vpush v2, $0xF;
	v2 =	vld [tilespmem:s10+$0x0]  }
0x16b: {  	v6 =	vld [tilespmem:s12+$0x0];
	s19 =	sor.u32 $0x300, s8;
	[tilespmem:s23+$0x8000] =	vst v3  }
0x16c: {  	v3 =	vld [tilespmem:s19+$0x0];
	_ =	sdelay $0x2  }
0x16d: {  	(xrf2) =	vadd.scan.msk.f32 $0xffff, v2  }
0x16e: {  	(xrf2) =	vadd.scan.msk.f32 $0xffff, v6  }
0x16f: {  	(xrf2) =	vadd.scan.msk.f32 $0xffff, v3;
	_ =	sdelay $0x7  }
0x170: {  	s26 =	spop (v2sf);
	v2, _, _ =	vpop (xrf2)  }
0x171: {  	s23 =	sadd.f32 s26, s29;
	v3, _, _ =	vpop (xrf2)  }
0x172: {  	v6, _, _ =	vpop (xrf2)  }
0x173: {  	v8 =	vadd.f32 s23, v6;
	_ =	sdelay $0x1  }
0x174: {  	s8 =	sor.u32 $0x380, s8;
	[tilespmem:s19+$0x8000] =	vst v8  }
0x175: {  	v8 =	vld [tilespmem:s8+$0x0];
	_ =	sdelay $0x4  }
0x176: {  	(xrf2) =	vadd.scan.msk.f32 $0xffff, v8;
	_ =	sdelay $0x3  }
0x177: {  	(v2sf) =	vpush v7, $0xF  }
0x178: {  	(v2sf) =	vpush v2, $0xF  }
0x179: {  	(v2sf) =	vpush v3, $0xF  }
0x17a: {  	s5 =	sadd.f32 s5, s22  }
0x17b: {  	s7 =	sadd.f32 s7, s14  }
0x17c: {  	s9 =	sadd.f32 s9, s15  }
0x17d: {  	s18 =	sadd.f32 s18, s5;
	(v2sf) =	vpush v6, $0xF;
	v6, _, _ =	vpop (xrf2)  }
0x17e: {  	s13 =	sadd.f32 s13, s16;
	(v2sf) =	vpush v6, $0xF  }
0x17f: {  	s17 =	sadd.f32 s17, s18  }
0x180: {  	s11 =	sadd.f32 s11, s21  }
0x181: {  	s14 =	sadd.f32 s24, s17  }
0x182: {  	[smem:$0x7FA] =	sst s7  }
0x183: {  	v1 =	vadd.f32 s5, v1;
	[dreg:$0x1d] =	wrdreg s9  }
0x184: {  	[smem:$0x7FB] =	sst s13  }
0x185: {  	v0 =	vadd.f32 s18, v0;
	s22 =	sadd.f32 s25, s14;
	[tilespmem:s3+$0x8000] =	vst v1  }
0x186: {  	s19 =	spop (v2sf);
	v1 =	vadd.f32 s17, v5;
	[smem:$0x7FC] =	sst s11  }
0x187: {  	s7 =	sadd.f32 s1, s6;
	[tilespmem:s4+$0x8000] =	vst v0;
	v0 =	vadd.f32 s14, v4;
	s24 =	spop (v2sf)  }
0x188: {  	s9 =	sadd.f32 s19, s20;
	[tilespmem:s2+$0x8000] =	vst v1;
	s25 =	spop (v2sf)  }
0x189: {  	[tilespmem:s0+$0x8000] =	vst v0;
	s26 =	sadd.f32 s25, s22  }
0x18a: {  	[dreg:$0x19] =	wrdreg s7  }
0x18b: {  	v1 =	vadd.f32 s22, v3;
	s5 =	sadd.f32 s24, s26  }
0x18c: {  	[dreg:$0x16] =	wrdreg s9;
	s11 =	spop (v2sf);
	v0 =	vadd.f32 s26, v2  }
0x18d: {  	[tilespmem:s12+$0x8000] =	vst v1;
	v1 =	vadd.f32 s5, v6;
	s13 =	spop (v2sf)  }
0x18e: {  	[tilespmem:s10+$0x8000] =	vst v0;
	s0 =	sadd.f32 s13, s5  }
0x18f: {  	s12 =	sadd.f32 s11, s23;
	[tilespmem:s8+$0x8000] =	vst v1  }
0x190: {  	[dreg:$0xd] =	wrdreg s0;
	s0 =	simm.s32 $0x0  }
0x191: {  	s14 =	sand.u32 $0x40, s0;
	s16 =	sand.u32 $0x1C00, s0  }
0x192: {  	[dreg:$0x13] =	wrdreg s12;
	s3 =	sor.u32 s14, s16  }
0x193: {  	v0 =	vld [tilespmem:s3+$0x2020]  }
0x194: {  	v1 =	vld [tilespmem:s3+$0x2000]  }
0x195: {  	v2 =	vld [tilespmem:s3+$0x2180]  }
0x196: {  	v3 =	vld [tilespmem:s3+$0x2090]  }
0x197: {  	v4 =	vld [tilespmem:s3+$0x2080]  }
0x198: {  	(xrf2) =	vadd.scan.msk.f32 $0xffff, v0  }
0x199: {  	v0 =	vld [tilespmem:s3+$0x2100];
	(xrf2) =	vadd.scan.msk.f32 $0xffff, v1  }
0x19a: {  	(xrf2) =	vadd.scan.msk.f32 $0xffff, v2  }
0x19b: {  	(xrf2) =	vadd.scan.msk.f32 $0xffff, v3  }
0x19c: {  	(xrf2) =	vadd.scan.msk.f32 $0xffff, v4;
	_ =	sdelay $0x1  }
0x19d: {  	(xrf2) =	vadd.scan.msk.f32 $0xffff, v0;
	_ =	sdelay $0x3  }
0x19e: {  	s9 =	rddreg [dreg:$0x1a];
	v0, _, _ =	vpop (xrf2)  }
0x19f: {  	s8 =	sld [smem:$0x7FD];
	v2 =	vld [tilespmem:s3+$0x21A0];
	v1, _, _ =	vpop (xrf2)  }
0x1a0: {  	s10 =	rddreg [dreg:$0x1f];
	v3 =	vld [tilespmem:s3+$0x2190];
	v4, _, _ =	vpop (xrf2)  }
0x1a1: {  	s7 =	rddreg [dreg:$0x1b];
	(v2sf) =	vpush v4, $0xF;
	v5, _, _ =	vpop (xrf2)  }
0x1a2: {  	s15 =	rddreg [dreg:$0x15];
	v6 =	vld [tilespmem:s3+$0x2110];
	v7, _, _ =	vpop (xrf2);
	(v2sf) =	vpush v5, $0xF  }
0x1a3: {  	s22 =	rddreg [dreg:$0x12];
	s7 =	simm.s32 @p1 $0x0;
	v8 =	vld [tilespmem:s3+$0x20A0];
	(v2sf) =	vpush v7, $0xF  }
0x1a4: {  	s1 =	simm.s32 $0x1;
	s25 =	rddreg [dreg:$0xc];
	v58 =	vld [tilespmem:s3+$0x2010];
	(xrf2) =	vadd.scan.msk.f32 $0xffff, v2;
	v2 =	vadd.f32 s7, v4;
	v4, _, _ =	vpop (xrf2);
	(v2sf) =	vpush v1, $0xF  }
0x1a5: {  	s9 =	simm.s32 @p1 $0x0;
	s10 =	simm.s32 @p1 $0x0;
	s15 =	simm.s32 @p1 $0x0;
	(xrf2) =	vadd.scan.msk.f32 $0xffff, v3;
	(v2sf) =	vpush v4, $0xF  }
0x1a6: {  	s22 =	simm.s32 @p1 $0x0;
	s25 =	simm.s32 @p1 $0x0;
	s13 =	rddreg [dreg:$0x18];
	v1 =	vadd.f32 s9, v1  }
0x1a7: {  	s8 =	simm.s32 @p1 $0x0;
	s13 =	simm.s32 @p1 $0x0;
	p1 =	por $0x0, $0x0;
	(xrf2) =	vadd.scan.msk.f32 $0xffff, v6;
	[tilespmem:s3+$0xA180] =	vst v2  }
0x1a8: {  	s1 =	simm.s32 @!p1 $0x0;
	(xrf2) =	vadd.scan.msk.f32 $0xffff, v8;
	v2 =	vld [tilespmem:s3+$0x21B0];
	[tilespmem:s3+$0xA000] =	vst v1;
	v1 =	vadd.f32 s10, v4  }
0x1a9: {  	s1 =	sshll.u32 s1, $0x6;
	(xrf2) =	vadd.scan.msk.f32 $0xffff, v58;
	v3 =	vadd.f32 s8, v7;
	v4 =	vld [tilespmem:s3+$0x2120]  }
0x1aa: {  	s2 =	sadd.s32 $0x0, s1;
	[tilespmem:s3+$0xA100] =	vst v1;
	v1 =	vld [tilespmem:s3+$0x2030]  }
0x1ab: {  	s17 =	sor.u32 $0x2200, s2;
	[tilespmem:s3+$0xA080] =	vst v3  }
0x1ac: {  	v3 =	vld [tilespmem:s17+$0x0]  }
0x1ad: {  	(xrf2) =	vadd.scan.msk.f32 $0xffff, v2  }
0x1ae: {  	v2, _, _ =	vpop (xrf2);
	(xrf2) =	vadd.scan.msk.f32 $0xffff, v4  }
0x1af: {  	(xrf2) =	vadd.scan.msk.f32 $0xffff, v1;
	v1, _, _ =	vpop (xrf2)  }
0x1b0: {  	(v2sf) =	vpush v1, $0xF;
	s18 =	spop (v2sf)  }
0x1b1: {  	(xrf2) =	vadd.scan.msk.f32 $0xffff, v3;
	v3, _, _ =	vpop (xrf2);
	(v2sf) =	vpush v2, $0xF;
	s19 =	spop (v2sf)  }
0x1b2: {  	v4, _, _ =	vpop (xrf2);
	(v2sf) =	vpush v0, $0xF;
	s20 =	spop (v2sf)  }
0x1b3: {  	v6, _, _ =	vpop (xrf2);
	s7 =	sadd.f32 s18, s7;
	(v2sf) =	vpush v3, $0xF;
	s21 =	spop (v2sf)  }
0x1b4: {  	(v2sf) =	vpush v6, $0xF;
	s6 =	sadd.f32 s20, s8;
	s23 =	spop (v2sf)  }
0x1b5: {  	v1 =	vadd.f32 s7, v1;
	s8 =	sadd.f32 s23, s10  }
0x1b6: {  	v5 =	vadd.f32 s6, v5  }
0x1b7: {  	v7, _, _ =	vpop (xrf2);
	[tilespmem:s3+$0xA190] =	vst v1;
	v1 =	vadd.f32 s8, v3  }
0x1b8: {  	(v2sf) =	vpush v7, $0xF;
	s9 =	sadd.f32 s21, s9;
	v8, _, _ =	vpop (xrf2)  }
0x1b9: {  	(v2sf) =	vpush v8, $0xF  }
0x1ba: {  	[tilespmem:s3+$0xA090] =	vst v5;
	v3 =	vadd.f32 s9, v6;
	(v2sf) =	vpush v4, $0xF;
	v5, _, _ =	vpop (xrf2)  }
0x1bb: {  	s1 =	sadd.s32 $0x10, s2;
	v6 =	vld [tilespmem:s3+$0x20B0];
	[tilespmem:s3+$0xA110] =	vst v1;
	(v2sf) =	vpush v5, $0xF;
	v1, _, _ =	vpop (xrf2)  }
0x1bc: {  	v59 =	vld [tilespmem:s3+$0x2130];
	s11 =	sor.u32 $0x2200, s1;
	[tilespmem:s3+$0xA010] =	vst v3;
	(v2sf) =	vpush v1, $0xF  }
0x1bd: {  	v3 =	vadd.f32 s13, v1;
	v1 =	vld [tilespmem:s11+$0x0];
	_ =	sdelay $0x1  }
0x1be: {  	s24 =	spop (v2sf)  }
0x1bf: {  	s4 =	sor.u32 $0x2280, s2;
	(xrf2) =	vadd.scan.msk.f32 $0xffff, v6;
	[tilespmem:s17+$0x8000] =	vst v3;
	s12 =	spop (v2sf)  }
0x1c0: {  	s16 =	sadd.f32 s19, s6;
	(xrf2) =	vadd.scan.msk.f32 $0xffff, v59;
	v3 =	vld [tilespmem:s4+$0x0];
	s14 =	spop (v2sf)  }
0x1c1: {  	s7 =	sadd.f32 s24, s7;
	s26 =	spop (v2sf);
	(xrf2) =	vadd.scan.msk.f32 $0xffff, v1  }
0x1c2: {  	s8 =	sadd.f32 s26, s8;
	s17 =	spop (v2sf)  }
0x1c3: {  	v1 =	vadd.f32 s7, v2;
	s18 =	sadd.f32 s17, s9  }
0x1c4: {  	v2 =	vadd.f32 s16, v4  }
0x1c5: {  	[tilespmem:s3+$0xA1A0] =	vst v1;
	v1 =	vadd.f32 s8, v8;
	(xrf2) =	vadd.scan.msk.f32 $0xffff, v3;
	v0 =	vadd.f32 s18, v0  }
0x1c6: {  	s5 =	spop (v2sf);
	[tilespmem:s3+$0xA0A0] =	vst v2  }
0x1c7: {  	s10 =	sadd.s32 $0x20, s2;
	s19 =	spop (v2sf);
	[tilespmem:s3+$0xA120] =	vst v1  }
0x1c8: {  	s20 =	sor.u32 $0x2200, s10;
	s21 =	spop (v2sf);
	[tilespmem:s3+$0xA020] =	vst v0  }
0x1c9: {  	v1 =	vld [tilespmem:s20+$0x0];
	v0, _, _ =	vpop (xrf2);
	s6 =	spop (v2sf)  }
0x1ca: {  	v2, _, _ =	vpop (xrf2);
	(v2sf) =	vpush v0, $0xF;
	s23 =	spop (v2sf)  }
0x1cb: {  	(v2sf) =	vpush v2, $0xF;
	v3, _, _ =	vpop (xrf2);
	s24 =	sadd.f32 s23, s13  }
0x1cc: {  	(v2sf) =	vpush v3, $0xF  }
0x1cd: {  	v3 =	vadd.f32 s24, v3  }
0x1ce: {  	(xrf2) =	vadd.scan.msk.f32 $0xffff, v1  }
0x1cf: {  	s13 =	sor.u32 $0x2280, s1;
	v4, _, _ =	vpop (xrf2);
	[tilespmem:s11+$0x8000] =	vst v3  }
0x1d0: {  	v6 =	vadd.f32 s15, v4;
	v1 =	vld [tilespmem:s13+$0x0];
	_ =	sdelay $0x1  }
0x1d1: {  	s26 =	sor.u32 $0x2300, s2;
	[tilespmem:s4+$0x8000] =	vst v6  }
0x1d2: {  	v3 =	vld [tilespmem:s26+$0x0];
	_ =	sdelay $0x1  }
0x1d3: {  	(xrf2) =	vadd.scan.msk.f32 $0xffff, v1;
	_ =	sdelay $0x1  }
0x1d4: {  	s9 =	sadd.f32 s12, s7  }
0x1d5: {  	s16 =	sadd.f32 s21, s16;
	v1, _, _ =	vpop (xrf2);
	(xrf2) =	vadd.scan.msk.f32 $0xffff, v3  }
0x1d6: {  	s11 =	sadd.f32 s14, s18;
	s14 =	spop (v2sf);
	(v2sf) =	vpush v1, $0xF  }
0x1d7: {  	s8 =	sadd.f32 s19, s8;
	s12 =	spop (v2sf);
	(v2sf) =	vpush v4, $0xF  }
0x1d8: {  	v0 =	vadd.f32 s16, v0;
	s18 =	spop (v2sf)  }
0x1d9: {  	v2 =	vadd.f32 s8, v2;
	s7 =	sadd.f32 s18, s24  }
0x1da: {  	[tilespmem:s3+$0xA0B0] =	vst v0;
	v5 =	vadd.f32 s11, v5  }
0x1db: {  	[tilespmem:s3+$0xA130] =	vst v2;
	v3 =	vadd.f32 s9, v7;
	v1 =	vadd.f32 s7, v1  }
0x1dc: {  	s2 =	sadd.s32 $0x30, s2;
	[tilespmem:s3+$0xA030] =	vst v5;
	v0, _, _ =	vpop (xrf2)  }
0x1dd: {  	s17 =	sor.u32 $0x2200, s2;
	[tilespmem:s3+$0xA1B0] =	vst v3;
	(v2sf) =	vpush v0, $0xF  }
0x1de: {  	s4 =	simm.s32 $0x200;
	v2 =	vld [tilespmem:s17+$0x0];
	s24 =	simm.s32 $0x40;
	s18 =	sor.u32 $0x2280, s10;
	[tilespmem:s20+$0x8000] =	vst v1  }
0x1df: {  	s19 =	sand.u32 $0x40, s24;
	s20 =	sand.u32 $0x1C00, s4;
	v3 =	vld [tilespmem:s18+$0x0];
	v1, _, _ =	vpop (xrf2)  }
0x1e0: {  	s3 =	sor.u32 s19, s20;
	v4 =	vadd.f32 s22, v1  }
0x1e1: {  	s0 =	sor.u32 s0, s0;
	v5 =	vld [tilespmem:s3+$0x2020]  }
0x1e2: {  	s0 =	sor.u32 $0x2380, s0;
	v6 =	vld [tilespmem:s3+$0x2000];
	[tilespmem:s26+$0x8000] =	vst v4  }
0x1e3: {  	(xrf2) =	vadd.scan.msk.f32 $0xffff, v2;
	v4 =	vld [tilespmem:s0+$0x0]  }
0x1e4: {  	v2 =	vld [tilespmem:s3+$0x2180];
	(xrf2) =	vadd.scan.msk.f32 $0xffff, v3  }
0x1e5: {  	s20 =	spop (v2sf)  }
0x1e6: {  	(xrf2) =	vadd.scan.msk.f32 $0xffff, v5;
	s21 =	spop (v2sf)  }
0x1e7: {  	(xrf2) =	vadd.scan.msk.f32 $0xffff, v6;
	s23 =	sadd.f32 s21, s15  }
0x1e8: {  	(xrf2) =	vadd.scan.msk.f32 $0xffff, v4  }
0x1e9: {  	v0 =	vadd.f32 s23, v0;
	(xrf2) =	vadd.scan.msk.f32 $0xffff, v2  }
0x1ea: {  	v2 =	vld [tilespmem:s3+$0x2090]  }
0x1eb: {  	s19 =	sor.u32 $0x2300, s1;
	v4 =	vld [tilespmem:s3+$0x2080];
	[tilespmem:s13+$0x8000] =	vst v0  }
0x1ec: {  	v6 =	vld [tilespmem:s19+$0x0];
	s26 =	spop (v2sf)  }
0x1ed: {  	v3, _, _ =	vpop (xrf2);
	s21 =	sadd.f32 s26, s23  }
0x1ee: {  	v5, _, _ =	vpop (xrf2)  }
0x1ef: {  	(v2sf) =	vpush v1, $0xF;
	(xrf2) =	vadd.scan.msk.f32 $0xffff, v2;
	v1 =	vadd.f32 s21, v5  }
0x1f0: {  	v0, _, _ =	vpop (xrf2);
	(xrf2) =	vadd.scan.msk.f32 $0xffff, v4  }
0x1f1: {  	(v2sf) =	vpush v3, $0xF;
	v7, _, _ =	vpop (xrf2);
	(xrf2) =	vadd.scan.msk.f32 $0xffff, v6  }
0x1f2: {  	(v2sf) =	vpush v5, $0xF;
	v5, _, _ =	vpop (xrf2)  }
0x1f3: {  	s28 =	sor.u32 $0x2300, s10;
	v2 =	vld [tilespmem:s3+$0x2100];
	[tilespmem:s18+$0x8000] =	vst v1;
	(v2sf) =	vpush v5, $0xF;
	v1, _, _ =	vpop (xrf2)  }
0x1f4: {  	v4 =	vld [tilespmem:s28+$0x0];
	(v2sf) =	vpush v1, $0xF;
	_ =	sdelay $0x2  }
0x1f5: {  	v6 =	vld [tilespmem:s3+$0x21A0]  }
0x1f6: {  	(xrf2) =	vadd.scan.msk.f32 $0xffff, v2  }
0x1f7: {  	s15 =	sadd.f32 s20, s7;
	(xrf2) =	vadd.scan.msk.f32 $0xffff, v4;
	v2, _, _ =	vpop (xrf2)  }
0x1f8: {  	v60 =	vld [tilespmem:s3+$0x2190];
	v8, _, _ =	vpop (xrf2)  }
0x1f9: {  	v4 =	vadd.f32 s15, v3;
	v3, _, _ =	vpop (xrf2)  }
0x1fa: {  	s13 =	sadd.f32 s6, s11;
	(xrf2) =	vadd.scan.msk.f32 $0xffff, v6;
	(v2sf) =	vpush v3, $0xF  }
0x1fb: {  	s9 =	sadd.f32 s5, s9;
	v61 =	vld [tilespmem:s3+$0x2110]  }
0x1fc: {  	v62 =	vadd.f32 s13, v7  }
0x1fd: {  	p1 =	por !p1, !p1;
	s7 =	simm.s32 $0x1;
	s6 =	spop (v2sf);
	[tilespmem:s17+$0x8000] =	vst v4;
	v4 =	vadd.f32 s9, v1;
	(xrf2) =	vadd.scan.msk.f32 $0xffff, v60;
	(v2sf) =	vpush v2, $0xF  }
0x1fe: {  	s7 =	simm.s32 @!p1 $0x0;
	s26 =	sadd.f32 s14, s16;
	v5 =	vadd.f32 s25, v5;
	s17 =	spop (v2sf);
	(v2sf) =	vpush v8, $0xF  }
0x1ff: {  	s7 =	sshll.u32 s7, $0x6;
	s23 =	sadd.f32 s12, s8;
	[tilespmem:s3+$0xA000] =	vst v62;
	s20 =	spop (v2sf);
	(v2sf) =	vpush v7, $0xF;
	v7 =	vld [tilespmem:s3+$0x20A0]  }
0x200: {  	s11 =	simm.s32 $0x4;
	[tilespmem:s0+$0x8000] =	vst v5;
	v63 =	vadd.f32 s26, v8;
	s12 =	sadd.f32 s17, s15;
	(xrf2) =	vadd.scan.msk.f32 $0xffff, v61;
	v13, _, _ =	vpop (xrf2);
	s5 =	spop (v2sf)  }
0x201: {  	s8 =	sadd.s32 $0x200, s7;
	v5 =	vld [tilespmem:s3+$0x2010];
	[tilespmem:s3+$0xA180] =	vst v4;
	s17 =	sadd.f32 s20, s21;
	v8 =	vadd.f32 s23, v13;
	v4, _, _ =	vpop (xrf2);
	s21 =	spop (v2sf);
	(v2sf) =	vpush v13, $0xF  }
0x202: {  	s14 =	simm.s32 $0x40;
	s16 =	simm.s32 $0x200;
	s18 =	sor.u32 $0x2280, s2;
	v6 =	vld [tilespmem:s3+$0x2120];
	[tilespmem:s3+$0xA080] =	vst v63;
	(v2sf) =	vpush v4, $0xF  }
0x203: {  	s30 =	sor.u32 $0x2200, s8;
	s29 =	sadd.s32 $0x10, s8;
	s31 =	sadd.s32 $0x20, s8;
	v1 =	vld [tilespmem:s18+$0x0];
	[tilespmem:s3+$0xA100] =	vst v8  }
.LBB2_5:
0x204: {  	s11 =	sadd.s32 $0x4, s11;
	v8 =	vld [tilespmem:s30+$0x0];
	s0 =	sadd.s32 $0x30, s8;
	(xrf2) =	vadd.scan.msk.f32 $0xffff, v7;
	v7, _, _ =	vpop (xrf2)  }
0x205: {  	p2 =	slt.u32 s11, $0x3C;
	v9 =	vld [tilespmem:s3+$0x21B0]  }
0x206: {  	v10 =	vld [tilespmem:s3+$0x2030]  }
0x207: {  	(xrf2) =	vadd.scan.msk.f32 $0xffff, v5;
	v5, _, _ =	vpop (xrf2);
	_ =	sdelay $0x1  }
0x208: {  	s20 =	spop (v2sf)  }
0x209: {  	v11, _, _ =	vpop (xrf2);
	(xrf2) =	vadd.scan.msk.f32 $0xffff, v9;
	_ =	sdelay $0x2  }
0x20a: {  	s7 =	sadd.f32 s21, s9;
	s9 =	spop (v2sf)  }
0x20b: {  	s6 =	sadd.f32 s6, s22;
	s21 =	spop (v2sf);
	(v2sf) =	vpush v5, $0xF;
	v9, _, _ =	vpop (xrf2);
	(xrf2) =	vadd.scan.msk.f32 $0xffff, v6  }
0x20c: {  	v12 =	vadd.f32 s7, v5;
	s26 =	sadd.f32 s21, s26;
	s21 =	spop (v2sf);
	(v2sf) =	vpush v7, $0xF  }
0x20d: {  	v3 =	vadd.f32 s6, v3;
	s20 =	sadd.f32 s20, s6;
	v6 =	vld [tilespmem:s3+$0x2130];
	s22 =	spop (v2sf);
	(v2sf) =	vpush v0, $0xF  }
0x20e: {  	s23 =	sadd.f32 s22, s23;
	v2 =	vadd.f32 s26, v2;
	[tilespmem:s3+$0xA190] =	vst v12;
	v5, _, _ =	vpop (xrf2);
	(v2sf) =	vpush v11, $0xF;
	(xrf2) =	vadd.scan.msk.f32 $0xffff, v10;
	s22 =	spop (v2sf)  }
0x20f: {  	s15 =	sadd.f32 s21, s13;
	(v2sf) =	vpush v5, $0xF;
	[tilespmem:s19+$0x8000] =	vst v3;
	v3 =	vadd.f32 s20, v4  }
0x210: {  	s6 =	sor.u32 $0x2380, s1;
	s1 =	smov.u32 s29;
	s22 =	sadd.f32 s22, s20;
	[tilespmem:s3+$0xA090] =	vst v2;
	v2 =	vadd.f32 s23, v11;
	v4 =	vld [tilespmem:s3+$0x20B0]  }
0x211: {  	v5 =	vadd.f32 s15, v5;
	s19 =	sor.u32 $0x2380, s10;
	s10 =	smov.u32 s31;
	v10, _, _ =	vpop (xrf2);
	v11 =	vld [tilespmem:s6+$0x0];
	[tilespmem:s28+$0x8000] =	vst v3  }
0x212: {  	(v2sf) =	vpush v10, $0xF;
	v3 =	vld [tilespmem:s19+$0x0]  }
0x213: {  	[tilespmem:s3+$0xA110] =	vst v2;
	(xrf2) =	vadd.scan.msk.f32 $0xffff, v1  }
0x214: {  	s21 =	sor.u32 $0x2200, s1;
	[tilespmem:s3+$0xA010] =	vst v5  }
0x215: {  	v1 =	vld [tilespmem:s21+$0x0];
	v2, _, _ =	vpop (xrf2)  }
0x216: {  	(xrf2) =	vadd.scan.msk.f32 $0xffff, v8;
	_ =	sdelay $0x1  }
0x217: {  	v5, _, _ =	vpop (xrf2)  }
0x218: {  	(xrf2) =	vadd.scan.msk.f32 $0xffff, v4  }
0x219: {  	s13 =	spop (v2sf)  }
0x21a: {  	s7 =	sadd.f32 s13, s7;
	(v2sf) =	vpush v2, $0xF;
	s20 =	spop (v2sf)  }
0x21b: {  	s13 =	sadd.f32 s9, s26;
	s9 =	spop (v2sf)  }
0x21c: {  	v4 =	vadd.f32 s7, v7;
	s7 =	sadd.f32 s20, s7;
	s20 =	spop (v2sf);
	v7, _, _ =	vpop (xrf2)  }
0x21d: {  	v12 =	vadd.f32 s13, v9;
	s20 =	sadd.f32 s20, s23;
	s23 =	spop (v2sf);
	(v2sf) =	vpush v9, $0xF;
	(xrf2) =	vadd.scan.msk.f32 $0xffff, v6  }
0x21e: {  	v6 =	vadd.f32 s17, v7;
	s15 =	sadd.f32 s23, s15;
	[tilespmem:s3+$0xA1A0] =	vst v4;
	v4 =	vadd.f32 s7, v10  }
0x21f: {  	[tilespmem:s3+$0xA0A0] =	vst v12;
	v2 =	vadd.f32 s20, v2;
	v8, _, _ =	vpop (xrf2);
	(v2sf) =	vpush v7, $0xF  }
0x220: {  	s23 =	sor.u32 $0x2300, s2;
	v0 =	vadd.f32 s15, v0;
	s15 =	sadd.f32 s9, s15;
	(xrf2) =	vadd.scan.msk.f32 $0xffff, v1;
	(v2sf) =	vpush v5, $0xF;
	s9 =	spop (v2sf);
	[tilespmem:s18+$0x8000] =	vst v6  }
0x221: {  	v1 =	vadd.f32 s12, v8;
	[tilespmem:s3+$0xA120] =	vst v2;
	s9 =	sadd.f32 s9, s7;
	(v2sf) =	vpush v8, $0xF;
	v2 =	vld [tilespmem:s23+$0x0]  }
0x222: {  	s18 =	sor.u32 $0x2200, s10;
	[tilespmem:s3+$0xA020] =	vst v0;
	v0 =	vadd.f32 s15, v5;
	v5, _, _ =	vpop (xrf2)  }
0x223: {  	v6 =	vld [tilespmem:s18+$0x0];
	[tilespmem:s3+$0xA1B0] =	vst v4;
	(xrf2) =	vadd.scan.msk.f32 $0xffff, v3  }
0x224: {  	[tilespmem:s3+$0xA030] =	vst v0  }
0x225: {  	s28 =	sor.u32 $0x2280, s8;
	[tilespmem:s30+$0x8000] =	vst v1  }
0x226: {  	v0 =	vld [tilespmem:s28+$0x0];
	(xrf2) =	vadd.scan.msk.f32 $0xffff, v11  }
0x227: {  	v1, _, _ =	vpop (xrf2)  }
0x228: {  	(v2sf) =	vpush v5, $0xF  }
0x229: {  	s7 =	spop (v2sf);
	(v2sf) =	vpush v1, $0xF;
	(xrf2) =	vadd.scan.msk.f32 $0xffff, v2  }
0x22a: {  	s7 =	sadd.f32 s7, s20;
	v2, _, _ =	vpop (xrf2);
	_ =	sdelay $0x1  }
0x22b: {  	v1 =	vadd.f32 s7, v1;
	s20 =	spop (v2sf)  }
0x22c: {  	s26 =	sadd.f32 s20, s13;
	v3, _, _ =	vpop (xrf2)  }
0x22d: {  	s20 =	sadd.f32 s5, s25;
	[tilespmem:s3+$0xA130] =	vst v1;
	(xrf2) =	vadd.scan.msk.f32 $0xffff, v0;
	(v2sf) =	vpush v3, $0xF;
	s5 =	spop (v2sf)  }
0x22e: {  	v0 =	vadd.f32 s26, v5;
	s13 =	spop (v2sf);
	s5 =	sadd.f32 s5, s17  }
0x22f: {  	s13 =	sadd.f32 s13, s15;
	s15 =	spop (v2sf);
	(v2sf) =	vpush v2, $0xF;
	v1, _, _ =	vpop (xrf2)  }
0x230: {  	s15 =	sadd.f32 s15, s12;
	(xrf2) =	vadd.scan.msk.f32 $0xffff, v6;
	v4 =	vadd.f32 s20, v1;
	(v2sf) =	vpush v1, $0xF;
	_ =	sdelay $0x1  }
0x231: {  	v1 =	vadd.f32 s15, v2;
	[tilespmem:s6+$0x8000] =	vst v4;
	v2, _, _ =	vpop (xrf2)  }
0x232: {  	v4 =	vadd.f32 s22, v2;
	(v2sf) =	vpush v2, $0xF  }
0x233: {  	s6 =	sor.u32 $0x2280, s1;
	[tilespmem:s21+$0x8000] =	vst v1  }
0x234: {  	s12 =	sor.u32 $0x2380, s2;
	s2 =	smov.u32 s0;
	v1 =	vld [tilespmem:s6+$0x0];
	[tilespmem:s23+$0x8000] =	vst v4  }
0x235: {  	s0 =	spop (v2sf);
	v2 =	vld [tilespmem:s12+$0x0]  }
0x236: {  	s26 =	sadd.f32 s0, s26;
	v4, _, _ =	vpop (xrf2);
	s0 =	spop (v2sf)  }
0x237: {  	v5 =	vadd.f32 s5, v4;
	s23 =	sadd.f32 s0, s7;
	_ =	sdelay $0x1  }
0x238: {  	s17 =	sor.u32 $0x2300, s8;
	[tilespmem:s28+$0x8000] =	vst v5;
	(xrf2) =	vadd.scan.msk.f32 $0xffff, v1;
	v1, _, _ =	vpop (xrf2)  }
0x239: {  	v5 =	vld [tilespmem:s17+$0x0];
	(v2sf) =	vpush v1, $0xF  }
0x23a: {  	s8 =	sor.u32 $0x2200, s2;
	[tilespmem:s3+$0xA0B0] =	vst v0;
	s7 =	spop (v2sf)  }
0x23b: {  	v0 =	vld [tilespmem:s8+$0x0];
	(xrf2) =	vadd.scan.msk.f32 $0xffff, v2  }
0x23c: {  	s0 =	spop (v2sf)  }
0x23d: {  	s15 =	sadd.f32 s0, s15;
	s3 =	spop (v2sf)  }
0x23e: {  	(xrf2) =	vadd.scan.msk.f32 $0xffff, v5  }
0x23f: {  	v1 =	vadd.f32 s15, v1  }
0x240: {  	s21 =	spop (v2sf)  }
0x241: {  	s0 =	sor.u32 $0x2280, s10;
	[tilespmem:s18+$0x8000] =	vst v1;
	(v2sf) =	vpush v4, $0xF;
	s22 =	sadd.f32 s21, s22  }
0x242: {  	s4 =	sadd.s32 $0x200, s4;
	s24 =	sadd.s32 $0x40, s24;
	s18 =	sadd.f32 s3, s20;
	v1 =	vld [tilespmem:s0+$0x0];
	v2, _, _ =	vpop (xrf2)  }
0x243: {  	s3 =	sand.u32 $0x40, s24;
	s20 =	sand.u32 $0x1C00, s4;
	(v2sf) =	vpush v2, $0xF  }
0x244: {  	s3 =	sor.u32 s3, s20;
	s7 =	sadd.f32 s7, s18;
	(xrf2) =	vadd.scan.msk.f32 $0xffff, v0;
	v0 =	vadd.f32 s18, v3  }
0x245: {  	v3 =	vld [tilespmem:s3+$0x2020];
	v4, _, _ =	vpop (xrf2)  }
0x246: {  	[tilespmem:s19+$0x8000] =	vst v0;
	v0 =	vadd.f32 s7, v4;
	(v2sf) =	vpush v4, $0xF  }
0x247: {  	v4 =	vld [tilespmem:s3+$0x2000];
	(xrf2) =	vadd.scan.msk.f32 $0xffff, v1  }
0x248: {  	v5 =	vld [tilespmem:s3+$0x2180];
	v1, _, _ =	vpop (xrf2);
	s18 =	spop (v2sf);
	[tilespmem:s12+$0x8000] =	vst v0  }
0x249: {  	v0 =	vadd.f32 s22, v1;
	s12 =	sadd.f32 s18, s15;
	(v2sf) =	vpush v1, $0xF  }
0x24a: {  	s15 =	sor.u32 s16, s14;
	s16 =	smov.u32 s4;
	s14 =	smov.u32 s24;
	(xrf2) =	vadd.scan.msk.f32 $0xffff, v3  }
0x24b: {  	s15 =	sor.u32 $0x2380, s15;
	[tilespmem:s17+$0x8000] =	vst v0  }
0x24c: {  	v0 =	vld [tilespmem:s15+$0x0];
	_ =	sdelay $0x1  }
0x24d: {  	(xrf2) =	vadd.scan.msk.f32 $0xffff, v4;
	v1, _, _ =	vpop (xrf2)  }
0x24e: {  	v6 =	vadd.f32 s12, v1;
	(v2sf) =	vpush v1, $0xF  }
0x24f: {  	s17 =	spop (v2sf)  }
0x250: {  	v4 =	vld [tilespmem:s3+$0x2080];
	s5 =	sadd.f32 s17, s5;
	[tilespmem:s8+$0x8000] =	vst v6;
	(xrf2) =	vadd.scan.msk.f32 $0xffff, v0;
	v3, _, _ =	vpop (xrf2)  }
0x251: {  	s18 =	sor.u32 $0x2280, s2;
	v6 =	vld [tilespmem:s3+$0x2090];
	s8 =	spop (v2sf);
	(v2sf) =	vpush v3, $0xF  }
0x252: {  	p1 =	por !p1, !p1;
	v2 =	vadd.f32 s5, v2;
	s5 =	sadd.f32 s8, s5;
	v1 =	vld [tilespmem:s18+$0x0]  }
0x253: {  	(xrf2) =	vadd.scan.msk.f32 $0xffff, v5;
	v0, _, _ =	vpop (xrf2)  }
0x254: {  	s19 =	sor.u32 $0x2300, s1;
	[tilespmem:s6+$0x8000] =	vst v2;
	v2 =	vadd.f32 s5, v3;
	s6 =	spop (v2sf)  }
0x255: {  	v3 =	vld [tilespmem:s19+$0x0];
	s25 =	sadd.f32 s6, s7  }
0x256: {  	(xrf2) =	vadd.scan.msk.f32 $0xffff, v6;
	[tilespmem:s0+$0x8000] =	vst v2  }
0x257: {  	v2 =	vld [tilespmem:s3+$0x2100];
	v6, _, _ =	vpop (xrf2);
	s6 =	spop (v2sf)  }
0x258: {  	s28 =	sor.u32 $0x2300, s10;
	v8 =	vld [tilespmem:s3+$0x2190]  }
0x259: {  	(xrf2) =	vadd.scan.msk.f32 $0xffff, v4;
	v4 =	vld [tilespmem:s28+$0x0]  }
0x25a: {  	v5, _, _ =	vpop (xrf2)  }
0x25b: {  	v7 =	vadd.f32 s25, v5;
	(v2sf) =	vpush v5, $0xF  }
0x25c: {  	(xrf2) =	vadd.scan.msk.f32 $0xffff, v3  }
0x25d: {  	v9, _, _ =	vpop (xrf2);
	[tilespmem:s15+$0x8000] =	vst v7;
	s0 =	spop (v2sf)  }
0x25e: {  	v7 =	vld [tilespmem:s3+$0x21A0];
	(v2sf) =	vpush v9, $0xF;
	s12 =	sadd.f32 s0, s12  }
0x25f: {  	(xrf2) =	vadd.scan.msk.f32 $0xffff, v2  }
0x260: {  	v2, _, _ =	vpop (xrf2);
	s0 =	spop (v2sf)  }
0x261: {  	s17 =	sadd.f32 s0, s5  }
0x262: {  	v5 =	vld [tilespmem:s3+$0x2010];
	(xrf2) =	vadd.scan.msk.f32 $0xffff, v4  }
0x263: {  	v10 =	vld [tilespmem:s3+$0x2110];
	v4, _, _ =	vpop (xrf2)  }
0x264: {  	v11 =	vadd.f32 s26, v4;
	_ =	sdelay $0x1  }
0x265: {  	v3, _, _ =	vpop (xrf2)  }
0x266: {  	(xrf2) =	vadd.scan.msk.f32 $0xffff, v7;
	(v2sf) =	vpush v3, $0xF  }
0x267: {  	v7 =	vadd.f32 s9, v9  }
0x268: {  	v9, _, _ =	vpop (xrf2)  }
0x269: {  	[tilespmem:s3+$0xA180] =	vst v7;
	v7 =	vld [tilespmem:s3+$0x20A0];
	(xrf2) =	vadd.scan.msk.f32 $0xffff, v8;
	s5 =	spop (v2sf)  }
0x26a: {  	(v2sf) =	vpush v2, $0xF  }
.Ltmp3:
0x26b: {  	s0 =	simm.s32 $0x1;
	v8 =	vadd.f32 s13, v6;
	(v2sf) =	vpush v4, $0xF;
	v4, _, _ =	vpop (xrf2);
	(pc) =	sbr.rel @p2 .LBB2_5-.Ltmp3, $4  }
0x26c: {  	s0 =	simm.s32 @!p1 $0x0;
	(v2sf) =	vpush v6, $0xF;
	s21 =	spop (v2sf);
	(xrf2) =	vadd.scan.msk.f32 $0xffff, v10  }
0x26d: {  	s0 =	sshll.u32 s0, $0x6;
	[tilespmem:s3+$0xA000] =	vst v8;
	v8 =	vadd.f32 s23, v9;
	(v2sf) =	vpush v9, $0xF  }
0x26e: {  	s8 =	sadd.s32 s0, s4;
	[tilespmem:s3+$0xA080] =	vst v11;
	v6 =	vld [tilespmem:s3+$0x2120];
	(v2sf) =	vpush v4, $0xF  }
0x26f: {  	s30 =	sor.u32 $0x2200, s8;
	s29 =	sadd.s32 $0x10, s8;
	s31 =	sadd.s32 $0x20, s8;
	[tilespmem:s3+$0xA100] =	vst v8  }
0x270: {  	(xrf2) =	vadd.scan.msk.f32 $0xffff, v7  }
0x271: {  	(xrf2) =	vadd.scan.msk.f32 $0xffff, v5;
	_ =	sdelay $0x2  }
0x272: {  	v50, _, _ =	vpop (xrf2)  }
0x273: {  	v51, _, _ =	vpop (xrf2)  }
0x274: {  	(v2sf) =	vpush v51, $0xF  }
0x275: {  	v8 =	vld [tilespmem:s3+$0x21B0]  }
0x276: {  	(v2sf) =	vpush v50, $0xF  }
0x277: {  	v9 =	vld [tilespmem:s3+$0x2030];
	v10, _, _ =	vpop (xrf2);
	(v2sf) =	vpush v0, $0xF  }
0x278: {  	(v2sf) =	vpush v10, $0xF;
	v11, _, _ =	vpop (xrf2)  }
0x279: {  	v12, _, _ =	vpop (xrf2)  }
0x27a: {  	v52 =	vld [tilespmem:s30+$0x0];
	(xrf2) =	vadd.scan.msk.f32 $0xffff, v8;
	(v2sf) =	vpush v12, $0xF  }
0x27b: {  	(xrf2) =	vadd.scan.msk.f32 $0xffff, v6  }
0x27c: {  	(xrf2) =	vadd.scan.msk.f32 $0xffff, v9  }
0x27d: {  	s0 =	spop (v2sf);
	(xrf2) =	vadd.scan.msk.f32 $0xffff, v1  }
0x27e: {  	s6 =	sadd.f32 s6, s22;
	s7 =	spop (v2sf)  }
0x27f: {  	s4 =	sadd.f32 s21, s9;
	s24 =	spop (v2sf);
	(xrf2) =	vadd.scan.msk.f32 $0xffff, v52  }
0x280: {  	v3 =	vadd.f32 s6, v3;
	s9 =	sadd.f32 s0, s6;
	s11 =	spop (v2sf)  }
0x281: {  	v53 =	vadd.f32 s4, v51;
	s15 =	sadd.f32 s24, s26;
	s6 =	spop (v2sf)  }
0x282: {  	[tilespmem:s19+$0x8000] =	vst v3;
	v54 =	vadd.f32 s9, v4;
	s20 =	sadd.f32 s11, s13;
	s24 =	spop (v2sf)  }
0x283: {  	[tilespmem:s3+$0xA190] =	vst v53;
	s0 =	sadd.f32 s6, s23;
	v2 =	vadd.f32 s15, v2;
	s22 =	spop (v2sf)  }
0x284: {  	[tilespmem:s28+$0x8000] =	vst v54;
	v58 =	vadd.f32 s20, v12;
	v55, _, _ =	vpop (xrf2);
	s11 =	sadd.f32 s22, s4  }
0x285: {  	[tilespmem:s3+$0xA090] =	vst v2;
	v56 =	vadd.f32 s0, v10;
	s19 =	spop (v2sf);
	(v2sf) =	vpush v55, $0xF;
	v57, _, _ =	vpop (xrf2)  }
0x286: {  	s13 =	sadd.f32 s7, s15;
	[tilespmem:s3+$0xA010] =	vst v58;
	s21 =	spop (v2sf);
	v59, _, _ =	vpop (xrf2);
	(v2sf) =	vpush v57, $0xF;
	v60 =	vadd.f32 s11, v50  }
0x287: {  	[tilespmem:s3+$0xA110] =	vst v56;
	s23 =	spop (v2sf);
	v61, _, _ =	vpop (xrf2);
	(v2sf) =	vpush v11, $0xF  }
0x288: {  	v62 =	vld [tilespmem:s3+$0x20B0];
	s28 =	sor.u32 $0x2380, s10;
	v63 =	vadd.f32 s13, v11;
	s22 =	sadd.f32 s23, s0;
	(v2sf) =	vpush v61, $0xF;
	[tilespmem:s3+$0xA1A0] =	vst v60  }
0x289: {  	s7 =	sor.u32 $0x2200, s29;
	v12 =	vld [tilespmem:s3+$0x2130];
	v13 =	vadd.f32 s17, v61;
	v14, _, _ =	vpop (xrf2);
	(v2sf) =	vpush v59, $0xF;
	[smem:$0x7F6] =	sst s28;
	s26 =	spop (v2sf)  }
0x28a: {  	v4 =	vadd.f32 s22, v57;
	v15 =	vld [tilespmem:s7+$0x0];
	[tilespmem:s3+$0xA0A0] =	vst v63;
	(v2sf) =	vpush v14, $0xF;
	s26 =	sadd.f32 s26, s20  }
0x28b: {  	s1 =	sor.u32 $0x2380, s1;
	v17 =	vadd.f32 s12, v14;
	v16 =	vld [tilespmem:s28+$0x0];
	[tilespmem:s18+$0x8000] =	vst v13  }
0x28c: {  	s10 =	sor.u32 $0x2300, s2;
	v18 =	vld [tilespmem:s1+$0x0];
	[tilespmem:s3+$0xA120] =	vst v4;
	v19 =	vadd.f32 s26, v0  }
0x28d: {  	s15 =	sor.u32 $0x2280, s8;
	(xrf2) =	vadd.scan.msk.f32 $0xffff, v62;
	v20 =	vld [tilespmem:s10+$0x0];
	[tilespmem:s30+$0x8000] =	vst v17  }
0x28e: {  	(xrf2) =	vadd.scan.msk.f32 $0xffff, v12;
	s23 =	sor.u32 $0x2200, s31;
	v21 =	vld [tilespmem:s15+$0x0];
	[tilespmem:s3+$0xA020] =	vst v19  }
0x28f: {  	(xrf2) =	vadd.scan.msk.f32 $0xffff, v15;
	v22 =	vld [tilespmem:s23+$0x0]  }
0x290: {  	(xrf2) =	vadd.scan.msk.f32 $0xffff, v16  }
0x291: {  	(xrf2) =	vadd.scan.msk.f32 $0xffff, v18  }
0x292: {  	(xrf2) =	vadd.scan.msk.f32 $0xffff, v20  }
0x293: {  	(xrf2) =	vadd.scan.msk.f32 $0xffff, v21  }
0x294: {  	s4 =	spop (v2sf);
	(xrf2) =	vadd.scan.msk.f32 $0xffff, v22  }
0x295: {  	s20 =	spop (v2sf)  }
0x296: {  	s28 =	spop (v2sf)  }
0x297: {  	v23, _, _ =	vpop (xrf2);
	s18 =	spop (v2sf)  }
0x298: {  	v24, _, _ =	vpop (xrf2);
	s6 =	spop (v2sf)  }
0x299: {  	(v2sf) =	vpush v23, $0xF;
	v25, _, _ =	vpop (xrf2);
	s0 =	spop (v2sf)  }
0x29a: {  	(v2sf) =	vpush v24, $0xF;
	s30 =	sadd.f32 s0, s12;
	v26, _, _ =	vpop (xrf2)  }
0x29b: {  	s24 =	sadd.f32 s24, s9;
	(v2sf) =	vpush v26, $0xF;
	v27, _, _ =	vpop (xrf2)  }
0x29c: {  	s0 =	sadd.f32 s18, s17;
	(v2sf) =	vpush v25, $0xF;
	v5 =	vadd.f32 s30, v25;
	v28, _, _ =	vpop (xrf2)  }
0x29d: {  	(v2sf) =	vpush v27, $0xF;
	v29 =	vadd.f32 s24, v28;
	v30, _, _ =	vpop (xrf2)  }
0x29e: {  	[tilespmem:s7+$0x8000] =	vst v5;
	(v2sf) =	vpush v28, $0xF;
	v31 =	vadd.f32 s0, v30;
	s7 =	sor.u32 $0x2280, s29;
	v32, _, _ =	vpop (xrf2)  }
0x29f: {  	s9 =	sor.u32 $0x2380, s2;
	[tilespmem:s10+$0x8000] =	vst v29;
	v33 =	vld [tilespmem:s7+$0x0];
	(v2sf) =	vpush v32, $0xF  }
0x2a0: {  	[tilespmem:s15+$0x8000] =	vst v31;
	v34 =	vld [tilespmem:s9+$0x0];
	s15 =	sor.u32 $0x2300, s8;
	(v2sf) =	vpush v30, $0xF  }
0x2a1: {  	v35 =	vld [tilespmem:s15+$0x0];
	_ =	sdelay $0x2  }
0x2a2: {  	(xrf2) =	vadd.scan.msk.f32 $0xffff, v33  }
0x2a3: {  	(xrf2) =	vadd.scan.msk.f32 $0xffff, v34  }
0x2a4: {  	(xrf2) =	vadd.scan.msk.f32 $0xffff, v35;
	_ =	sdelay $0x1  }
0x2a5: {  	s10 =	spop (v2sf)  }
0x2a6: {  	s13 =	sadd.f32 s28, s13;
	s2 =	spop (v2sf)  }
0x2a7: {  	s17 =	sadd.f32 s19, s11;
	s18 =	spop (v2sf)  }
0x2a8: {  	s12 =	sadd.f32 s21, s26;
	s26 =	spop (v2sf)  }
0x2a9: {  	v2 =	vadd.f32 s13, v23;
	s19 =	spop (v2sf)  }
0x2aa: {  	s11 =	sadd.f32 s20, s22;
	v3 =	vadd.f32 s17, v55;
	s28 =	spop (v2sf)  }
0x2ab: {  	[tilespmem:s3+$0xA0B0] =	vst v2;
	v36 =	vadd.f32 s12, v59;
	s22 =	sadd.f32 s26, s30;
	v38, _, _ =	vpop (xrf2);
	s26 =	spop (v2sf)  }
0x2ac: {  	v37 =	vadd.f32 s11, v24;
	[tilespmem:s3+$0xA1B0] =	vst v3;
	s20 =	sadd.f32 s28, s24;
	v39, _, _ =	vpop (xrf2);
	s28 =	spop (v2sf)  }
0x2ad: {  	s21 =	sadd.s32 $0x30, s8;
	[tilespmem:s3+$0xA030] =	vst v36;
	v40 =	vadd.f32 s22, v32;
	v41, _, _ =	vpop (xrf2);
	s0 =	sadd.f32 s28, s0  }
0x2ae: {  	[tilespmem:s3+$0xA130] =	vst v37;
	s30 =	sor.u32 $0x2200, s21;
	v42 =	vadd.f32 s20, v41  }
0x2af: {  	s14 =	sor.u32 s16, s14;
	s16 =	sor.u32 $0x2280, s31;
	v43 =	vld [tilespmem:s30+$0x0];
	(v2sf) =	vpush v38, $0xF;
	[tilespmem:s23+$0x8000] =	vst v40;
	v4 =	vadd.f32 s0, v38  }
0x2b0: {  	s3 =	sor.u32 $0x2380, s14;
	v44 =	vld [tilespmem:s16+$0x0];
	[tilespmem:s15+$0x8000] =	vst v42  }
0x2b1: {  	v45 =	vld [tilespmem:s3+$0x0];
	[tilespmem:s7+$0x8000] =	vst v4;
	s7 =	sor.u32 $0x2300, s29  }
0x2b2: {  	v46 =	vld [tilespmem:s7+$0x0];
	_ =	sdelay $0x1  }
0x2b3: {  	(xrf2) =	vadd.scan.msk.f32 $0xffff, v43  }
0x2b4: {  	(xrf2) =	vadd.scan.msk.f32 $0xffff, v44  }
0x2b5: {  	(xrf2) =	vadd.scan.msk.f32 $0xffff, v45  }
0x2b6: {  	(xrf2) =	vadd.scan.msk.f32 $0xffff, v46;
	_ =	sdelay $0x5  }
0x2b7: {  	(v2sf) =	vpush v39, $0xF  }
0x2b8: {  	(v2sf) =	vpush v41, $0xF;
	v47, _, _ =	vpop (xrf2);
	s23 =	spop (v2sf)  }
0x2b9: {  	(v2sf) =	vpush v47, $0xF;
	s0 =	sadd.f32 s23, s0;
	v48, _, _ =	vpop (xrf2)  }
0x2ba: {  	(v2sf) =	vpush v48, $0xF;
	v4, _, _ =	vpop (xrf2)  }
0x2bb: {  	s8 =	sadd.f32 s26, s22;
	v3 =	vadd.f32 s0, v48;
	(v2sf) =	vpush v4, $0xF;
	v49, _, _ =	vpop (xrf2)  }
0x2bc: {  	(v2sf) =	vpush v49, $0xF  }
0x2bd: {  	s15 =	sor.u32 $0x2300, s31;
	v2 =	vadd.f32 s8, v47;
	[tilespmem:s16+$0x8000] =	vst v3  }
0x2be: {  	v3 =	vld [tilespmem:s15+$0x0]  }
0x2bf: {  	s22 =	sor.u32 $0x2280, s21;
	[tilespmem:s30+$0x8000] =	vst v2  }
0x2c0: {  	v2 =	vld [tilespmem:s22+$0x0];
	_ =	sdelay $0x2  }
0x2c1: {  	(xrf2) =	vadd.scan.msk.f32 $0xffff, v3;
	_ =	sdelay $0x1  }
0x2c2: {  	(xrf2) =	vadd.scan.msk.f32 $0xffff, v2  }
0x2c3: {  	s23 =	spop (v2sf)  }
0x2c4: {  	s26 =	spop (v2sf)  }
0x2c5: {  	s14 =	spop (v2sf)  }
0x2c6: {  	s24 =	spop (v2sf)  }
0x2c7: {  	s20 =	sadd.f32 s26, s20;
	s26 =	spop (v2sf)  }
0x2c8: {  	s28 =	spop (v2sf)  }
0x2c9: {  	s30 =	sadd.f32 s28, s20  }
0x2ca: {  	v50, _, _ =	vpop (xrf2)  }
0x2cb: {  	s16 =	sadd.f32 s24, s0;
	v51 =	vadd.f32 s30, v50  }
0x2cc: {  	v6 =	vadd.f32 s20, v49;
	v52, _, _ =	vpop (xrf2)  }
0x2cd: {  	s0 =	sor.u32 $0x2380, s31;
	v53 =	vadd.f32 s16, v52;
	[tilespmem:s15+$0x8000] =	vst v51  }
0x2ce: {  	[tilespmem:s7+$0x8000] =	vst v6;
	s7 =	sor.u32 $0x2380, s29;
	(v2sf) =	vpush v50, $0xF;
	v54 =	vld [tilespmem:s0+$0x0]  }
0x2cf: {  	v55 =	vld [tilespmem:s7+$0x0];
	[tilespmem:s22+$0x8000] =	vst v53;
	s22 =	sor.u32 $0x2300, s21  }
0x2d0: {  	v56 =	vld [tilespmem:s22+$0x0];
	_ =	sdelay $0x2  }
0x2d1: {  	(xrf2) =	vadd.scan.msk.f32 $0xffff, v54  }
0x2d2: {  	(xrf2) =	vadd.scan.msk.f32 $0xffff, v55  }
0x2d3: {  	(xrf2) =	vadd.scan.msk.f32 $0xffff, v56;
	_ =	sdelay $0x7  }
0x2d4: {  	s24 =	spop (v2sf);
	v2, _, _ =	vpop (xrf2)  }
0x2d5: {  	s20 =	sadd.f32 s24, s30;
	v3, _, _ =	vpop (xrf2)  }
0x2d6: {  	v6, _, _ =	vpop (xrf2)  }
0x2d7: {  	v57 =	vadd.f32 s20, v6;
	_ =	sdelay $0x1  }
0x2d8: {  	s15 =	sor.u32 $0x2380, s21;
	[tilespmem:s22+$0x8000] =	vst v57  }
0x2d9: {  	v8 =	vld [tilespmem:s15+$0x0];
	_ =	sdelay $0x2  }
0x2da: {  	(v2sf) =	vpush v52, $0xF  }
0x2db: {  	s5 =	sadd.f32 s5, s25;
	(v2sf) =	vpush v2, $0xF  }
0x2dc: {  	(v2sf) =	vpush v3, $0xF;
	(xrf2) =	vadd.scan.msk.f32 $0xffff, v8  }
0x2dd: {  	s19 =	sadd.f32 s19, s5  }
0x2de: {  	s4 =	sadd.f32 s4, s17  }
0x2df: {  	s18 =	sadd.f32 s18, s19  }
0x2e0: {  	v1 =	vadd.f32 s5, v27;
	s2 =	sadd.f32 s2, s11  }
0x2e1: {  	s25 =	sadd.f32 s23, s18  }
0x2e2: {  	[tilespmem:s1+$0x8000] =	vst v1;
	v59 =	vadd.f32 s18, v39;
	s18 =	sadd.f32 s6, s12;
	(v2sf) =	vpush v6, $0xF  }
0x2e3: {  	s31 =	sld [smem:$0x7F6]  }
0x2e4: {  	v0 =	vadd.f32 s19, v26;
	[smem:$0x7F5] =	sst s4  }
0x2e5: {  	s23 =	sadd.f32 s10, s13;
	[tilespmem:s9+$0x8000] =	vst v59  }
0x2e6: {  	v60 =	vadd.f32 s25, v4;
	s26 =	sadd.f32 s26, s25;
	[tilespmem:s31+$0x8000] =	vst v0;
	v58, _, _ =	vpop (xrf2)  }
0x2e7: {  	[smem:$0x7F7] =	sst s18;
	(v2sf) =	vpush v58, $0xF  }
0x2e8: {  	s25 =	rddreg [dreg:$0x1];
	v61 =	vadd.f32 s26, v3;
	[tilespmem:s3+$0x8000] =	vst v60  }
0x2e9: {  	s22 =	spop (v2sf);
	[smem:$0x7F8] =	sst s23  }
0x2ea: {  	s19 =	rddreg [dreg:$0x8];
	[tilespmem:s7+$0x8000] =	vst v61;
	s28 =	spop (v2sf)  }
0x2eb: {  	s24 =	rddreg [dreg:$0xa];
	s29 =	spop (v2sf)  }
0x2ec: {  	s30 =	sadd.f32 s29, s26  }
0x2ed: {  	[smem:$0x7F9] =	sst s2  }
0x2ee: {  	s26 =	sadd.f32 s14, s8;
	v62 =	vadd.f32 s30, v2  }
0x2ef: {  	s5 =	simm.s32 $0x8000;
	s21 =	sshll.u32 s19, $0xC;
	s17 =	sadd.f32 s28, s30  }
0x2f0: {  	p1 =	sne.s32 s19, $0x1F;
	s1 =	sand.u32 $0x1E000, s21;
	s28 =	sadd.f32 s22, s16;
	[tilespmem:s0+$0x8000] =	vst v62  }
0x2f1: {  	s3 =	sshll.u32 s24, $0xA;
	s29 =	spop (v2sf);
	v63 =	vadd.f32 s17, v58;
	s0 =	rddreg [dreg:$0x3]  }
0x2f2: {  	[dreg:$0x1c] =	wrdreg s26;
	s1 =	sor.u32 s0, s1;
	s0 =	sadd.s32 s25, s3  }
0x2f3: {  	s30 =	sadd.f32 s29, s20;
	[tilespmem:s15+$0x8000] =	vst v63;
	s3 =	simm.s32 $0x2000;
	s0 =	sadd.s32 s1, s0  }
0x2f4: {  	[hbm4b:s0+s3] =	stream.strided.scatter [tilespmem:s5], [sflag:$0x3], $0x4000, s5, s3, $0x38;
	[tilespmem:$0x10000] =	vst v63  }
.Ltmp4:
0x2f5: {  	[dreg:$0xb] =	wrdreg s1;
	(pc) =	sbr.rel @p1 .LBB2_8-.Ltmp4, $4  }
0x2f6: {  	[dreg:$0x17] =	wrdreg s28;
	s31 =	spop (v2sf)  }
0x2f7: {  	s0 =	sadd.f32 s31, s17  }
0x2f8: {  	[dreg:$0x14] =	wrdreg s30  }
0x2f9: {  	[dreg:$0xe] =	wrdreg s0  }
.Ltmp5:
0x2fa: {  	(pc) =	sbr.rel .LBB2_9-.Ltmp5, $4  }
0x2fb: {  	s0 =	simm.s32 $0x2  }
0x2fc: {  	_ =	swait.ge [sflag:s0], $0x4000  }
0x2fd: {  	[sflag:s0] =	ssyncset.done $0x0  }
0x2fe: {  	s13 =	rddreg [dreg:$0x13];
	[sflag:s0] =	ssyncadd.s32 $0xFFFFC000  }
.LBB2_8:
0x2ff: {  	s0 =	rddreg [dreg:$0x9]  }
0x300: {  	s0 =	sadd.s32 $0x2, s0  }
0x301: {  	s1 =	sshll.u32 s0, $0xB  }
0x302: {  	s2 =	rddreg [dreg:$0x4];
	s0 =	sshll.u32 s0, $0xA;
	s1 =	sand.u32 $0x3E000, s1  }
0x303: {  	s30 =	simm.s32 $0x0;
	s0 =	sand.u32 $0x800, s0;
	s1 =	sadd.s32 s1, s2  }
.Ltmp6:
0x304: {  	s31 =	simm.s32 $0x2;
	s0 =	sadd.s32 s0, s1;
	(pc) =	sbr.rel @p0 .LBB2_10-.Ltmp6, $4  }
0x305: {  	[tilespmem:s30], [sflag:$0x1] =	stream.strided.gather [hbm4b:s0+s3], $0x4000, s5, s3, $0x38;
	[tilespmem:$0x10000] =	vst v63  }
0x306: {  	_ =	swait.ge [sflag:s31], $0x4000  }
0x307: {  	[sflag:s31] =	ssyncset.done $0x0  }
0x308: {  	s13 =	rddreg [dreg:$0x13];
	[sflag:s31] =	ssyncadd.s32 $0xFFFFC000  }
.LBB2_9:
0x309: {  	s0 =	simm.s32 $0x4  }
0x30a: {  	_ =	swait.ge [sflag:s0], $0x4000  }
0x30b: {  	[sflag:s0] =	ssyncset.done $0x0  }
0x30c: {  	[sflag:s0] =	ssyncadd.s32 $0xFFFFC000  }
.LBB2_10:
0x30d: {  	s0 =	simm.s32 $0x0  }
0x30e: {  	s1 =	sand.u32 $0x40, s0;
	s2 =	sand.u32 $0x1C00, s0  }
0x30f: {  	s20 =	sor.u32 s1, s2  }
0x310: {  	v0 =	vld [tilespmem:s20+$0x4020]  }
0x311: {  	v1 =	vld [tilespmem:s20+$0x4000]  }
0x312: {  	v2 =	vld [tilespmem:s20+$0x4180]  }
0x313: {  	v3 =	vld [tilespmem:s20+$0x4090]  }
0x314: {  	v4 =	vld [tilespmem:s20+$0x4080]  }
0x315: {  	(xrf2) =	vadd.scan.msk.f32 $0xffff, v0  }
0x316: {  	(xrf2) =	vadd.scan.msk.f32 $0xffff, v1  }
0x317: {  	(xrf2) =	vadd.scan.msk.f32 $0xffff, v2  }
0x318: {  	v0 =	vld [tilespmem:s20+$0x4100];
	(xrf2) =	vadd.scan.msk.f32 $0xffff, v3  }
0x319: {  	(xrf2) =	vadd.scan.msk.f32 $0xffff, v4;
	_ =	sdelay $0x3  }
0x31a: {  	(xrf2) =	vadd.scan.msk.f32 $0xffff, v0;
	_ =	sdelay $0x1  }
0x31b: {  	v2 =	vld [tilespmem:s20+$0x41A0];
	v0, _, _ =	vpop (xrf2)  }
0x31c: {  	v1, _, _ =	vpop (xrf2)  }
0x31d: {  	s5 =	sld [smem:$0x7FA];
	v4, _, _ =	vpop (xrf2)  }
0x31e: {  	(v2sf) =	vpush v4, $0xF;
	v5, _, _ =	vpop (xrf2)  }
0x31f: {  	v3 =	vld [tilespmem:s20+$0x4190];
	v7, _, _ =	vpop (xrf2);
	(v2sf) =	vpush v5, $0xF  }
0x320: {  	s7 =	rddreg [dreg:$0x1d];
	(xrf2) =	vadd.scan.msk.f32 $0xffff, v2;
	v2 =	vadd.f32 s5, v4;
	(v2sf) =	vpush v7, $0xF  }
0x321: {  	v6 =	vld [tilespmem:s20+$0x4110];
	(v2sf) =	vpush v1, $0xF;
	v1 =	vadd.f32 s7, v1  }
0x322: {  	s6 =	sld [smem:$0x7FB];
	v8 =	vld [tilespmem:s20+$0x40A0];
	[tilespmem:s20+$0xC180] =	vst v2  }
0x323: {  	v9 =	vld [tilespmem:s20+$0x4010];
	v4, _, _ =	vpop (xrf2);
	[tilespmem:s20+$0xC000] =	vst v1  }
0x324: {  	(xrf2) =	vadd.scan.msk.f32 $0xffff, v3;
	(v2sf) =	vpush v4, $0xF;
	s8 =	sld [smem:$0x7FC];
	_ =	sdelay $0x1  }
0x325: {  	p0 =	por $0x0, $0x0;
	s1 =	simm.s32 $0x1;
	(xrf2) =	vadd.scan.msk.f32 $0xffff, v6  }
0x326: {  	s1 =	simm.s32 @!p0 $0x0;
	(xrf2) =	vadd.scan.msk.f32 $0xffff, v8;
	v2 =	vld [tilespmem:s20+$0x41B0];
	v1 =	vadd.f32 s8, v4  }
0x327: {  	s1 =	sshll.u32 s1, $0x6;
	(xrf2) =	vadd.scan.msk.f32 $0xffff, v9;
	v3 =	vadd.f32 s6, v7;
	v4 =	vld [tilespmem:s20+$0x4120]  }
0x328: {  	s21 =	sadd.s32 $0x0, s1;
	[tilespmem:s20+$0xC100] =	vst v1;
	v1 =	vld [tilespmem:s20+$0x4030]  }
0x329: {  	s1 =	sor.u32 $0x200, s21;
	[tilespmem:s20+$0xC080] =	vst v3  }
0x32a: {  	v3 =	vld [tilespmem:s1+$0x4000]  }
0x32b: {  	(xrf2) =	vadd.scan.msk.f32 $0xffff, v2  }
0x32c: {  	v2, _, _ =	vpop (xrf2);
	(xrf2) =	vadd.scan.msk.f32 $0xffff, v4  }
0x32d: {  	(xrf2) =	vadd.scan.msk.f32 $0xffff, v1;
	v1, _, _ =	vpop (xrf2)  }
0x32e: {  	s24 =	spop (v2sf);
	(v2sf) =	vpush v1, $0xF  }
0x32f: {  	s3 =	spop (v2sf);
	(xrf2) =	vadd.scan.msk.f32 $0xffff, v3;
	v3, _, _ =	vpop (xrf2);
	(v2sf) =	vpush v2, $0xF  }
0x330: {  	s4 =	spop (v2sf);
	v4, _, _ =	vpop (xrf2);
	(v2sf) =	vpush v0, $0xF  }
0x331: {  	s25 =	spop (v2sf);
	v6, _, _ =	vpop (xrf2);
	(v2sf) =	vpush v3, $0xF  }
0x332: {  	s2 =	sadd.f32 s24, s5;
	s26 =	spop (v2sf);
	(v2sf) =	vpush v6, $0xF  }
0x333: {  	s4 =	sadd.f32 s4, s6  }
0x334: {  	v1 =	vadd.f32 s2, v1;
	s6 =	sadd.f32 s26, s8  }
0x335: {  	s5 =	sadd.f32 s25, s7;
	v5 =	vadd.f32 s4, v5  }
0x336: {  	v7, _, _ =	vpop (xrf2);
	[tilespmem:s20+$0xC190] =	vst v1;
	v1 =	vadd.f32 s6, v3  }
0x337: {  	(v2sf) =	vpush v7, $0xF;
	[tilespmem:s20+$0xC090] =	vst v5;
	v3 =	vadd.f32 s5, v6;
	v8, _, _ =	vpop (xrf2)  }
0x338: {  	[tilespmem:s20+$0xC110] =	vst v1;
	(v2sf) =	vpush v8, $0xF  }
0x339: {  	s22 =	sadd.s32 $0x10, s21;
	v6 =	vld [tilespmem:s20+$0x40B0];
	[tilespmem:s20+$0xC010] =	vst v3;
	v5, _, _ =	vpop (xrf2);
	(v2sf) =	vpush v4, $0xF  }
0x33a: {  	v62 =	vld [tilespmem:s20+$0x4130];
	s8 =	sor.u32 $0x200, s22;
	s17 =	rddreg [dreg:$0x19];
	v1, _, _ =	vpop (xrf2);
	(v2sf) =	vpush v5, $0xF  }
0x33b: {  	v3 =	vadd.f32 s17, v1;
	(v2sf) =	vpush v1, $0xF;
	v1 =	vld [tilespmem:s8+$0x4000];
	_ =	sdelay $0x1  }
0x33c: {  	s19 =	spop (v2sf)  }
0x33d: {  	s18 =	sor.u32 $0x280, s21;
	(xrf2) =	vadd.scan.msk.f32 $0xffff, v6;
	[tilespmem:s1+$0xC000] =	vst v3;
	s9 =	spop (v2sf)  }
0x33e: {  	(xrf2) =	vadd.scan.msk.f32 $0xffff, v62;
	v3 =	vld [tilespmem:s18+$0x4000];
	s10 =	spop (v2sf)  }
0x33f: {  	s4 =	sadd.f32 s3, s4;
	(xrf2) =	vadd.scan.msk.f32 $0xffff, v1;
	s23 =	spop (v2sf)  }
0x340: {  	s11 =	sadd.f32 s19, s2;
	s25 =	spop (v2sf)  }
0x341: {  	s26 =	sadd.f32 s25, s5  }
0x342: {  	v1 =	vadd.f32 s11, v2;
	s24 =	sadd.f32 s23, s6  }
0x343: {  	v2 =	vadd.f32 s4, v4;
	(xrf2) =	vadd.scan.msk.f32 $0xffff, v3;
	v0 =	vadd.f32 s26, v0  }
0x344: {  	[tilespmem:s20+$0xC1A0] =	vst v1;
	v1 =	vadd.f32 s24, v8  }
0x345: {  	s1 =	spop (v2sf);
	[tilespmem:s20+$0xC0A0] =	vst v2  }
0x346: {  	s5 =	sadd.s32 $0x20, s21;
	s12 =	spop (v2sf);
	[tilespmem:s20+$0xC120] =	vst v1  }
0x347: {  	s16 =	sor.u32 $0x200, s5;
	s15 =	spop (v2sf);
	[tilespmem:s20+$0xC020] =	vst v0;
	v0, _, _ =	vpop (xrf2)  }
0x348: {  	s2 =	spop (v2sf);
	v1 =	vld [tilespmem:s16+$0x4000];
	v2, _, _ =	vpop (xrf2);
	(v2sf) =	vpush v0, $0xF  }
0x349: {  	s14 =	spop (v2sf);
	(v2sf) =	vpush v2, $0xF;
	v3, _, _ =	vpop (xrf2)  }
0x34a: {  	s17 =	sadd.f32 s14, s17;
	(v2sf) =	vpush v3, $0xF;
	_ =	sdelay $0x1  }
0x34b: {  	v3 =	vadd.f32 s17, v3  }
0x34c: {  	s19 =	rddreg [dreg:$0x16];
	v4, _, _ =	vpop (xrf2);
	(xrf2) =	vadd.scan.msk.f32 $0xffff, v1  }
0x34d: {  	s14 =	sor.u32 $0x280, s22;
	v6 =	vadd.f32 s19, v4;
	[tilespmem:s8+$0xC000] =	vst v3  }
0x34e: {  	v1 =	vld [tilespmem:s14+$0x4000]  }
0x34f: {  	[tilespmem:s18+$0xC000] =	vst v6;
	s18 =	sor.u32 $0x300, s21  }
0x350: {  	v3 =	vld [tilespmem:s18+$0x4000];
	_ =	sdelay $0x2  }
0x351: {  	(xrf2) =	vadd.scan.msk.f32 $0xffff, v1  }
0x352: {  	s8 =	sadd.f32 s10, s26  }
0x353: {  	s9 =	sadd.f32 s9, s11;
	(xrf2) =	vadd.scan.msk.f32 $0xffff, v3  }
0x354: {  	s3 =	sadd.f32 s12, s24;
	v5 =	vadd.f32 s8, v5;
	v1, _, _ =	vpop (xrf2);
	s10 =	spop (v2sf)  }
0x355: {  	s11 =	sadd.f32 s15, s4;
	v3 =	vadd.f32 s9, v7;
	(v2sf) =	vpush v1, $0xF;
	s7 =	spop (v2sf)  }
0x356: {  	[tilespmem:s20+$0xC030] =	vst v5;
	(v2sf) =	vpush v4, $0xF;
	s15 =	spop (v2sf)  }
0x357: {  	v0 =	vadd.f32 s11, v0;
	v2 =	vadd.f32 s3, v2;
	[tilespmem:s20+$0xC1B0] =	vst v3;
	s12 =	sadd.f32 s15, s17  }
0x358: {  	[smem:$0x7F3] =	sst s21  }
0x359: {  	[tilespmem:s20+$0xC130] =	vst v2;
	v1 =	vadd.f32 s12, v1  }
0x35a: {  	[dreg:$0x1e] =	wrdreg s20  }
0x35b: {  	s28 =	sadd.s32 $0x30, s21;
	[tilespmem:s20+$0xC0B0] =	vst v0;
	v0, _, _ =	vpop (xrf2)  }
0x35c: {  	s15 =	sor.u32 $0x200, s28;
	(v2sf) =	vpush v0, $0xF  }
0x35d: {  	s30 =	simm.s32 $0x200;
	s4 =	simm.s32 $0x40;
	v2 =	vld [tilespmem:s15+$0x4000];
	[tilespmem:s16+$0xC000] =	vst v1;
	s16 =	sor.u32 $0x280, s5;
	v1, _, _ =	vpop (xrf2)  }
0x35e: {  	s24 =	sand.u32 $0x1C00, s30;
	s23 =	sand.u32 $0x40, s4;
	v3 =	vld [tilespmem:s16+$0x4000];
	v4 =	vadd.f32 s13, v1  }
0x35f: {  	s6 =	sor.u32 s23, s24  }
0x360: {  	s0 =	sor.u32 s0, s0;
	v5 =	vld [tilespmem:s6+$0x4020];
	[tilespmem:s18+$0xC000] =	vst v4  }
0x361: {  	s25 =	sor.u32 $0x380, s0;
	v6 =	vld [tilespmem:s6+$0x4000];
	[smem:$0x7F4] =	sst s0  }
0x362: {  	(xrf2) =	vadd.scan.msk.f32 $0xffff, v2;
	v4 =	vld [tilespmem:s25+$0x4000]  }
0x363: {  	(xrf2) =	vadd.scan.msk.f32 $0xffff, v3;
	v2 =	vld [tilespmem:s6+$0x4180]  }
0x364: {  	s26 =	spop (v2sf)  }
0x365: {  	(xrf2) =	vadd.scan.msk.f32 $0xffff, v5;
	s21 =	spop (v2sf)  }
0x366: {  	(xrf2) =	vadd.scan.msk.f32 $0xffff, v6;
	s0 =	sadd.f32 s21, s19  }
0x367: {  	(xrf2) =	vadd.scan.msk.f32 $0xffff, v4  }
0x368: {  	v0 =	vadd.f32 s0, v0;
	(xrf2) =	vadd.scan.msk.f32 $0xffff, v2  }
0x369: {  	v2 =	vld [tilespmem:s6+$0x4090]  }
0x36a: {  	v4 =	vld [tilespmem:s6+$0x4080];
	[tilespmem:s14+$0xC000] =	vst v0;
	s14 =	sor.u32 $0x300, s22  }
0x36b: {  	s23 =	spop (v2sf);
	v6 =	vld [tilespmem:s14+$0x4000]  }
0x36c: {  	v3, _, _ =	vpop (xrf2);
	s20 =	sadd.f32 s23, s0  }
0x36d: {  	v5, _, _ =	vpop (xrf2)  }
0x36e: {  	(v2sf) =	vpush v1, $0xF;
	v1 =	vadd.f32 s20, v5;
	(xrf2) =	vadd.scan.msk.f32 $0xffff, v2  }
0x36f: {  	(v2sf) =	vpush v3, $0xF;
	v0, _, _ =	vpop (xrf2);
	(xrf2) =	vadd.scan.msk.f32 $0xffff, v4  }
0x370: {  	(v2sf) =	vpush v5, $0xF;
	v7, _, _ =	vpop (xrf2);
	v2 =	vld [tilespmem:s6+$0x4100];
	(xrf2) =	vadd.scan.msk.f32 $0xffff, v6  }
0x371: {  	v5, _, _ =	vpop (xrf2)  }
0x372: {  	s0 =	sor.u32 $0x300, s5;
	[tilespmem:s16+$0xC000] =	vst v1;
	(v2sf) =	vpush v5, $0xF;
	v1, _, _ =	vpop (xrf2)  }
0x373: {  	v4 =	vld [tilespmem:s0+$0x4000];
	(v2sf) =	vpush v1, $0xF;
	_ =	sdelay $0x1  }
0x374: {  	(xrf2) =	vadd.scan.msk.f32 $0xffff, v2  }
0x375: {  	v6 =	vld [tilespmem:s6+$0x41A0];
	_ =	sdelay $0x1  }
0x376: {  	s24 =	sadd.f32 s26, s12;
	(xrf2) =	vadd.scan.msk.f32 $0xffff, v4;
	v2, _, _ =	vpop (xrf2)  }
0x377: {  	v63 =	vld [tilespmem:s6+$0x4190];
	v8, _, _ =	vpop (xrf2)  }
0x378: {  	s23 =	rddreg [dreg:$0xd];
	v4 =	vadd.f32 s24, v3;
	v3, _, _ =	vpop (xrf2)  }
0x379: {  	s19 =	sadd.f32 s2, s8;
	v5 =	vadd.f32 s23, v5;
	(xrf2) =	vadd.scan.msk.f32 $0xffff, v6;
	(v2sf) =	vpush v3, $0xF  }
0x37a: {  	p1 =	por !p0, !p0;
	s9 =	sadd.f32 s1, s9;
	v10 =	vld [tilespmem:s6+$0x4110]  }
0x37b: {  	s31 =	sadd.f32 s10, s11;
	s2 =	simm.s32 $0x1;
	s21 =	spop (v2sf);
	v11 =	vadd.f32 s19, v7;
	[tilespmem:s25+$0xC000] =	vst v5  }
0x37c: {  	s29 =	sadd.f32 s7, s3;
	s2 =	simm.s32 @!p1 $0x0;
	[tilespmem:s15+$0xC000] =	vst v4;
	v4 =	vadd.f32 s9, v1;
	s25 =	spop (v2sf);
	(xrf2) =	vadd.scan.msk.f32 $0xffff, v63;
	(v2sf) =	vpush v2, $0xF  }
0x37d: {  	s2 =	sshll.u32 s2, $0x6;
	[tilespmem:s6+$0xC000] =	vst v11;
	v12 =	vadd.f32 s31, v8;
	s26 =	spop (v2sf);
	v13, _, _ =	vpop (xrf2);
	(v2sf) =	vpush v8, $0xF  }
0x37e: {  	s7 =	simm.s32 $0x40;
	s12 =	simm.s32 $0x4;
	s8 =	sadd.s32 $0x200, s2;
	[tilespmem:s6+$0xC180] =	vst v4;
	(v2sf) =	vpush v7, $0xF;
	v8 =	vadd.f32 s29, v13;
	v7 =	vld [tilespmem:s6+$0x40A0]  }
0x37f: {  	s16 =	sor.u32 $0x280, s28;
	v5 =	vld [tilespmem:s6+$0x4010];
	s18 =	sadd.f32 s25, s24;
	(xrf2) =	vadd.scan.msk.f32 $0xffff, v10;
	[tilespmem:s6+$0xC080] =	vst v12;
	s11 =	spop (v2sf)  }
0x380: {  	s2 =	sor.u32 $0x200, s8;
	v1 =	vld [tilespmem:s16+$0x4000];
	s17 =	sadd.f32 s26, s20;
	v4, _, _ =	vpop (xrf2);
	[tilespmem:s6+$0xC100] =	vst v8;
	s20 =	spop (v2sf);
	(v2sf) =	vpush v13, $0xF  }
0x381: {  	s3 =	sadd.s32 $0x10, s8;
	s10 =	sadd.s32 $0x20, s8;
	v6 =	vld [tilespmem:s6+$0x4120];
	[dreg:$0xf] =	wrdreg s22;
	(v2sf) =	vpush v4, $0xF  }
0x382: {  	s15 =	simm.s32 $0x200;
	s24 =	smov.u32 s5;
	[dreg:$0x10] =	wrdreg s28  }
.LBB2_11:
0x383: {  	s12 =	sadd.s32 $0x4, s12;
	v8 =	vld [tilespmem:s2+$0x4000];
	s1 =	sadd.s32 $0x30, s8;
	(xrf2) =	vadd.scan.msk.f32 $0xffff, v7;
	v7, _, _ =	vpop (xrf2)  }
0x384: {  	p2 =	slt.u32 s12, $0x3C;
	v9 =	vld [tilespmem:s6+$0x41B0]  }
0x385: {  	v10 =	vld [tilespmem:s6+$0x4030]  }
0x386: {  	(xrf2) =	vadd.scan.msk.f32 $0xffff, v5;
	v5, _, _ =	vpop (xrf2);
	_ =	sdelay $0x1  }
0x387: {  	s26 =	spop (v2sf)  }
0x388: {  	v11, _, _ =	vpop (xrf2);
	(xrf2) =	vadd.scan.msk.f32 $0xffff, v9;
	_ =	sdelay $0x2  }
0x389: {  	s20 =	sadd.f32 s20, s9;
	s9 =	spop (v2sf)  }
0x38a: {  	s21 =	sadd.f32 s21, s13;
	s25 =	spop (v2sf);
	(v2sf) =	vpush v5, $0xF;
	v9, _, _ =	vpop (xrf2);
	(xrf2) =	vadd.scan.msk.f32 $0xffff, v6  }
0x38b: {  	v12 =	vadd.f32 s20, v5;
	s25 =	sadd.f32 s25, s31;
	s31 =	spop (v2sf);
	(v2sf) =	vpush v7, $0xF  }
0x38c: {  	v3 =	vadd.f32 s21, v3;
	s26 =	sadd.f32 s26, s21;
	v6 =	vld [tilespmem:s6+$0x4130];
	s13 =	spop (v2sf);
	(v2sf) =	vpush v0, $0xF  }
0x38d: {  	s13 =	sadd.f32 s13, s29;
	v2 =	vadd.f32 s25, v2;
	[tilespmem:s6+$0xC190] =	vst v12;
	v5, _, _ =	vpop (xrf2);
	(v2sf) =	vpush v11, $0xF;
	(xrf2) =	vadd.scan.msk.f32 $0xffff, v10;
	s29 =	spop (v2sf)  }
0x38e: {  	s31 =	sadd.f32 s31, s19;
	(v2sf) =	vpush v5, $0xF;
	[tilespmem:s14+$0xC000] =	vst v3;
	v3 =	vadd.f32 s26, v4  }
0x38f: {  	s21 =	sor.u32 $0x380, s22;
	s22 =	smov.u32 s3;
	s14 =	sadd.f32 s29, s26;
	[tilespmem:s6+$0xC090] =	vst v2;
	v2 =	vadd.f32 s13, v11;
	v4 =	vld [tilespmem:s6+$0x40B0]  }
0x390: {  	v5 =	vadd.f32 s31, v5;
	v10, _, _ =	vpop (xrf2);
	v11 =	vld [tilespmem:s21+$0x4000];
	[tilespmem:s0+$0xC000] =	vst v3;
	s0 =	sor.u32 $0x380, s24;
	s24 =	smov.u32 s10  }
0x391: {  	(v2sf) =	vpush v10, $0xF;
	v3 =	vld [tilespmem:s0+$0x4000]  }
0x392: {  	[tilespmem:s6+$0xC110] =	vst v2;
	(xrf2) =	vadd.scan.msk.f32 $0xffff, v1  }
0x393: {  	s3 =	sor.u32 $0x200, s22;
	[tilespmem:s6+$0xC010] =	vst v5  }
0x394: {  	v1 =	vld [tilespmem:s3+$0x4000];
	v2, _, _ =	vpop (xrf2)  }
0x395: {  	(xrf2) =	vadd.scan.msk.f32 $0xffff, v8;
	_ =	sdelay $0x1  }
0x396: {  	v5, _, _ =	vpop (xrf2)  }
0x397: {  	(xrf2) =	vadd.scan.msk.f32 $0xffff, v4  }
0x398: {  	s10 =	spop (v2sf)  }
0x399: {  	s10 =	sadd.f32 s10, s20;
	(v2sf) =	vpush v2, $0xF;
	s20 =	spop (v2sf)  }
0x39a: {  	s19 =	sadd.f32 s9, s25;
	s9 =	spop (v2sf)  }
0x39b: {  	v4 =	vadd.f32 s10, v7;
	s10 =	sadd.f32 s20, s10;
	s20 =	spop (v2sf);
	v7, _, _ =	vpop (xrf2)  }
0x39c: {  	v12 =	vadd.f32 s19, v9;
	s13 =	sadd.f32 s20, s13;
	s20 =	spop (v2sf);
	(v2sf) =	vpush v9, $0xF;
	(xrf2) =	vadd.scan.msk.f32 $0xffff, v6  }
0x39d: {  	v6 =	vadd.f32 s17, v7;
	s20 =	sadd.f32 s20, s31;
	[tilespmem:s6+$0xC1A0] =	vst v4;
	v4 =	vadd.f32 s10, v10  }
0x39e: {  	[tilespmem:s6+$0xC0A0] =	vst v12;
	v2 =	vadd.f32 s13, v2;
	v8, _, _ =	vpop (xrf2);
	(v2sf) =	vpush v7, $0xF  }
0x39f: {  	v0 =	vadd.f32 s20, v0;
	s25 =	sadd.f32 s9, s20;
	(xrf2) =	vadd.scan.msk.f32 $0xffff, v1;
	(v2sf) =	vpush v5, $0xF;
	s9 =	spop (v2sf);
	[tilespmem:s16+$0xC000] =	vst v6;
	s16 =	sor.u32 $0x300, s28  }
0x3a0: {  	v1 =	vadd.f32 s18, v8;
	[tilespmem:s6+$0xC120] =	vst v2;
	s9 =	sadd.f32 s9, s10;
	(v2sf) =	vpush v8, $0xF;
	v2 =	vld [tilespmem:s16+$0x4000]  }
0x3a1: {  	s10 =	sor.u32 $0x200, s24;
	[tilespmem:s6+$0xC020] =	vst v0;
	v0 =	vadd.f32 s25, v5;
	v5, _, _ =	vpop (xrf2)  }
0x3a2: {  	v6 =	vld [tilespmem:s10+$0x4000];
	[tilespmem:s6+$0xC1B0] =	vst v4;
	(xrf2) =	vadd.scan.msk.f32 $0xffff, v3  }
0x3a3: {  	[tilespmem:s6+$0xC030] =	vst v0  }
0x3a4: {  	s20 =	sor.u32 $0x280, s8;
	[tilespmem:s2+$0xC000] =	vst v1  }
0x3a5: {  	v0 =	vld [tilespmem:s20+$0x4000];
	(xrf2) =	vadd.scan.msk.f32 $0xffff, v11  }
0x3a6: {  	v1, _, _ =	vpop (xrf2)  }
0x3a7: {  	(v2sf) =	vpush v5, $0xF  }
0x3a8: {  	s2 =	spop (v2sf);
	(v2sf) =	vpush v1, $0xF;
	(xrf2) =	vadd.scan.msk.f32 $0xffff, v2  }
0x3a9: {  	s13 =	sadd.f32 s2, s13;
	v2, _, _ =	vpop (xrf2);
	_ =	sdelay $0x1  }
0x3aa: {  	v1 =	vadd.f32 s13, v1;
	s2 =	spop (v2sf)  }
0x3ab: {  	s26 =	sadd.f32 s2, s19;
	v3, _, _ =	vpop (xrf2)  }
0x3ac: {  	s11 =	sadd.f32 s11, s23;
	[tilespmem:s6+$0xC130] =	vst v1;
	(xrf2) =	vadd.scan.msk.f32 $0xffff, v0;
	(v2sf) =	vpush v3, $0xF;
	s2 =	spop (v2sf)  }
0x3ad: {  	v0 =	vadd.f32 s26, v5;
	s19 =	spop (v2sf);
	s2 =	sadd.f32 s2, s17  }
0x3ae: {  	s19 =	sadd.f32 s19, s25;
	s17 =	spop (v2sf);
	(v2sf) =	vpush v2, $0xF;
	v1, _, _ =	vpop (xrf2)  }
0x3af: {  	s18 =	sadd.f32 s17, s18;
	(xrf2) =	vadd.scan.msk.f32 $0xffff, v6;
	v4 =	vadd.f32 s11, v1;
	(v2sf) =	vpush v1, $0xF;
	_ =	sdelay $0x1  }
0x3b0: {  	v1 =	vadd.f32 s18, v2;
	[tilespmem:s21+$0xC000] =	vst v4;
	v2, _, _ =	vpop (xrf2)  }
0x3b1: {  	v4 =	vadd.f32 s14, v2;
	(v2sf) =	vpush v2, $0xF  }
0x3b2: {  	[tilespmem:s3+$0xC000] =	vst v1;
	s3 =	sor.u32 $0x280, s22  }
0x3b3: {  	v1 =	vld [tilespmem:s3+$0x4000];
	[tilespmem:s16+$0xC000] =	vst v4;
	s16 =	sor.u32 $0x380, s28;
	s28 =	smov.u32 s1  }
0x3b4: {  	s1 =	spop (v2sf);
	v2 =	vld [tilespmem:s16+$0x4000]  }
0x3b5: {  	s31 =	sadd.f32 s1, s26;
	v4, _, _ =	vpop (xrf2);
	s1 =	spop (v2sf)  }
0x3b6: {  	v5 =	vadd.f32 s2, v4;
	s29 =	sadd.f32 s1, s13;
	_ =	sdelay $0x1  }
0x3b7: {  	s17 =	sor.u32 $0x300, s8;
	[tilespmem:s20+$0xC000] =	vst v5;
	(xrf2) =	vadd.scan.msk.f32 $0xffff, v1;
	v1, _, _ =	vpop (xrf2)  }
0x3b8: {  	v5 =	vld [tilespmem:s17+$0x4000];
	(v2sf) =	vpush v1, $0xF  }
0x3b9: {  	s8 =	sor.u32 $0x200, s28;
	[tilespmem:s6+$0xC0B0] =	vst v0;
	s13 =	spop (v2sf)  }
0x3ba: {  	v0 =	vld [tilespmem:s8+$0x4000];
	(xrf2) =	vadd.scan.msk.f32 $0xffff, v2  }
0x3bb: {  	s1 =	spop (v2sf)  }
0x3bc: {  	s18 =	sadd.f32 s1, s18;
	s6 =	spop (v2sf)  }
0x3bd: {  	(xrf2) =	vadd.scan.msk.f32 $0xffff, v5  }
0x3be: {  	v1 =	vadd.f32 s18, v1  }
0x3bf: {  	s20 =	spop (v2sf)  }
0x3c0: {  	s1 =	sor.u32 $0x280, s24;
	[tilespmem:s10+$0xC000] =	vst v1;
	(v2sf) =	vpush v4, $0xF;
	s20 =	sadd.f32 s20, s14  }
0x3c1: {  	s30 =	sadd.s32 $0x200, s30;
	s4 =	sadd.s32 $0x40, s4;
	s10 =	sadd.f32 s6, s11;
	v1 =	vld [tilespmem:s1+$0x4000];
	v2, _, _ =	vpop (xrf2)  }
0x3c2: {  	s6 =	sand.u32 $0x40, s4;
	s11 =	sand.u32 $0x1C00, s30;
	(v2sf) =	vpush v2, $0xF  }
0x3c3: {  	s6 =	sor.u32 s6, s11;
	s11 =	sadd.f32 s13, s10;
	(xrf2) =	vadd.scan.msk.f32 $0xffff, v0;
	v0 =	vadd.f32 s10, v3  }
0x3c4: {  	v3 =	vld [tilespmem:s6+$0x4020];
	v4, _, _ =	vpop (xrf2)  }
0x3c5: {  	[tilespmem:s0+$0xC000] =	vst v0;
	v0 =	vadd.f32 s11, v4;
	(v2sf) =	vpush v4, $0xF  }
0x3c6: {  	v4 =	vld [tilespmem:s6+$0x4000];
	(xrf2) =	vadd.scan.msk.f32 $0xffff, v1  }
0x3c7: {  	v5 =	vld [tilespmem:s6+$0x4180];
	v1, _, _ =	vpop (xrf2);
	s0 =	spop (v2sf);
	[tilespmem:s16+$0xC000] =	vst v0  }
0x3c8: {  	v0 =	vadd.f32 s20, v1;
	s10 =	sadd.f32 s0, s18;
	(v2sf) =	vpush v1, $0xF  }
0x3c9: {  	s0 =	sor.u32 s15, s7;
	s15 =	smov.u32 s30;
	s7 =	smov.u32 s4;
	(xrf2) =	vadd.scan.msk.f32 $0xffff, v3  }
0x3ca: {  	s13 =	sor.u32 $0x380, s0;
	[tilespmem:s17+$0xC000] =	vst v0  }
0x3cb: {  	v0 =	vld [tilespmem:s13+$0x4000];
	_ =	sdelay $0x1  }
0x3cc: {  	(xrf2) =	vadd.scan.msk.f32 $0xffff, v4;
	v1, _, _ =	vpop (xrf2)  }
0x3cd: {  	v6 =	vadd.f32 s10, v1;
	(v2sf) =	vpush v1, $0xF  }
0x3ce: {  	s0 =	spop (v2sf)  }
0x3cf: {  	v4 =	vld [tilespmem:s6+$0x4080];
	s0 =	sadd.f32 s0, s2;
	[tilespmem:s8+$0xC000] =	vst v6;
	(xrf2) =	vadd.scan.msk.f32 $0xffff, v0;
	v3, _, _ =	vpop (xrf2)  }
0x3d0: {  	s16 =	sor.u32 $0x280, s28;
	v6 =	vld [tilespmem:s6+$0x4090];
	s2 =	spop (v2sf);
	(v2sf) =	vpush v3, $0xF  }
0x3d1: {  	p1 =	por !p1, !p1;
	v2 =	vadd.f32 s0, v2;
	s2 =	sadd.f32 s2, s0;
	v1 =	vld [tilespmem:s16+$0x4000]  }
0x3d2: {  	(xrf2) =	vadd.scan.msk.f32 $0xffff, v5;
	v0, _, _ =	vpop (xrf2)  }
0x3d3: {  	s14 =	sor.u32 $0x300, s22;
	[tilespmem:s3+$0xC000] =	vst v2;
	v2 =	vadd.f32 s2, v3;
	s0 =	spop (v2sf)  }
0x3d4: {  	v3 =	vld [tilespmem:s14+$0x4000];
	s23 =	sadd.f32 s0, s11  }
0x3d5: {  	(xrf2) =	vadd.scan.msk.f32 $0xffff, v6;
	[tilespmem:s1+$0xC000] =	vst v2  }
0x3d6: {  	v2 =	vld [tilespmem:s6+$0x4100];
	v6, _, _ =	vpop (xrf2);
	s21 =	spop (v2sf)  }
0x3d7: {  	s0 =	sor.u32 $0x300, s24;
	v8 =	vld [tilespmem:s6+$0x4190]  }
0x3d8: {  	(xrf2) =	vadd.scan.msk.f32 $0xffff, v4;
	v4 =	vld [tilespmem:s0+$0x4000]  }
0x3d9: {  	v5, _, _ =	vpop (xrf2)  }
0x3da: {  	v7 =	vadd.f32 s23, v5;
	(v2sf) =	vpush v5, $0xF  }
0x3db: {  	(xrf2) =	vadd.scan.msk.f32 $0xffff, v3  }
0x3dc: {  	v9, _, _ =	vpop (xrf2);
	[tilespmem:s13+$0xC000] =	vst v7;
	s13 =	smov.u32 s20;
	s1 =	spop (v2sf)  }
0x3dd: {  	v7 =	vld [tilespmem:s6+$0x41A0];
	(v2sf) =	vpush v9, $0xF;
	s18 =	sadd.f32 s1, s10  }
0x3de: {  	(xrf2) =	vadd.scan.msk.f32 $0xffff, v2  }
0x3df: {  	v2, _, _ =	vpop (xrf2);
	s1 =	spop (v2sf)  }
0x3e0: {  	s17 =	sadd.f32 s1, s2  }
0x3e1: {  	v5 =	vld [tilespmem:s6+$0x4010];
	(xrf2) =	vadd.scan.msk.f32 $0xffff, v4  }
0x3e2: {  	v10 =	vld [tilespmem:s6+$0x4110];
	v4, _, _ =	vpop (xrf2)  }
0x3e3: {  	v11 =	vadd.f32 s31, v4;
	_ =	sdelay $0x1  }
0x3e4: {  	v3, _, _ =	vpop (xrf2)  }
0x3e5: {  	(xrf2) =	vadd.scan.msk.f32 $0xffff, v7;
	(v2sf) =	vpush v3, $0xF  }
0x3e6: {  	v7 =	vadd.f32 s9, v9  }
0x3e7: {  	v9, _, _ =	vpop (xrf2)  }
0x3e8: {  	[tilespmem:s6+$0xC180] =	vst v7;
	v7 =	vld [tilespmem:s6+$0x40A0];
	(xrf2) =	vadd.scan.msk.f32 $0xffff, v8;
	s11 =	spop (v2sf)  }
0x3e9: {  	(v2sf) =	vpush v2, $0xF  }
.Ltmp7:
0x3ea: {  	s1 =	simm.s32 $0x1;
	v8 =	vadd.f32 s19, v6;
	(v2sf) =	vpush v4, $0xF;
	v4, _, _ =	vpop (xrf2);
	(pc) =	sbr.rel @p2 .LBB2_11-.Ltmp7, $4  }
0x3eb: {  	s1 =	simm.s32 @!p1 $0x0;
	(v2sf) =	vpush v6, $0xF;
	s20 =	spop (v2sf);
	(xrf2) =	vadd.scan.msk.f32 $0xffff, v10  }
0x3ec: {  	s1 =	sshll.u32 s1, $0x6;
	[tilespmem:s6+$0xC000] =	vst v8;
	v8 =	vadd.f32 s29, v9;
	(v2sf) =	vpush v9, $0xF  }
0x3ed: {  	s8 =	sadd.s32 s1, s30;
	[tilespmem:s6+$0xC080] =	vst v11;
	v6 =	vld [tilespmem:s6+$0x4120];
	(v2sf) =	vpush v4, $0xF  }
0x3ee: {  	s2 =	sor.u32 $0x200, s8;
	s3 =	sadd.s32 $0x10, s8;
	s10 =	sadd.s32 $0x20, s8;
	[tilespmem:s6+$0xC100] =	vst v8  }
0x3ef: {  	(xrf2) =	vadd.scan.msk.f32 $0xffff, v7  }
0x3f0: {  	(xrf2) =	vadd.scan.msk.f32 $0xffff, v5;
	_ =	sdelay $0x1  }
0x3f1: {  	v5 =	vld [tilespmem:s6+$0x41B0];
	_ =	sdelay $0x1  }
0x3f2: {  	v7 =	vld [tilespmem:s6+$0x4030]  }
0x3f3: {  	v8, _, _ =	vpop (xrf2)  }
0x3f4: {  	v9, _, _ =	vpop (xrf2)  }
0x3f5: {  	(v2sf) =	vpush v9, $0xF;
	(xrf2) =	vadd.scan.msk.f32 $0xffff, v5  }
0x3f6: {  	(v2sf) =	vpush v8, $0xF;
	v5, _, _ =	vpop (xrf2);
	(xrf2) =	vadd.scan.msk.f32 $0xffff, v6  }
0x3f7: {  	(v2sf) =	vpush v0, $0xF;
	v6 =	vld [tilespmem:s2+$0x4000];
	(xrf2) =	vadd.scan.msk.f32 $0xffff, v7;
	v7, _, _ =	vpop (xrf2)  }
0x3f8: {  	(v2sf) =	vpush v5, $0xF;
	(xrf2) =	vadd.scan.msk.f32 $0xffff, v1;
	v1, _, _ =	vpop (xrf2)  }
0x3f9: {  	(v2sf) =	vpush v1, $0xF;
	_ =	sdelay $0x2  }
0x3fa: {  	s1 =	sadd.f32 s21, s13;
	(xrf2) =	vadd.scan.msk.f32 $0xffff, v6  }
0x3fb: {  	s4 =	spop (v2sf)  }
0x3fc: {  	s12 =	sadd.f32 s4, s1;
	s4 =	spop (v2sf)  }
0x3fd: {  	s9 =	sadd.f32 s20, s9;
	s25 =	spop (v2sf);
	v6, _, _ =	vpop (xrf2)  }
0x3fe: {  	v3 =	vadd.f32 s1, v3;
	v4 =	vadd.f32 s12, v4;
	s1 =	sadd.f32 s25, s31;
	v10, _, _ =	vpop (xrf2)  }
0x3ff: {  	s26 =	spop (v2sf);
	v11, _, _ =	vpop (xrf2)  }
0x400: {  	[tilespmem:s0+$0xC000] =	vst v4;
	v4 =	vadd.f32 s9, v9;
	s20 =	spop (v2sf);
	v2 =	vadd.f32 s1, v2;
	v12, _, _ =	vpop (xrf2)  }
0x401: {  	[tilespmem:s14+$0xC000] =	vst v3;
	s21 =	sadd.f32 s20, s29;
	s25 =	spop (v2sf);
	v3 =	vadd.f32 s17, v12  }
0x402: {  	s13 =	sadd.f32 s26, s19;
	[tilespmem:s6+$0xC190] =	vst v4;
	(v2sf) =	vpush v6, $0xF;
	s26 =	spop (v2sf)  }
0x403: {  	v4 =	vld [tilespmem:s6+$0x40B0];
	(v2sf) =	vpush v10, $0xF;
	s14 =	spop (v2sf);
	[tilespmem:s16+$0xC000] =	vst v3;
	v3 =	vadd.f32 s21, v5  }
0x404: {  	v1 =	vadd.f32 s13, v1;
	[tilespmem:s6+$0xC090] =	vst v2;
	(v2sf) =	vpush v7, $0xF;
	s20 =	spop (v2sf);
	s16 =	sadd.f32 s26, s9;
	v2, _, _ =	vpop (xrf2);
	v5 =	vld [tilespmem:s6+$0x4130]  }
0x405: {  	s19 =	sadd.f32 s4, s1;
	(v2sf) =	vpush v12, $0xF;
	s9 =	spop (v2sf);
	[tilespmem:s6+$0xC110] =	vst v3;
	v3 =	vadd.f32 s18, v2  }
0x406: {  	[tilespmem:s6+$0xC010] =	vst v1;
	(v2sf) =	vpush v11, $0xF;
	s26 =	sor.u32 $0x200, s3;
	s4 =	sadd.f32 s9, s21;
	v1 =	vadd.f32 s16, v8;
	s21 =	spop (v2sf)  }
0x407: {  	s0 =	sor.u32 $0x380, s24;
	v7 =	vadd.f32 s19, v7;
	(v2sf) =	vpush v2, $0xF;
	[tilespmem:s2+$0xC000] =	vst v3;
	v3 =	vld [tilespmem:s26+$0x4000];
	s21 =	sadd.f32 s21, s13  }
0x408: {  	s1 =	sor.u32 $0x380, s22;
	(xrf2) =	vadd.scan.msk.f32 $0xffff, v4;
	v2 =	vld [tilespmem:s0+$0x4000];
	[tilespmem:s6+$0xC1A0] =	vst v1;
	v1 =	vadd.f32 s4, v10  }
0x409: {  	[tilespmem:s6+$0xC0A0] =	vst v7;
	v8 =	vld [tilespmem:s1+$0x4000];
	s2 =	sor.u32 $0x300, s28;
	(xrf2) =	vadd.scan.msk.f32 $0xffff, v5;
	v0 =	vadd.f32 s21, v0  }
0x40a: {  	[tilespmem:s6+$0xC120] =	vst v1;
	v1 =	vld [tilespmem:s2+$0x4000];
	s13 =	sor.u32 $0x280, s8  }
0x40b: {  	s9 =	sor.u32 $0x200, s10;
	[tilespmem:s6+$0xC020] =	vst v0;
	v0 =	vld [tilespmem:s13+$0x4000]  }
0x40c: {  	(xrf2) =	vadd.scan.msk.f32 $0xffff, v3;
	v3 =	vld [tilespmem:s9+$0x4000]  }
0x40d: {  	(xrf2) =	vadd.scan.msk.f32 $0xffff, v2  }
0x40e: {  	(xrf2) =	vadd.scan.msk.f32 $0xffff, v8  }
0x40f: {  	(xrf2) =	vadd.scan.msk.f32 $0xffff, v1  }
0x410: {  	(xrf2) =	vadd.scan.msk.f32 $0xffff, v0  }
0x411: {  	s24 =	spop (v2sf);
	(xrf2) =	vadd.scan.msk.f32 $0xffff, v3  }
0x412: {  	v2, _, _ =	vpop (xrf2);
	s29 =	spop (v2sf)  }
0x413: {  	(v2sf) =	vpush v2, $0xF;
	s30 =	spop (v2sf);
	v3, _, _ =	vpop (xrf2)  }
0x414: {  	s22 =	spop (v2sf);
	(v2sf) =	vpush v3, $0xF  }
0x415: {  	[smem:$0x7E4] =	sst s24;
	s24 =	spop (v2sf)  }
0x416: {  	[smem:$0x7E6] =	sst s24;
	s24 =	spop (v2sf);
	v4, _, _ =	vpop (xrf2)  }
0x417: {  	s31 =	sadd.f32 s24, s18;
	v0, _, _ =	vpop (xrf2)  }
0x418: {  	s12 =	sadd.f32 s25, s12;
	(v2sf) =	vpush v0, $0xF;
	v1, _, _ =	vpop (xrf2)  }
0x419: {  	s17 =	sadd.f32 s22, s17;
	(v2sf) =	vpush v4, $0xF;
	v4 =	vadd.f32 s31, v4;
	v5, _, _ =	vpop (xrf2)  }
0x41a: {  	(v2sf) =	vpush v1, $0xF;
	v7 =	vadd.f32 s12, v5;
	v8, _, _ =	vpop (xrf2)  }
0x41b: {  	s25 =	sor.u32 $0x280, s3;
	[tilespmem:s26+$0xC000] =	vst v4;
	(v2sf) =	vpush v5, $0xF;
	v4 =	vadd.f32 s17, v8;
	v5, _, _ =	vpop (xrf2)  }
0x41c: {  	[tilespmem:s2+$0xC000] =	vst v7;
	v7 =	vld [tilespmem:s25+$0x4000];
	s2 =	sor.u32 $0x380, s28;
	(v2sf) =	vpush v5, $0xF  }
0x41d: {  	[tilespmem:s13+$0xC000] =	vst v4;
	v4 =	vld [tilespmem:s2+$0x4000];
	(v2sf) =	vpush v8, $0xF;
	s13 =	sor.u32 $0x300, s8  }
0x41e: {  	v8 =	vld [tilespmem:s13+$0x4000];
	_ =	sdelay $0x2  }
0x41f: {  	(xrf2) =	vadd.scan.msk.f32 $0xffff, v7  }
0x420: {  	s20 =	sadd.f32 s20, s21;
	s22 =	spop (v2sf);
	(xrf2) =	vadd.scan.msk.f32 $0xffff, v4  }
0x421: {  	s4 =	sadd.f32 s29, s4;
	s24 =	spop (v2sf);
	(xrf2) =	vadd.scan.msk.f32 $0xffff, v8  }
0x422: {  	[smem:$0x7EC] =	sst s24  }
0x423: {  	s24 =	sadd.f32 s14, s16  }
0x424: {  	s19 =	sadd.f32 s30, s19  }
0x425: {  	[smem:$0x7E9] =	sst s22;
	v4 =	vadd.f32 s24, v6;
	s16 =	spop (v2sf)  }
0x426: {  	[smem:$0x7E7] =	sst s20;
	v6 =	vadd.f32 s20, v11;
	s26 =	spop (v2sf)  }
0x427: {  	[smem:$0x7ED] =	sst s4;
	s21 =	spop (v2sf)  }
0x428: {  	[smem:$0x7EA] =	sst s19;
	s20 =	spop (v2sf)  }
0x429: {  	v3 =	vadd.f32 s4, v3;
	[tilespmem:s6+$0xC1B0] =	vst v4;
	s14 =	sadd.f32 s26, s31;
	v4, _, _ =	vpop (xrf2);
	s22 =	spop (v2sf)  }
0x42a: {  	v2 =	vadd.f32 s19, v2;
	[tilespmem:s6+$0xC030] =	vst v6;
	s12 =	sadd.f32 s20, s12;
	v6, _, _ =	vpop (xrf2);
	s26 =	spop (v2sf)  }
0x42b: {  	s4 =	sadd.s32 $0x30, s8;
	[tilespmem:s6+$0xC130] =	vst v3;
	v3 =	vadd.f32 s14, v5;
	s17 =	sadd.f32 s26, s17;
	v5, _, _ =	vpop (xrf2)  }
0x42c: {  	s8 =	sor.u32 $0x200, s4;
	[tilespmem:s6+$0xC0B0] =	vst v2;
	v2 =	vadd.f32 s12, v5  }
0x42d: {  	s18 =	sor.u32 s15, s7;
	s19 =	sor.u32 $0x280, s10;
	(v2sf) =	vpush v4, $0xF;
	[tilespmem:s9+$0xC000] =	vst v3;
	v3 =	vld [tilespmem:s8+$0x4000];
	v4 =	vadd.f32 s17, v4  }
0x42e: {  	s6 =	sor.u32 $0x380, s18;
	[tilespmem:s13+$0xC000] =	vst v2;
	v2 =	vld [tilespmem:s19+$0x4000]  }
0x42f: {  	s9 =	sor.u32 $0x300, s3;
	[tilespmem:s25+$0xC000] =	vst v4;
	v4 =	vld [tilespmem:s6+$0x4000]  }
0x430: {  	v7 =	vld [tilespmem:s9+$0x4000];
	_ =	sdelay $0x1  }
0x431: {  	(xrf2) =	vadd.scan.msk.f32 $0xffff, v3  }
0x432: {  	(xrf2) =	vadd.scan.msk.f32 $0xffff, v2  }
0x433: {  	(xrf2) =	vadd.scan.msk.f32 $0xffff, v4  }
0x434: {  	(xrf2) =	vadd.scan.msk.f32 $0xffff, v7;
	_ =	sdelay $0x5  }
0x435: {  	(v2sf) =	vpush v6, $0xF  }
0x436: {  	(v2sf) =	vpush v5, $0xF;
	s25 =	spop (v2sf);
	v2, _, _ =	vpop (xrf2)  }
0x437: {  	s13 =	sadd.f32 s25, s17;
	(v2sf) =	vpush v2, $0xF;
	v3, _, _ =	vpop (xrf2)  }
0x438: {  	(v2sf) =	vpush v3, $0xF;
	v4, _, _ =	vpop (xrf2)  }
0x439: {  	s22 =	sadd.f32 s22, s14;
	v3 =	vadd.f32 s13, v3;
	(v2sf) =	vpush v4, $0xF;
	v5, _, _ =	vpop (xrf2)  }
0x43a: {  	(v2sf) =	vpush v5, $0xF  }
0x43b: {  	s7 =	sor.u32 $0x300, s10;
	v2 =	vadd.f32 s22, v2;
	[tilespmem:s19+$0xC000] =	vst v3  }
0x43c: {  	v3 =	vld [tilespmem:s7+$0x4000]  }
0x43d: {  	[tilespmem:s8+$0xC000] =	vst v2;
	s8 =	sor.u32 $0x280, s4  }
0x43e: {  	v2 =	vld [tilespmem:s8+$0x4000];
	_ =	sdelay $0x2  }
0x43f: {  	(xrf2) =	vadd.scan.msk.f32 $0xffff, v3;
	_ =	sdelay $0x1  }
0x440: {  	(xrf2) =	vadd.scan.msk.f32 $0xffff, v2  }
0x441: {  	s15 =	spop (v2sf)  }
0x442: {  	s26 =	spop (v2sf)  }
0x443: {  	s18 =	spop (v2sf)  }
0x444: {  	s19 =	spop (v2sf)  }
0x445: {  	s12 =	sadd.f32 s26, s12;
	s26 =	spop (v2sf)  }
0x446: {  	s25 =	spop (v2sf)  }
0x447: {  	s14 =	sadd.f32 s25, s12  }
0x448: {  	v2, _, _ =	vpop (xrf2)  }
0x449: {  	s25 =	sadd.f32 s19, s13;
	v3 =	vadd.f32 s14, v2  }
0x44a: {  	v5 =	vadd.f32 s12, v5;
	[smem:$0x7EF] =	sst s18;
	v7, _, _ =	vpop (xrf2)  }
0x44b: {  	[tilespmem:s7+$0xC000] =	vst v3;
	s7 =	sor.u32 $0x380, s10;
	v3 =	vadd.f32 s25, v7  }
0x44c: {  	s3 =	sor.u32 $0x380, s3;
	[tilespmem:s9+$0xC000] =	vst v5;
	(v2sf) =	vpush v2, $0xF;
	v2 =	vld [tilespmem:s7+$0x4000]  }
0x44d: {  	s12 =	sor.u32 $0x300, s4;
	[tilespmem:s8+$0xC000] =	vst v3;
	v3 =	vld [tilespmem:s3+$0x4000]  }
0x44e: {  	v5 =	vld [tilespmem:s12+$0x4000];
	_ =	sdelay $0x2  }
0x44f: {  	(xrf2) =	vadd.scan.msk.f32 $0xffff, v2  }
0x450: {  	(xrf2) =	vadd.scan.msk.f32 $0xffff, v3  }
0x451: {  	(xrf2) =	vadd.scan.msk.f32 $0xffff, v5;
	_ =	sdelay $0x7  }
0x452: {  	(v2sf) =	vpush v7, $0xF;
	s13 =	spop (v2sf);
	v2, _, _ =	vpop (xrf2)  }
0x453: {  	s17 =	sadd.f32 s13, s14;
	(v2sf) =	vpush v2, $0xF;
	v3, _, _ =	vpop (xrf2)  }
0x454: {  	(v2sf) =	vpush v3, $0xF;
	v5, _, _ =	vpop (xrf2)  }
0x455: {  	v7 =	vadd.f32 s17, v5;
	_ =	sdelay $0x1  }
0x456: {  	s4 =	sor.u32 $0x380, s4;
	[tilespmem:s12+$0xC000] =	vst v7  }
0x457: {  	v7 =	vld [tilespmem:s4+$0x4000];
	_ =	sdelay $0x1  }
0x458: {  	s14 =	sadd.f32 s11, s23;
	_ =	sdelay $0x1  }
0x459: {  	s18 =	sadd.f32 s21, s14  }
0x45a: {  	(xrf2) =	vadd.scan.msk.f32 $0xffff, v7  }
0x45b: {  	s19 =	sadd.f32 s16, s18;
	_ =	sdelay $0x1  }
0x45c: {  	s20 =	sadd.f32 s15, s19  }
0x45d: {  	s21 =	spop (v2sf)  }
0x45e: {  	v1 =	vadd.f32 s14, v1;
	s23 =	sadd.f32 s26, s20;
	s26 =	spop (v2sf)  }
0x45f: {  	v0 =	vadd.f32 s18, v0;
	[smem:$0x7F1] =	sst s21;
	s13 =	spop (v2sf)  }
0x460: {  	[tilespmem:s1+$0xC000] =	vst v1;
	v1 =	vadd.f32 s19, v6;
	s14 =	sadd.f32 s13, s23  }
0x461: {  	[tilespmem:s0+$0xC000] =	vst v0;
	v0 =	vadd.f32 s20, v4  }
0x462: {  	[tilespmem:s2+$0xC000] =	vst v1;
	v1 =	vadd.f32 s23, v3;
	s11 =	sadd.f32 s26, s14  }
0x463: {  	[tilespmem:s6+$0xC000] =	vst v0;
	v0 =	vadd.f32 s14, v2;
	v2, _, _ =	vpop (xrf2)  }
0x464: {  	[tilespmem:s3+$0xC000] =	vst v1;
	v1 =	vadd.f32 s11, v2  }
0x465: {  	[tilespmem:s7+$0xC000] =	vst v0  }
0x466: {  	[tilespmem:s4+$0xC000] =	vst v1  }
0x467: {  	s20 =	rddreg [dreg:$0x1e]  }
0x468: {  	v0 =	vld [tilespmem:s20+$0x6020]  }
0x469: {  	v1 =	vld [tilespmem:s20+$0x6000]  }
0x46a: {  	v3 =	vld [tilespmem:s20+$0x6180]  }
0x46b: {  	v4 =	vld [tilespmem:s20+$0x6090]  }
0x46c: {  	v6 =	vld [tilespmem:s20+$0x6080]  }
0x46d: {  	(xrf2) =	vadd.scan.msk.f32 $0xffff, v0  }
0x46e: {  	(xrf2) =	vadd.scan.msk.f32 $0xffff, v1  }
0x46f: {  	(xrf2) =	vadd.scan.msk.f32 $0xffff, v3  }
0x470: {  	(xrf2) =	vadd.scan.msk.f32 $0xffff, v4  }
0x471: {  	(xrf2) =	vadd.scan.msk.f32 $0xffff, v6  }
0x472: {  	v0 =	vld [tilespmem:s20+$0x6100];
	_ =	sdelay $0x4  }
0x473: {  	v3 =	vld [tilespmem:s20+$0x61A0];
	(xrf2) =	vadd.scan.msk.f32 $0xffff, v0;
	v0, _, _ =	vpop (xrf2)  }
0x474: {  	(v2sf) =	vpush v5, $0xF;
	v1, _, _ =	vpop (xrf2)  }
0x475: {  	(v2sf) =	vpush v2, $0xF;
	s4 =	sld [smem:$0x7F5];
	v4, _, _ =	vpop (xrf2)  }
0x476: {  	s7 =	sld [smem:$0x7F7];
	(v2sf) =	vpush v4, $0xF;
	v5, _, _ =	vpop (xrf2)  }
0x477: {  	v7, _, _ =	vpop (xrf2);
	(v2sf) =	vpush v5, $0xF  }
0x478: {  	(xrf2) =	vadd.scan.msk.f32 $0xffff, v3;
	v3 =	vadd.f32 s4, v4;
	(v2sf) =	vpush v7, $0xF  }
0x479: {  	v2 =	vld [tilespmem:s20+$0x6190];
	(v2sf) =	vpush v1, $0xF;
	v1 =	vadd.f32 s7, v1  }
0x47a: {  	s6 =	sld [smem:$0x7F8];
	[tilespmem:s20+$0xE180] =	vst v3  }
0x47b: {  	[tilespmem:s20+$0xE000] =	vst v1  }
0x47c: {  	s15 =	sld [smem:$0x7F9]  }
0x47d: {  	v6 =	vld [tilespmem:s20+$0x6110]  }
0x47e: {  	v8 =	vld [tilespmem:s20+$0x60A0];
	(xrf2) =	vadd.scan.msk.f32 $0xffff, v2;
	v4, _, _ =	vpop (xrf2);
	v2 =	vadd.f32 s6, v7  }
0x47f: {  	v58 =	vld [tilespmem:s20+$0x6010];
	(v2sf) =	vpush v4, $0xF;
	v1 =	vadd.f32 s15, v4  }
0x480: {  	[tilespmem:s20+$0xE080] =	vst v2  }
0x481: {  	[tilespmem:s20+$0xE100] =	vst v1  }
0x482: {  	(xrf2) =	vadd.scan.msk.f32 $0xffff, v6;
	v3 =	vld [tilespmem:s20+$0x61B0];
	s21 =	sld [smem:$0x7F3]  }
0x483: {  	(xrf2) =	vadd.scan.msk.f32 $0xffff, v8;
	v4 =	vld [tilespmem:s20+$0x6120]  }
0x484: {  	(xrf2) =	vadd.scan.msk.f32 $0xffff, v58  }
0x485: {  	v1 =	vld [tilespmem:s20+$0x6030];
	s16 =	sor.u32 $0x2200, s21  }
0x486: {  	v2 =	vld [tilespmem:s16+$0x4000]  }
0x487: {  	(xrf2) =	vadd.scan.msk.f32 $0xffff, v3  }
0x488: {  	s19 =	spop (v2sf);
	(xrf2) =	vadd.scan.msk.f32 $0xffff, v4  }
0x489: {  	s18 =	spop (v2sf);
	v3, _, _ =	vpop (xrf2)  }
0x48a: {  	s23 =	spop (v2sf);
	(xrf2) =	vadd.scan.msk.f32 $0xffff, v1;
	v1, _, _ =	vpop (xrf2)  }
0x48b: {  	s26 =	spop (v2sf);
	(v2sf) =	vpush v1, $0xF;
	(xrf2) =	vadd.scan.msk.f32 $0xffff, v2  }
0x48c: {  	s12 =	spop (v2sf);
	(v2sf) =	vpush v3, $0xF;
	v2, _, _ =	vpop (xrf2)  }
0x48d: {  	s1 =	sadd.f32 s23, s4;
	s13 =	spop (v2sf);
	(v2sf) =	vpush v0, $0xF;
	v4, _, _ =	vpop (xrf2)  }
0x48e: {  	s3 =	sadd.f32 s12, s6;
	s14 =	spop (v2sf);
	(v2sf) =	vpush v2, $0xF;
	v6, _, _ =	vpop (xrf2)  }
0x48f: {  	v1 =	vadd.f32 s1, v1;
	s6 =	sadd.f32 s14, s15;
	(v2sf) =	vpush v6, $0xF  }
0x490: {  	v5 =	vadd.f32 s3, v5  }
0x491: {  	s4 =	sadd.f32 s13, s7;
	[tilespmem:s20+$0xE190] =	vst v1;
	v1 =	vadd.f32 s6, v2;
	v7, _, _ =	vpop (xrf2)  }
0x492: {  	(v2sf) =	vpush v7, $0xF;
	v8, _, _ =	vpop (xrf2)  }
0x493: {  	[tilespmem:s20+$0xE090] =	vst v5;
	v2 =	vadd.f32 s4, v6;
	(v2sf) =	vpush v8, $0xF  }
0x494: {  	[tilespmem:s20+$0xE110] =	vst v1;
	v5, _, _ =	vpop (xrf2);
	(v2sf) =	vpush v4, $0xF  }
0x495: {  	[tilespmem:s20+$0xE010] =	vst v2;
	(v2sf) =	vpush v5, $0xF;
	v1, _, _ =	vpop (xrf2)  }
0x496: {  	v6 =	vld [tilespmem:s20+$0x60B0];
	s23 =	rddreg [dreg:$0xf];
	(v2sf) =	vpush v1, $0xF  }
0x497: {  	v59 =	vld [tilespmem:s20+$0x6130];
	s9 =	rddreg [dreg:$0x1c];
	s7 =	sor.u32 $0x2200, s23  }
0x498: {  	v2 =	vadd.f32 s9, v1;
	v1 =	vld [tilespmem:s7+$0x4000];
	_ =	sdelay $0x1  }
0x499: {  	s15 =	spop (v2sf)  }
0x49a: {  	s0 =	sor.u32 $0x2280, s21;
	(xrf2) =	vadd.scan.msk.f32 $0xffff, v6;
	s10 =	spop (v2sf);
	[tilespmem:s16+$0xC000] =	vst v2  }
0x49b: {  	(xrf2) =	vadd.scan.msk.f32 $0xffff, v59;
	s12 =	spop (v2sf);
	v2 =	vld [tilespmem:s0+$0x4000]  }
0x49c: {  	s2 =	sadd.f32 s26, s3;
	(xrf2) =	vadd.scan.msk.f32 $0xffff, v1;
	s16 =	spop (v2sf)  }
0x49d: {  	s1 =	sadd.f32 s15, s1;
	s26 =	spop (v2sf)  }
0x49e: {  	s4 =	sadd.f32 s26, s4  }
0x49f: {  	v1 =	vadd.f32 s1, v3;
	s3 =	sadd.f32 s16, s6  }
0x4a0: {  	(xrf2) =	vadd.scan.msk.f32 $0xffff, v2;
	v2 =	vadd.f32 s2, v4;
	s15 =	spop (v2sf);
	v0 =	vadd.f32 s4, v0  }
0x4a1: {  	[tilespmem:s20+$0xE1A0] =	vst v1;
	v1 =	vadd.f32 s3, v8;
	s14 =	spop (v2sf)  }
0x4a2: {  	[tilespmem:s20+$0xE0A0] =	vst v2;
	s13 =	spop (v2sf)  }
0x4a3: {  	[tilespmem:s20+$0xE120] =	vst v1;
	s29 =	spop (v2sf)  }
0x4a4: {  	s26 =	sor.u32 $0x2200, s5;
	[tilespmem:s20+$0xE020] =	vst v0;
	v0, _, _ =	vpop (xrf2);
	s6 =	spop (v2sf)  }
0x4a5: {  	v1 =	vld [tilespmem:s26+$0x4000];
	v2, _, _ =	vpop (xrf2);
	(v2sf) =	vpush v0, $0xF;
	s16 =	sadd.f32 s6, s9  }
0x4a6: {  	(v2sf) =	vpush v2, $0xF;
	v3, _, _ =	vpop (xrf2)  }
0x4a7: {  	(v2sf) =	vpush v3, $0xF;
	v3 =	vadd.f32 s16, v3;
	_ =	sdelay $0x1  }
0x4a8: {  	s31 =	sor.u32 $0x2280, s23;
	s6 =	rddreg [dreg:$0x17];
	[tilespmem:s7+$0xC000] =	vst v3  }
0x4a9: {  	(xrf2) =	vadd.scan.msk.f32 $0xffff, v1;
	v1 =	vld [tilespmem:s31+$0x4000];
	_ =	sdelay $0x1  }
0x4aa: {  	v4, _, _ =	vpop (xrf2)  }
0x4ab: {  	v6 =	vadd.f32 s6, v4;
	_ =	sdelay $0x1  }
0x4ac: {  	[tilespmem:s0+$0xC000] =	vst v6;
	s0 =	sor.u32 $0x2300, s21;
	(xrf2) =	vadd.scan.msk.f32 $0xffff, v1  }
0x4ad: {  	v3 =	vld [tilespmem:s0+$0x4000];
	_ =	sdelay $0x2  }
0x4ae: {  	s8 =	sadd.f32 s13, s2  }
0x4af: {  	s9 =	sadd.f32 s10, s1;
	v1, _, _ =	vpop (xrf2)  }
0x4b0: {  	v0 =	vadd.f32 s8, v0;
	s10 =	sadd.f32 s12, s4;
	(xrf2) =	vadd.scan.msk.f32 $0xffff, v3;
	s12 =	spop (v2sf);
	(v2sf) =	vpush v1, $0xF  }
0x4b1: {  	s30 =	sadd.f32 s14, s3;
	s14 =	spop (v2sf);
	(v2sf) =	vpush v4, $0xF  }
0x4b2: {  	_ =	sdelay $0x1  }
0x4b3: {  	v2 =	vadd.f32 s30, v2;
	[tilespmem:s20+$0xE0B0] =	vst v0;
	s13 =	spop (v2sf);
	v0, _, _ =	vpop (xrf2)  }
0x4b4: {  	v5 =	vadd.f32 s10, v5;
	s4 =	sadd.f32 s13, s16;
	(v2sf) =	vpush v0, $0xF  }
0x4b5: {  	[tilespmem:s20+$0xE130] =	vst v2;
	v3 =	vadd.f32 s9, v7  }
0x4b6: {  	[tilespmem:s20+$0xE030] =	vst v5;
	v1 =	vadd.f32 s4, v1  }
0x4b7: {  	s28 =	simm.s32 $0x40;
	[tilespmem:s20+$0xE1B0] =	vst v3;
	s16 =	simm.s32 $0x200  }
0x4b8: {  	s20 =	sand.u32 $0x40, s28;
	s21 =	rddreg [dreg:$0x10];
	[tilespmem:s26+$0xC000] =	vst v1;
	s26 =	sand.u32 $0x1C00, s16  }
0x4b9: {  	v2, _, _ =	vpop (xrf2);
	s1 =	sor.u32 s20, s26;
	s20 =	rddreg [dreg:$0x14]  }
0x4ba: {  	v4 =	vadd.f32 s20, v2;
	_ =	sdelay $0x1  }
0x4bb: {  	s7 =	sor.u32 $0x2200, s21;
	[tilespmem:s0+$0xC000] =	vst v4  }
0x4bc: {  	s13 =	sor.u32 $0x2280, s5;
	v1 =	vld [tilespmem:s7+$0x4000];
	s0 =	sld [smem:$0x7F4]  }
0x4bd: {  	v3 =	vld [tilespmem:s13+$0x4000];
	s26 =	spop (v2sf)  }
0x4be: {  	s2 =	spop (v2sf)  }
0x4bf: {  	s3 =	sor.u32 $0x2380, s0;
	s0 =	sadd.f32 s2, s6;
	_ =	sdelay $0x1  }
0x4c0: {  	v5 =	vld [tilespmem:s1+$0x6020];
	(xrf2) =	vadd.scan.msk.f32 $0xffff, v1;
	v0 =	vadd.f32 s0, v0  }
0x4c1: {  	v4 =	vld [tilespmem:s1+$0x6000];
	(xrf2) =	vadd.scan.msk.f32 $0xffff, v3;
	s6 =	spop (v2sf)  }
0x4c2: {  	v6 =	vld [tilespmem:s3+$0x4000];
	[tilespmem:s31+$0xC000] =	vst v0;
	s2 =	sadd.f32 s6, s0  }
0x4c3: {  	v1 =	vld [tilespmem:s1+$0x6180];
	s6 =	sld [smem:$0x7E4];
	_ =	sdelay $0x1  }
0x4c4: {  	(xrf2) =	vadd.scan.msk.f32 $0xffff, v5  }
0x4c5: {  	(xrf2) =	vadd.scan.msk.f32 $0xffff, v4;
	s0 =	sadd.f32 s6, s24  }
0x4c6: {  	(xrf2) =	vadd.scan.msk.f32 $0xffff, v6;
	s6 =	sld [smem:$0x7E6]  }
0x4c7: {  	(xrf2) =	vadd.scan.msk.f32 $0xffff, v1;
	v1 =	vld [tilespmem:s1+$0x6090];
	s24 =	sld [smem:$0x7E7]  }
0x4c8: {  	v4 =	vld [tilespmem:s1+$0x6080];
	s31 =	sor.u32 $0x2300, s23  }
0x4c9: {  	v3, _, _ =	vpop (xrf2);
	v6 =	vld [tilespmem:s31+$0x4000];
	[smem:$0x7E5] =	sst s0  }
0x4ca: {  	v5, _, _ =	vpop (xrf2);
	s0 =	sadd.f32 s6, s24  }
0x4cb: {  	(v2sf) =	vpush v2, $0xF;
	v2 =	vadd.f32 s2, v5  }
0x4cc: {  	(xrf2) =	vadd.scan.msk.f32 $0xffff, v1;
	v1 =	vld [tilespmem:s1+$0x6100];
	[smem:$0x7E8] =	sst s0  }
0x4cd: {  	[tilespmem:s13+$0xC000] =	vst v2  }
0x4ce: {  	s24 =	sld [smem:$0x7E9]  }
0x4cf: {  	s13 =	sld [smem:$0x7EA];
	_ =	sdelay $0x2  }
0x4d0: {  	s6 =	sadd.f32 s24, s13  }
0x4d1: {  	s13 =	sld [smem:$0x7EC]  }
0x4d2: {  	s24 =	sld [smem:$0x7ED];
	_ =	sdelay $0x1  }
0x4d3: {  	[smem:$0x7EB] =	sst s6  }
0x4d4: {  	s6 =	sadd.f32 s13, s24  }
0x4d5: {  	s24 =	sld [smem:$0x7EF]  }
0x4d6: {  	s0 =	sor.u32 $0x2300, s5;
	s13 =	sld [smem:$0x7F1]  }
0x4d7: {  	v0, _, _ =	vpop (xrf2);
	(xrf2) =	vadd.scan.msk.f32 $0xffff, v4;
	v2 =	vld [tilespmem:s0+$0x4000];
	[smem:$0x7EE] =	sst s6  }
0x4d8: {  	(v2sf) =	vpush v3, $0xF;
	v7, _, _ =	vpop (xrf2);
	(xrf2) =	vadd.scan.msk.f32 $0xffff, v6;
	s6 =	sadd.f32 s24, s22  }
0x4d9: {  	s11 =	sadd.f32 s18, s11;
	(v2sf) =	vpush v5, $0xF;
	v5, _, _ =	vpop (xrf2)  }
0x4da: {  	(v2sf) =	vpush v5, $0xF;
	v4, _, _ =	vpop (xrf2);
	[smem:$0x7F0] =	sst s6  }
0x4db: {  	(v2sf) =	vpush v4, $0xF;
	s6 =	sadd.f32 s13, s25  }
0x4dc: {  	[dreg:$0x11] =	wrdreg s11  }
0x4dd: {  	[smem:$0x7F2] =	sst s6  }
0x4de: {  	v6 =	vld [tilespmem:s1+$0x61A0]  }
0x4df: {  	(xrf2) =	vadd.scan.msk.f32 $0xffff, v1  }
0x4e0: {  	s4 =	sadd.f32 s26, s4;
	(xrf2) =	vadd.scan.msk.f32 $0xffff, v2;
	v2, _, _ =	vpop (xrf2)  }
0x4e1: {  	v8, _, _ =	vpop (xrf2);
	v60 =	vld [tilespmem:s1+$0x6190]  }
0x4e2: {  	v1 =	vadd.f32 s4, v3;
	v3, _, _ =	vpop (xrf2)  }
0x4e3: {  	s9 =	sadd.f32 s15, s9;
	(v2sf) =	vpush v3, $0xF;
	(xrf2) =	vadd.scan.msk.f32 $0xffff, v6  }
0x4e4: {  	s18 =	sadd.f32 s29, s10;
	v61 =	vld [tilespmem:s1+$0x6110]  }
0x4e5: {  	p0 =	por !p0, !p0;
	s26 =	smov.u32 s23;
	s23 =	rddreg [dreg:$0xe];
	v4 =	vadd.f32 s9, v4  }
0x4e6: {  	v5 =	vadd.f32 s23, v5;
	s11 =	simm.s32 $0x4;
	s24 =	sadd.f32 s12, s8;
	s6 =	spop (v2sf);
	(v2sf) =	vpush v2, $0xF;
	(xrf2) =	vadd.scan.msk.f32 $0xffff, v60  }
0x4e7: {  	s22 =	sadd.f32 s14, s30;
	[tilespmem:s7+$0xC000] =	vst v1;
	s7 =	simm.s32 $0x1;
	s15 =	spop (v2sf);
	(v2sf) =	vpush v8, $0xF  }
0x4e8: {  	v62 =	vadd.f32 s18, v7;
	s25 =	sadd.f32 s19, s17;
	[tilespmem:s3+$0xC000] =	vst v5;
	s7 =	simm.s32 @!p0 $0x0;
	s17 =	spop (v2sf);
	(v2sf) =	vpush v7, $0xF;
	v7 =	vld [tilespmem:s1+$0x60A0]  }
0x4e9: {  	v63 =	vadd.f32 s24, v8;
	[tilespmem:s1+$0xE180] =	vst v4;
	v13, _, _ =	vpop (xrf2);
	s12 =	sadd.f32 s15, s4;
	s7 =	sshll.u32 s7, $0x6;
	s4 =	spop (v2sf);
	(xrf2) =	vadd.scan.msk.f32 $0xffff, v61  }
0x4ea: {  	s19 =	sor.u32 $0x2280, s21;
	v5 =	vld [tilespmem:s1+$0x6010];
	[tilespmem:s1+$0xE000] =	vst v62;
	v8 =	vadd.f32 s22, v13;
	s8 =	sadd.s32 $0x200, s7;
	s7 =	spop (v2sf);
	(v2sf) =	vpush v13, $0xF;
	v4, _, _ =	vpop (xrf2)  }
0x4eb: {  	s14 =	simm.s32 $0x40;
	v1 =	vld [tilespmem:s19+$0x4000];
	[tilespmem:s1+$0xE080] =	vst v63;
	s15 =	simm.s32 $0x200;
	s17 =	sadd.f32 s17, s2;
	(v2sf) =	vpush v4, $0xF  }
0x4ec: {  	s2 =	sor.u32 $0x2200, s8;
	s29 =	sadd.s32 $0x10, s8;
	[tilespmem:s1+$0xE100] =	vst v8;
	s30 =	sadd.s32 $0x20, s8;
	v6 =	vld [tilespmem:s1+$0x6120]  }
.LBB2_13:
0x4ed: {  	s11 =	sadd.s32 $0x4, s11;
	v8 =	vld [tilespmem:s2+$0x4000];
	s3 =	sadd.s32 $0x30, s8;
	(xrf2) =	vadd.scan.msk.f32 $0xffff, v7;
	v7, _, _ =	vpop (xrf2)  }
0x4ee: {  	p1 =	slt.u32 s11, $0x3C;
	v9 =	vld [tilespmem:s1+$0x61B0]  }
0x4ef: {  	v10 =	vld [tilespmem:s1+$0x6030]  }
0x4f0: {  	(xrf2) =	vadd.scan.msk.f32 $0xffff, v5;
	v5, _, _ =	vpop (xrf2);
	_ =	sdelay $0x1  }
0x4f1: {  	s13 =	spop (v2sf)  }
0x4f2: {  	v11, _, _ =	vpop (xrf2);
	(xrf2) =	vadd.scan.msk.f32 $0xffff, v9;
	_ =	sdelay $0x2  }
0x4f3: {  	s9 =	sadd.f32 s7, s9;
	s7 =	spop (v2sf)  }
0x4f4: {  	s6 =	sadd.f32 s6, s20;
	s10 =	spop (v2sf);
	(v2sf) =	vpush v5, $0xF;
	v9, _, _ =	vpop (xrf2);
	(xrf2) =	vadd.scan.msk.f32 $0xffff, v6  }
0x4f5: {  	v12 =	vadd.f32 s9, v5;
	s10 =	sadd.f32 s10, s24;
	s20 =	spop (v2sf);
	(v2sf) =	vpush v7, $0xF  }
0x4f6: {  	v3 =	vadd.f32 s6, v3;
	s13 =	sadd.f32 s13, s6;
	s24 =	smov.u32 s21;
	v6 =	vld [tilespmem:s1+$0x6130];
	s21 =	spop (v2sf);
	(v2sf) =	vpush v0, $0xF  }
0x4f7: {  	s21 =	sadd.f32 s21, s22;
	v2 =	vadd.f32 s10, v2;
	[tilespmem:s1+$0xE190] =	vst v12;
	v5, _, _ =	vpop (xrf2);
	(v2sf) =	vpush v11, $0xF;
	(xrf2) =	vadd.scan.msk.f32 $0xffff, v10;
	s22 =	spop (v2sf)  }
0x4f8: {  	s18 =	sadd.f32 s20, s18;
	(v2sf) =	vpush v5, $0xF;
	[tilespmem:s31+$0xC000] =	vst v3;
	v3 =	vadd.f32 s13, v4  }
0x4f9: {  	s6 =	sor.u32 $0x2380, s26;
	s26 =	sadd.f32 s22, s13;
	s31 =	smov.u32 s29;
	[tilespmem:s1+$0xE090] =	vst v2;
	v2 =	vadd.f32 s21, v11;
	v4 =	vld [tilespmem:s1+$0x60B0]  }
0x4fa: {  	v5 =	vadd.f32 s18, v5;
	v10, _, _ =	vpop (xrf2);
	v11 =	vld [tilespmem:s6+$0x4000];
	[tilespmem:s0+$0xC000] =	vst v3;
	s0 =	sor.u32 $0x2380, s5;
	s5 =	smov.u32 s30  }
0x4fb: {  	(v2sf) =	vpush v10, $0xF;
	v3 =	vld [tilespmem:s0+$0x4000]  }
0x4fc: {  	[tilespmem:s1+$0xE110] =	vst v2;
	(xrf2) =	vadd.scan.msk.f32 $0xffff, v1  }
0x4fd: {  	s22 =	sor.u32 $0x2200, s31;
	[tilespmem:s1+$0xE010] =	vst v5  }
0x4fe: {  	v1 =	vld [tilespmem:s22+$0x4000];
	v2, _, _ =	vpop (xrf2)  }
0x4ff: {  	(xrf2) =	vadd.scan.msk.f32 $0xffff, v8;
	_ =	sdelay $0x1  }
0x500: {  	v5, _, _ =	vpop (xrf2)  }
0x501: {  	(xrf2) =	vadd.scan.msk.f32 $0xffff, v4  }
0x502: {  	s13 =	spop (v2sf)  }
0x503: {  	s9 =	sadd.f32 s13, s9;
	(v2sf) =	vpush v2, $0xF;
	s13 =	spop (v2sf)  }
0x504: {  	s7 =	sadd.f32 s7, s10;
	s10 =	spop (v2sf)  }
0x505: {  	v4 =	vadd.f32 s9, v7;
	s9 =	sadd.f32 s13, s9;
	s13 =	spop (v2sf);
	v7, _, _ =	vpop (xrf2)  }
0x506: {  	v12 =	vadd.f32 s7, v9;
	s13 =	sadd.f32 s13, s21;
	s20 =	spop (v2sf);
	(v2sf) =	vpush v9, $0xF;
	(xrf2) =	vadd.scan.msk.f32 $0xffff, v6  }
0x507: {  	v6 =	vadd.f32 s17, v7;
	s18 =	sadd.f32 s20, s18;
	[tilespmem:s1+$0xE1A0] =	vst v4;
	v4 =	vadd.f32 s9, v10  }
0x508: {  	[tilespmem:s1+$0xE0A0] =	vst v12;
	v2 =	vadd.f32 s13, v2;
	v8, _, _ =	vpop (xrf2);
	(v2sf) =	vpush v7, $0xF  }
0x509: {  	v0 =	vadd.f32 s18, v0;
	s18 =	sadd.f32 s10, s18;
	(xrf2) =	vadd.scan.msk.f32 $0xffff, v1;
	(v2sf) =	vpush v5, $0xF;
	s20 =	spop (v2sf);
	[tilespmem:s19+$0xC000] =	vst v6;
	s10 =	sor.u32 $0x2300, s24  }
0x50a: {  	v1 =	vadd.f32 s12, v8;
	[tilespmem:s1+$0xE120] =	vst v2;
	s9 =	sadd.f32 s20, s9;
	(v2sf) =	vpush v8, $0xF;
	v2 =	vld [tilespmem:s10+$0x4000]  }
0x50b: {  	s19 =	sor.u32 $0x2200, s5;
	[tilespmem:s1+$0xE020] =	vst v0;
	v0 =	vadd.f32 s18, v5;
	v5, _, _ =	vpop (xrf2)  }
0x50c: {  	v6 =	vld [tilespmem:s19+$0x4000];
	[tilespmem:s1+$0xE1B0] =	vst v4;
	(xrf2) =	vadd.scan.msk.f32 $0xffff, v3  }
0x50d: {  	[tilespmem:s1+$0xE030] =	vst v0  }
0x50e: {  	s20 =	sor.u32 $0x2280, s8;
	[tilespmem:s2+$0xC000] =	vst v1  }
0x50f: {  	v0 =	vld [tilespmem:s20+$0x4000];
	(xrf2) =	vadd.scan.msk.f32 $0xffff, v11  }
0x510: {  	v1, _, _ =	vpop (xrf2)  }
0x511: {  	(v2sf) =	vpush v5, $0xF  }
0x512: {  	s2 =	spop (v2sf);
	(v2sf) =	vpush v1, $0xF;
	(xrf2) =	vadd.scan.msk.f32 $0xffff, v2  }
0x513: {  	s13 =	sadd.f32 s2, s13;
	v2, _, _ =	vpop (xrf2);
	_ =	sdelay $0x1  }
0x514: {  	v1 =	vadd.f32 s13, v1;
	s2 =	spop (v2sf)  }
0x515: {  	s21 =	sadd.f32 s2, s7;
	v3, _, _ =	vpop (xrf2)  }
0x516: {  	s7 =	sadd.f32 s4, s23;
	[tilespmem:s1+$0xE130] =	vst v1;
	(xrf2) =	vadd.scan.msk.f32 $0xffff, v0;
	(v2sf) =	vpush v3, $0xF;
	s2 =	spop (v2sf)  }
0x517: {  	v0 =	vadd.f32 s21, v5;
	s4 =	spop (v2sf);
	s2 =	sadd.f32 s2, s17  }
0x518: {  	s18 =	sadd.f32 s4, s18;
	s4 =	spop (v2sf);
	(v2sf) =	vpush v2, $0xF;
	v1, _, _ =	vpop (xrf2)  }
0x519: {  	s12 =	sadd.f32 s4, s12;
	(xrf2) =	vadd.scan.msk.f32 $0xffff, v6;
	v4 =	vadd.f32 s7, v1;
	(v2sf) =	vpush v1, $0xF;
	_ =	sdelay $0x1  }
0x51a: {  	v1 =	vadd.f32 s12, v2;
	[tilespmem:s6+$0xC000] =	vst v4;
	v2, _, _ =	vpop (xrf2)  }
0x51b: {  	v4 =	vadd.f32 s26, v2;
	(v2sf) =	vpush v2, $0xF  }
0x51c: {  	s4 =	sor.u32 $0x2280, s31;
	[tilespmem:s22+$0xC000] =	vst v1  }
0x51d: {  	s6 =	smov.u32 s3;
	v1 =	vld [tilespmem:s4+$0x4000];
	[tilespmem:s10+$0xC000] =	vst v4;
	s10 =	sor.u32 $0x2380, s24  }
0x51e: {  	s3 =	spop (v2sf);
	v2 =	vld [tilespmem:s10+$0x4000]  }
0x51f: {  	s24 =	sadd.f32 s3, s21;
	s21 =	smov.u32 s6;
	v4, _, _ =	vpop (xrf2);
	s3 =	spop (v2sf)  }
0x520: {  	v5 =	vadd.f32 s2, v4;
	s22 =	sadd.f32 s3, s13;
	_ =	sdelay $0x1  }
0x521: {  	s8 =	sor.u32 $0x2300, s8;
	[tilespmem:s20+$0xC000] =	vst v5;
	(xrf2) =	vadd.scan.msk.f32 $0xffff, v1;
	v1, _, _ =	vpop (xrf2)  }
0x522: {  	v5 =	vld [tilespmem:s8+$0x4000];
	(v2sf) =	vpush v1, $0xF  }
0x523: {  	s6 =	sor.u32 $0x2200, s6;
	[tilespmem:s1+$0xE0B0] =	vst v0;
	s13 =	spop (v2sf)  }
0x524: {  	v0 =	vld [tilespmem:s6+$0x4000];
	(xrf2) =	vadd.scan.msk.f32 $0xffff, v2  }
0x525: {  	s1 =	spop (v2sf)  }
0x526: {  	s17 =	sadd.f32 s1, s12;
	s1 =	spop (v2sf)  }
0x527: {  	(xrf2) =	vadd.scan.msk.f32 $0xffff, v5  }
0x528: {  	v1 =	vadd.f32 s17, v1  }
0x529: {  	s12 =	spop (v2sf)  }
0x52a: {  	s3 =	sor.u32 $0x2280, s5;
	[tilespmem:s19+$0xC000] =	vst v1;
	(v2sf) =	vpush v4, $0xF;
	s20 =	sadd.f32 s12, s26;
	s26 =	smov.u32 s31  }
0x52b: {  	s16 =	sadd.s32 $0x200, s16;
	s28 =	sadd.s32 $0x40, s28;
	s7 =	sadd.f32 s1, s7;
	v1 =	vld [tilespmem:s3+$0x4000];
	v2, _, _ =	vpop (xrf2)  }
0x52c: {  	s1 =	sand.u32 $0x40, s28;
	s12 =	sand.u32 $0x1C00, s16;
	(v2sf) =	vpush v2, $0xF  }
0x52d: {  	s1 =	sor.u32 s1, s12;
	s12 =	sadd.f32 s13, s7;
	(xrf2) =	vadd.scan.msk.f32 $0xffff, v0;
	v0 =	vadd.f32 s7, v3  }
0x52e: {  	v3 =	vld [tilespmem:s1+$0x6020];
	v4, _, _ =	vpop (xrf2)  }
0x52f: {  	[tilespmem:s0+$0xC000] =	vst v0;
	v0 =	vadd.f32 s12, v4;
	(v2sf) =	vpush v4, $0xF  }
0x530: {  	v4 =	vld [tilespmem:s1+$0x6000];
	(xrf2) =	vadd.scan.msk.f32 $0xffff, v1  }
0x531: {  	v5 =	vld [tilespmem:s1+$0x6180];
	v1, _, _ =	vpop (xrf2);
	s0 =	spop (v2sf);
	[tilespmem:s10+$0xC000] =	vst v0  }
0x532: {  	v0 =	vadd.f32 s20, v1;
	s7 =	sadd.f32 s0, s17;
	(v2sf) =	vpush v1, $0xF  }
0x533: {  	s0 =	sor.u32 s15, s14;
	s15 =	smov.u32 s16;
	s14 =	smov.u32 s28;
	(xrf2) =	vadd.scan.msk.f32 $0xffff, v3  }
0x534: {  	[tilespmem:s8+$0xC000] =	vst v0;
	s8 =	sor.u32 $0x2380, s0  }
0x535: {  	v0 =	vld [tilespmem:s8+$0x4000];
	_ =	sdelay $0x1  }
0x536: {  	(xrf2) =	vadd.scan.msk.f32 $0xffff, v4;
	v1, _, _ =	vpop (xrf2)  }
0x537: {  	v6 =	vadd.f32 s7, v1;
	(v2sf) =	vpush v1, $0xF  }
0x538: {  	s0 =	spop (v2sf)  }
0x539: {  	v4 =	vld [tilespmem:s1+$0x6080];
	s0 =	sadd.f32 s0, s2;
	[tilespmem:s6+$0xC000] =	vst v6;
	(xrf2) =	vadd.scan.msk.f32 $0xffff, v0;
	v3, _, _ =	vpop (xrf2)  }
0x53a: {  	s19 =	sor.u32 $0x2280, s21;
	v6 =	vld [tilespmem:s1+$0x6090];
	s2 =	spop (v2sf);
	(v2sf) =	vpush v3, $0xF  }
0x53b: {  	p0 =	por !p0, !p0;
	v2 =	vadd.f32 s0, v2;
	s2 =	sadd.f32 s2, s0;
	v1 =	vld [tilespmem:s19+$0x4000]  }
0x53c: {  	(xrf2) =	vadd.scan.msk.f32 $0xffff, v5;
	v0, _, _ =	vpop (xrf2)  }
0x53d: {  	s31 =	sor.u32 $0x2300, s31;
	[tilespmem:s4+$0xC000] =	vst v2;
	v2 =	vadd.f32 s2, v3;
	s0 =	spop (v2sf)  }
0x53e: {  	v3 =	vld [tilespmem:s31+$0x4000];
	s23 =	sadd.f32 s0, s12  }
0x53f: {  	(xrf2) =	vadd.scan.msk.f32 $0xffff, v6;
	[tilespmem:s3+$0xC000] =	vst v2  }
0x540: {  	v2 =	vld [tilespmem:s1+$0x6100];
	v6, _, _ =	vpop (xrf2);
	s6 =	spop (v2sf)  }
0x541: {  	s0 =	sor.u32 $0x2300, s5;
	v8 =	vld [tilespmem:s1+$0x6190]  }
0x542: {  	(xrf2) =	vadd.scan.msk.f32 $0xffff, v4;
	v4 =	vld [tilespmem:s0+$0x4000]  }
0x543: {  	v5, _, _ =	vpop (xrf2)  }
0x544: {  	v7 =	vadd.f32 s23, v5;
	(v2sf) =	vpush v5, $0xF  }
0x545: {  	(xrf2) =	vadd.scan.msk.f32 $0xffff, v3  }
0x546: {  	v9, _, _ =	vpop (xrf2);
	[tilespmem:s8+$0xC000] =	vst v7;
	s3 =	spop (v2sf)  }
0x547: {  	v7 =	vld [tilespmem:s1+$0x61A0];
	(v2sf) =	vpush v9, $0xF;
	s12 =	sadd.f32 s3, s7  }
0x548: {  	(xrf2) =	vadd.scan.msk.f32 $0xffff, v2  }
0x549: {  	v2, _, _ =	vpop (xrf2);
	s3 =	spop (v2sf)  }
0x54a: {  	s17 =	sadd.f32 s3, s2  }
0x54b: {  	v5 =	vld [tilespmem:s1+$0x6010];
	(xrf2) =	vadd.scan.msk.f32 $0xffff, v4  }
0x54c: {  	v10 =	vld [tilespmem:s1+$0x6110];
	v4, _, _ =	vpop (xrf2)  }
0x54d: {  	v11 =	vadd.f32 s24, v4;
	_ =	sdelay $0x1  }
0x54e: {  	v3, _, _ =	vpop (xrf2)  }
0x54f: {  	(xrf2) =	vadd.scan.msk.f32 $0xffff, v7;
	(v2sf) =	vpush v3, $0xF  }
0x550: {  	v7 =	vadd.f32 s9, v9  }
0x551: {  	v9, _, _ =	vpop (xrf2)  }
0x552: {  	[tilespmem:s1+$0xE180] =	vst v7;
	v7 =	vld [tilespmem:s1+$0x60A0];
	(xrf2) =	vadd.scan.msk.f32 $0xffff, v8;
	s4 =	spop (v2sf)  }
0x553: {  	(v2sf) =	vpush v2, $0xF  }
.Ltmp8:
0x554: {  	s2 =	simm.s32 $0x1;
	v8 =	vadd.f32 s18, v6;
	(v2sf) =	vpush v4, $0xF;
	v4, _, _ =	vpop (xrf2);
	(pc) =	sbr.rel @p1 .LBB2_13-.Ltmp8, $4  }
0x555: {  	s2 =	simm.s32 @!p0 $0x0;
	(v2sf) =	vpush v6, $0xF;
	s7 =	spop (v2sf);
	(xrf2) =	vadd.scan.msk.f32 $0xffff, v10  }
0x556: {  	s2 =	sshll.u32 s2, $0x6;
	[tilespmem:s1+$0xE000] =	vst v8;
	v8 =	vadd.f32 s22, v9;
	(v2sf) =	vpush v9, $0xF  }
0x557: {  	s8 =	sadd.s32 s2, s16;
	[tilespmem:s1+$0xE080] =	vst v11;
	v6 =	vld [tilespmem:s1+$0x6120];
	(v2sf) =	vpush v4, $0xF  }
0x558: {  	s2 =	sor.u32 $0x2200, s8;
	s29 =	sadd.s32 $0x10, s8;
	s30 =	sadd.s32 $0x20, s8;
	[tilespmem:s1+$0xE100] =	vst v8  }
0x559: {  	(xrf2) =	vadd.scan.msk.f32 $0xffff, v7  }
0x55a: {  	(xrf2) =	vadd.scan.msk.f32 $0xffff, v5;
	_ =	sdelay $0x3  }
0x55b: {  	v50, _, _ =	vpop (xrf2)  }
0x55c: {  	v51, _, _ =	vpop (xrf2)  }
0x55d: {  	v8 =	vld [tilespmem:s1+$0x61B0];
	(v2sf) =	vpush v51, $0xF  }
0x55e: {  	(v2sf) =	vpush v50, $0xF  }
0x55f: {  	v9 =	vld [tilespmem:s1+$0x6030];
	v10, _, _ =	vpop (xrf2);
	(v2sf) =	vpush v0, $0xF  }
0x560: {  	(v2sf) =	vpush v10, $0xF;
	v11, _, _ =	vpop (xrf2)  }
0x561: {  	v12, _, _ =	vpop (xrf2)  }
0x562: {  	v52 =	vld [tilespmem:s2+$0x4000];
	(xrf2) =	vadd.scan.msk.f32 $0xffff, v8;
	(v2sf) =	vpush v12, $0xF  }
0x563: {  	(xrf2) =	vadd.scan.msk.f32 $0xffff, v6  }
0x564: {  	(xrf2) =	vadd.scan.msk.f32 $0xffff, v9  }
0x565: {  	(xrf2) =	vadd.scan.msk.f32 $0xffff, v1  }
0x566: {  	s6 =	sadd.f32 s6, s20;
	s3 =	spop (v2sf)  }
0x567: {  	s7 =	sadd.f32 s7, s9;
	s10 =	spop (v2sf);
	(xrf2) =	vadd.scan.msk.f32 $0xffff, v52  }
0x568: {  	v3 =	vadd.f32 s6, v3;
	s6 =	sadd.f32 s3, s6;
	s28 =	spop (v2sf)  }
0x569: {  	s11 =	sadd.f32 s28, s24;
	s13 =	spop (v2sf)  }
0x56a: {  	v53 =	vadd.f32 s7, v51;
	s9 =	spop (v2sf);
	s13 =	sadd.f32 s13, s18  }
0x56b: {  	[tilespmem:s31+$0xC000] =	vst v3;
	v54 =	vadd.f32 s6, v4;
	s3 =	sadd.f32 s9, s22;
	s9 =	spop (v2sf)  }
0x56c: {  	[tilespmem:s1+$0xE190] =	vst v53;
	v2 =	vadd.f32 s11, v2;
	s16 =	spop (v2sf);
	v55, _, _ =	vpop (xrf2)  }
0x56d: {  	[tilespmem:s0+$0xC000] =	vst v54;
	v58 =	vadd.f32 s13, v12;
	s18 =	sadd.f32 s16, s7;
	s22 =	spop (v2sf);
	(v2sf) =	vpush v55, $0xF;
	v57, _, _ =	vpop (xrf2)  }
0x56e: {  	[tilespmem:s1+$0xE090] =	vst v2;
	v56 =	vadd.f32 s3, v10;
	s16 =	sadd.f32 s10, s11;
	s24 =	spop (v2sf);
	v59, _, _ =	vpop (xrf2);
	(v2sf) =	vpush v57, $0xF  }
0x56f: {  	[tilespmem:s1+$0xE010] =	vst v58;
	v60 =	vadd.f32 s18, v50;
	s11 =	spop (v2sf);
	v61, _, _ =	vpop (xrf2);
	(v2sf) =	vpush v11, $0xF  }
0x570: {  	v62 =	vld [tilespmem:s1+$0x60B0];
	[tilespmem:s1+$0xE110] =	vst v56;
	v63 =	vadd.f32 s16, v11;
	s7 =	sadd.f32 s11, s3;
	(v2sf) =	vpush v61, $0xF  }
0x571: {  	v12 =	vld [tilespmem:s1+$0x6130];
	s11 =	sor.u32 $0x2200, s29;
	[tilespmem:s1+$0xE1A0] =	vst v60;
	v13 =	vadd.f32 s17, v61;
	v14, _, _ =	vpop (xrf2);
	(v2sf) =	vpush v59, $0xF;
	s20 =	spop (v2sf)  }
0x572: {  	s5 =	sor.u32 $0x2380, s5;
	v15 =	vld [tilespmem:s11+$0x4000];
	[tilespmem:s1+$0xE0A0] =	vst v63;
	v4 =	vadd.f32 s7, v57;
	(v2sf) =	vpush v14, $0xF;
	s20 =	sadd.f32 s20, s13  }
0x573: {  	v16 =	vld [tilespmem:s5+$0x4000];
	s3 =	sor.u32 $0x2380, s26;
	v17 =	vadd.f32 s12, v14;
	[tilespmem:s19+$0xC000] =	vst v13  }
0x574: {  	v18 =	vld [tilespmem:s3+$0x4000];
	[tilespmem:s1+$0xE120] =	vst v4;
	s13 =	sor.u32 $0x2300, s21;
	v19 =	vadd.f32 s20, v0  }
0x575: {  	(xrf2) =	vadd.scan.msk.f32 $0xffff, v62;
	s19 =	sor.u32 $0x2280, s8;
	[tilespmem:s2+$0xC000] =	vst v17;
	v20 =	vld [tilespmem:s13+$0x4000]  }
0x576: {  	(xrf2) =	vadd.scan.msk.f32 $0xffff, v12;
	s10 =	sor.u32 $0x2200, s30;
	v21 =	vld [tilespmem:s19+$0x4000];
	[tilespmem:s1+$0xE020] =	vst v19  }
0x577: {  	(xrf2) =	vadd.scan.msk.f32 $0xffff, v15;
	v22 =	vld [tilespmem:s10+$0x4000]  }
0x578: {  	(xrf2) =	vadd.scan.msk.f32 $0xffff, v16  }
0x579: {  	(xrf2) =	vadd.scan.msk.f32 $0xffff, v18  }
0x57a: {  	(xrf2) =	vadd.scan.msk.f32 $0xffff, v20  }
0x57b: {  	(xrf2) =	vadd.scan.msk.f32 $0xffff, v21  }
0x57c: {  	s28 =	spop (v2sf);
	(xrf2) =	vadd.scan.msk.f32 $0xffff, v22  }
0x57d: {  	s2 =	spop (v2sf)  }
0x57e: {  	s26 =	spop (v2sf)  }
0x57f: {  	v23, _, _ =	vpop (xrf2);
	[smem:$0x7E1] =	sst s28;
	s28 =	spop (v2sf)  }
0x580: {  	v24, _, _ =	vpop (xrf2);
	s31 =	spop (v2sf)  }
0x581: {  	(v2sf) =	vpush v23, $0xF;
	v25, _, _ =	vpop (xrf2);
	[smem:$0x7E2] =	sst s31;
	s0 =	spop (v2sf)  }
0x582: {  	(v2sf) =	vpush v24, $0xF;
	v26, _, _ =	vpop (xrf2);
	s31 =	sadd.f32 s0, s12  }
0x583: {  	s6 =	sadd.f32 s9, s6;
	(v2sf) =	vpush v26, $0xF;
	v27, _, _ =	vpop (xrf2)  }
0x584: {  	s28 =	sadd.f32 s28, s17;
	(v2sf) =	vpush v25, $0xF;
	v5 =	vadd.f32 s31, v25;
	v28, _, _ =	vpop (xrf2)  }
0x585: {  	(v2sf) =	vpush v27, $0xF;
	v29 =	vadd.f32 s6, v28;
	v30, _, _ =	vpop (xrf2)  }
0x586: {  	s0 =	sor.u32 $0x2280, s29;
	(v2sf) =	vpush v28, $0xF;
	[tilespmem:s11+$0xC000] =	vst v5;
	v31 =	vadd.f32 s28, v30;
	v32, _, _ =	vpop (xrf2)  }
0x587: {  	s9 =	sor.u32 $0x2380, s21;
	[tilespmem:s13+$0xC000] =	vst v29;
	v33 =	vld [tilespmem:s0+$0x4000];
	(v2sf) =	vpush v32, $0xF  }
0x588: {  	[tilespmem:s19+$0xC000] =	vst v31;
	v34 =	vld [tilespmem:s9+$0x4000];
	s19 =	sor.u32 $0x2300, s8;
	(v2sf) =	vpush v30, $0xF  }
0x589: {  	v35 =	vld [tilespmem:s19+$0x4000];
	_ =	sdelay $0x2  }
0x58a: {  	(xrf2) =	vadd.scan.msk.f32 $0xffff, v33  }
0x58b: {  	(xrf2) =	vadd.scan.msk.f32 $0xffff, v34  }
0x58c: {  	(xrf2) =	vadd.scan.msk.f32 $0xffff, v35;
	_ =	sdelay $0x1  }
0x58d: {  	s11 =	spop (v2sf)  }
0x58e: {  	s17 =	sadd.f32 s22, s18;
	s21 =	spop (v2sf)  }
0x58f: {  	s12 =	sadd.f32 s2, s7;
	s18 =	spop (v2sf)  }
0x590: {  	s13 =	sadd.f32 s24, s20;
	s24 =	spop (v2sf)  }
0x591: {  	s16 =	sadd.f32 s26, s16;
	v3 =	vadd.f32 s17, v55;
	s20 =	spop (v2sf)  }
0x592: {  	v37 =	vadd.f32 s12, v24;
	[smem:$0x7E3] =	sst s21;
	s21 =	spop (v2sf)  }
0x593: {  	v2 =	vadd.f32 s16, v23;
	[tilespmem:s1+$0xE1B0] =	vst v3;
	s22 =	sadd.f32 s24, s31;
	v38, _, _ =	vpop (xrf2);
	s24 =	spop (v2sf)  }
0x594: {  	v36 =	vadd.f32 s13, v59;
	[tilespmem:s1+$0xE130] =	vst v37;
	s6 =	sadd.f32 s21, s6;
	v39, _, _ =	vpop (xrf2);
	s31 =	spop (v2sf)  }
0x595: {  	s8 =	sadd.s32 $0x30, s8;
	[tilespmem:s1+$0xE0B0] =	vst v2;
	v40 =	vadd.f32 s22, v32;
	v41, _, _ =	vpop (xrf2);
	s7 =	sadd.f32 s31, s28  }
0x596: {  	s2 =	sor.u32 $0x2200, s8;
	[tilespmem:s1+$0xE030] =	vst v36;
	v42 =	vadd.f32 s6, v41  }
0x597: {  	s15 =	sor.u32 s15, s14;
	s26 =	sor.u32 $0x2280, s30;
	v43 =	vld [tilespmem:s2+$0x4000];
	[tilespmem:s10+$0xC000] =	vst v40;
	(v2sf) =	vpush v38, $0xF;
	v4 =	vadd.f32 s7, v38  }
0x598: {  	s1 =	sor.u32 $0x2380, s15;
	v44 =	vld [tilespmem:s26+$0x4000];
	[tilespmem:s19+$0xC000] =	vst v42  }
0x599: {  	v45 =	vld [tilespmem:s1+$0x4000];
	[tilespmem:s0+$0xC000] =	vst v4;
	s0 =	sor.u32 $0x2300, s29  }
0x59a: {  	v46 =	vld [tilespmem:s0+$0x4000];
	_ =	sdelay $0x1  }
0x59b: {  	(xrf2) =	vadd.scan.msk.f32 $0xffff, v43  }
0x59c: {  	(xrf2) =	vadd.scan.msk.f32 $0xffff, v44  }
0x59d: {  	(xrf2) =	vadd.scan.msk.f32 $0xffff, v45  }
0x59e: {  	(xrf2) =	vadd.scan.msk.f32 $0xffff, v46;
	_ =	sdelay $0x5  }
0x59f: {  	(v2sf) =	vpush v39, $0xF  }
0x5a0: {  	(v2sf) =	vpush v41, $0xF;
	v47, _, _ =	vpop (xrf2);
	s28 =	spop (v2sf)  }
0x5a1: {  	(v2sf) =	vpush v47, $0xF;
	v48, _, _ =	vpop (xrf2);
	s14 =	sadd.f32 s28, s7  }
0x5a2: {  	(v2sf) =	vpush v48, $0xF;
	v4, _, _ =	vpop (xrf2)  }
0x5a3: {  	s7 =	sadd.f32 s24, s22;
	v3 =	vadd.f32 s14, v48;
	(v2sf) =	vpush v4, $0xF;
	v49, _, _ =	vpop (xrf2)  }
0x5a4: {  	(v2sf) =	vpush v49, $0xF  }
0x5a5: {  	s15 =	sor.u32 $0x2300, s30;
	v2 =	vadd.f32 s7, v47;
	[tilespmem:s26+$0xC000] =	vst v3  }
0x5a6: {  	v3 =	vld [tilespmem:s15+$0x4000]  }
0x5a7: {  	s19 =	sor.u32 $0x2280, s8;
	[tilespmem:s2+$0xC000] =	vst v2  }
0x5a8: {  	v2 =	vld [tilespmem:s19+$0x4000];
	_ =	sdelay $0x2  }
0x5a9: {  	(xrf2) =	vadd.scan.msk.f32 $0xffff, v3;
	_ =	sdelay $0x1  }
0x5aa: {  	(xrf2) =	vadd.scan.msk.f32 $0xffff, v2  }
0x5ab: {  	s21 =	spop (v2sf)  }
0x5ac: {  	s31 =	spop (v2sf)  }
0x5ad: {  	s10 =	spop (v2sf)  }
0x5ae: {  	s2 =	spop (v2sf)  }
0x5af: {  	s6 =	sadd.f32 s31, s6;
	s22 =	spop (v2sf)  }
0x5b0: {  	s28 =	spop (v2sf)  }
0x5b1: {  	s26 =	sadd.f32 s28, s6  }
0x5b2: {  	v50, _, _ =	vpop (xrf2)  }
0x5b3: {  	s14 =	sadd.f32 s2, s14;
	v51 =	vadd.f32 s26, v50  }
0x5b4: {  	v6 =	vadd.f32 s6, v49;
	v52, _, _ =	vpop (xrf2)  }
0x5b5: {  	v53 =	vadd.f32 s14, v52;
	s6 =	sor.u32 $0x2380, s30;
	[tilespmem:s15+$0xC000] =	vst v51  }
0x5b6: {  	[tilespmem:s0+$0xC000] =	vst v6;
	s0 =	sor.u32 $0x2380, s29;
	(v2sf) =	vpush v50, $0xF;
	v54 =	vld [tilespmem:s6+$0x4000]  }
0x5b7: {  	s31 =	sor.u32 $0x2300, s8;
	v55 =	vld [tilespmem:s0+$0x4000];
	[tilespmem:s19+$0xC000] =	vst v53  }
0x5b8: {  	v56 =	vld [tilespmem:s31+$0x4000];
	_ =	sdelay $0x2  }
0x5b9: {  	(xrf2) =	vadd.scan.msk.f32 $0xffff, v54  }
0x5ba: {  	(xrf2) =	vadd.scan.msk.f32 $0xffff, v55  }
0x5bb: {  	(xrf2) =	vadd.scan.msk.f32 $0xffff, v56;
	_ =	sdelay $0x7  }
0x5bc: {  	s2 =	spop (v2sf);
	v2, _, _ =	vpop (xrf2)  }
0x5bd: {  	s19 =	sadd.f32 s2, s26;
	v3, _, _ =	vpop (xrf2)  }
0x5be: {  	v6, _, _ =	vpop (xrf2)  }
0x5bf: {  	v57 =	vadd.f32 s19, v6;
	_ =	sdelay $0x1  }
0x5c0: {  	s8 =	sor.u32 $0x2380, s8;
	[tilespmem:s31+$0xC000] =	vst v57  }
0x5c1: {  	v8 =	vld [tilespmem:s8+$0x4000];
	_ =	sdelay $0x2  }
0x5c2: {  	(v2sf) =	vpush v52, $0xF  }
0x5c3: {  	(v2sf) =	vpush v2, $0xF  }
0x5c4: {  	(v2sf) =	vpush v3, $0xF;
	(xrf2) =	vadd.scan.msk.f32 $0xffff, v8;
	_ =	sdelay $0x2  }
0x5c5: {  	s4 =	sadd.f32 s4, s23;
	_ =	sdelay $0x1  }
0x5c6: {  	s24 =	sadd.f32 s20, s4;
	_ =	sdelay $0x1  }
0x5c7: {  	s18 =	sadd.f32 s18, s24;
	_ =	sdelay $0x1  }
0x5c8: {  	v1 =	vadd.f32 s4, v27;
	s26 =	sadd.f32 s21, s18  }
0x5c9: {  	v0 =	vadd.f32 s24, v26;
	s24 =	rddreg [dreg:$0x1];
	(v2sf) =	vpush v6, $0xF;
	v58, _, _ =	vpop (xrf2)  }
0x5ca: {  	[tilespmem:s3+$0xC000] =	vst v1;
	v59 =	vadd.f32 s18, v39;
	s28 =	sadd.f32 s22, s26;
	(v2sf) =	vpush v58, $0xF  }
0x5cb: {  	s18 =	sld [smem:$0x7E1];
	[tilespmem:s5+$0xC000] =	vst v0  }
0x5cc: {  	s7 =	sadd.f32 s10, s7;
	s21 =	spop (v2sf);
	v60 =	vadd.f32 s26, v4;
	[tilespmem:s9+$0xC000] =	vst v59  }
0x5cd: {  	v61 =	vadd.f32 s28, v3;
	s5 =	rddreg [dreg:$0x8];
	s29 =	spop (v2sf)  }
0x5ce: {  	s9 =	sld [smem:$0x7E2];
	[tilespmem:s1+$0xC000] =	vst v60;
	s30 =	spop (v2sf)  }
0x5cf: {  	[tilespmem:s0+$0xC000] =	vst v61;
	s31 =	sadd.f32 s30, s28  }
0x5d0: {  	s26 =	sld [smem:$0x7E3]  }
0x5d1: {  	s15 =	sadd.f32 s18, s17;
	v62 =	vadd.f32 s31, v2  }
0x5d2: {  	s22 =	sshll.u32 s5, $0xB;
	s20 =	sadd.f32 s29, s31  }
0x5d3: {  	s3 =	simm.s32 $0x2000;
	s23 =	sand.u32 $0x800, s22;
	s9 =	sadd.f32 s9, s13;
	[tilespmem:s6+$0xC000] =	vst v62  }
0x5d4: {  	s4 =	simm.s32 $0x8000;
	s0 =	sadd.s32 s23, s24;
	v63 =	vadd.f32 s20, v58;
	s28 =	rddreg [dreg:$0xb]  }
0x5d5: {  	p0 =	seq.s32 s5, $0x1F;
	s13 =	sadd.f32 s11, s16;
	s0 =	sadd.s32 s28, s0  }
0x5d6: {  	s11 =	sadd.f32 s26, s12;
	s29 =	simm.s32 $0xC000;
	[tilespmem:s8+$0xC000] =	vst v63;
	s0 =	sadd.s32 $0x400, s0  }
0x5d7: {  	[hbm4b:s0+s3] =	stream.strided.scatter [tilespmem:s29], [sflag:$0x4], $0x4000, s4, s3, $0x38;
	[tilespmem:$0x10000] =	vst v63  }
.Ltmp9:
0x5d8: {  	s30 =	spop (v2sf);
	(pc) =	sbr.rel @p0 .LBB2_16-.Ltmp9, $4  }
0x5d9: {  	s1 =	sadd.f32 s30, s19;
	s31 =	spop (v2sf)  }
0x5da: {  	s0 =	sadd.f32 s31, s20  }
0x5db: {  	s6 =	sadd.f32 s21, s14  }
0x5dc: {  	[dreg:$0xc] =	wrdreg s0  }
0x5dd: {  	[dreg:$0x12] =	wrdreg s1  }
0x5de: {  	s0 =	rddreg [dreg:$0x9]  }
0x5df: {  	s2 =	rddreg [dreg:$0x4]  }
0x5e0: {  	s22 =	rddreg [dreg:$0x11]  }
0x5e1: {  	s20 =	sld [smem:$0x7F2]  }
0x5e2: {  	s31 =	simm.s32 $0x4000;
	s17 =	sld [smem:$0x7F0];
	s0 =	sadd.s32 $0x3, s0  }
.Ltmp10:
0x5e3: {  	s10 =	sld [smem:$0x7E8];
	s30 =	sshll.u32 s0, $0xB;
	(pc) =	sbr.rel .LBB2_2-.Ltmp10, $4  }
0x5e4: {  	s8 =	sld [smem:$0x7E5];
	s0 =	sshll.u32 s0, $0xA;
	s1 =	sand.u32 $0x3E000, s30  }
0x5e5: {  	s12 =	sld [smem:$0x7EE];
	s0 =	sand.u32 $0xC00, s0;
	s1 =	sadd.s32 s1, s2  }
0x5e6: {  	s5 =	sadd.s32 $0x1, s5;
	s14 =	sld [smem:$0x7EB];
	s0 =	sadd.s32 s0, s1  }
0x5e7: {  	[tilespmem:s31], [sflag:$0x2] =	stream.strided.gather [hbm4b:s0+s3], $0x4000, s4, s3, $0x38;
	[tilespmem:$0x10000] =	vst v63  }
.LBB2_17:
0x5e8: {  	_ =	sfence.sel $0x180000  }
0x5e9: {  	[bflag:$0x0] =	sbarrier.arrive $0xFFFF  }
0x5ea: {  	_ =	strace $0x90000047  }
0x5eb: {  	s0 =	stileid.u32;
	[bflag:$0x2] =	sbarrier.arrive $0xFFFF  }
0x5ec: {  	p0 =	sne.s32 s0, $0x0;
	s0 =	rddreg [dreg:$0x2]  }
0x5ed: {  	s0 =	sadd.s32 @!p0 $0x100000, s0  }
0x5ee: {  	[sflag:s0] =	ssyncadd.tile.s32 @!p0 $0x1;
	_ =	shalt  }
.Lfunc_end2:
_tile_overlayer_lowered:
.L_overlay_start_2:
0x5ef: {  	(tag) =	ssettag $0x2  }
0x5f0: {  	s0 =	rddreg [dreg:$0x0];
	s2 =	stileid.u32  }
0x5f1: {  	s1 =	rddreg [dreg:$0x1];
	p0 =	sne.s32 s2, $0x0  }
0x5f2: {  	s3 =	rddreg [dreg:$0x2];
	[bflag:$0x3] =	sbarrier.arrive $0xFFFF;
	s2 =	simm.s32 @!p0 $0x1C05  }
0x5f3: {  	[timem:s3], [sflag:s2] =	dma.local @!p0 [hbm:s0], s1  }
0x5f4: {  	s0 =	simm.s32 @!p0 $0x5  }
0x5f5: {  	_ =	swait.ge @!p0 [sflag:s0], s1  }
0x5f6: {  	s1 =	ssub.s32 @!p0 $0x0, s1;
	[sflag:s0] =	ssyncset.done @!p0 $0x0  }
0x5f7: {  	[sflag:s0] =	ssyncadd.s32 @!p0 s1  }
0x5f8: {  	[bflag:$0x3] =	sbarrier.arrive $0xFFFF  }
0x5f9: {  	_ =	shalt  }

</sc_bundles>
